<compile_context>
chip_gen: v7x
topology: tpu7x:2x2x1
jax: 0.10.2.dev20260603
libtpu: 0.0.44.dev20260713+nightly
codegen_flags: <defaults>
</compile_context>

<pallas_src>
import functools

import jax
import jax.numpy as jnp
from jax import lax
from jax.experimental import pallas as pl
from jax.experimental.pallas import tpu as pltpu
from jax.experimental.pallas import tpu_sc as plsc

N = 50000
E = 800000
HID = 64
EMB = 16
B = 32
T_BUCKETS = 64
C_BUCKETS = 2048

NC = 2
NS = 16
NW = NC * NS

N_PAD = 50176
NPW = N_PAD // NW
NPT = N_PAD // NS
EC = 112
ECE = 416
NCHE = 124
EPT = ECE * NCHE
E_PAD = EPT * NS
EPW = E_PAD // NW
R = 512
GRID = N_PAD // R


def _mesh():
    return plsc.VectorSubcoreMesh(core_axis_name="c", subcore_axis_name="s")


_SC_PARAMS = pltpu.CompilerParams(use_tc_tiling_on_sc=False)



@functools.partial(
    pl.kernel,
    out_type=[jax.ShapeDtypeStruct((N_PAD, EMB), jnp.float32)] * 4,
    mesh=_mesh(),
    compiler_params=_SC_PARAMS,
    scratch_types=(
        [pltpu.VMEM((EC,), jnp.int32)] * 4
        + [pltpu.VMEM((EC, EMB), jnp.float32)] * 4
        + [pltpu.SemaphoreType.DMA] * 4
    ),
)
def _emb_kernel(ti, ci, di, xi, te, ce, de, xe, ot, oc, od, ox,
                i0, i1, i2, i3, r0, r1, r2, r3, m0, m1, m2, m3):
    wid = lax.axis_index("c") * NS + lax.axis_index("s")
    base = wid * NPW
    lanes = ((ti, te, ot, i0, r0, m0), (ci, ce, oc, i1, r1, m1),
             (di, de, od, i2, r2, m2), (xi, xe, ox, i3, r3, m3))

    def chunk(j, carry):
        off = base + j * EC
        for iref, tab, out, iv, rv, sem in lanes:
            pltpu.sync_copy(iref.at[pl.ds(off, EC)], iv)
            pltpu.async_copy(tab.at[iv], rv, sem)
        for iref, tab, out, iv, rv, sem in lanes:
            pltpu.make_async_copy(tab.at[iv], rv, sem).wait()
            pltpu.sync_copy(rv, out.at[pl.ds(off, EC)])
        return carry

    lax.fori_loop(0, NPW // EC, chunk, 0)



@functools.partial(
    pl.kernel,
    out_type=[jax.ShapeDtypeStruct((N_PAD, EMB), jnp.float32)] * 2,
    mesh=_mesh(),
    compiler_params=_SC_PARAMS,
    scratch_types=[
        pltpu.VMEM((ECE,), jnp.int32),
        pltpu.VMEM((ECE, EMB), jnp.float32),
        pltpu.VMEM_SHARED((N_PAD, EMB), jnp.float32),
    ],
)
def _deg_kernel(dst, ones_h, zeros_h, dega, degb, idx_v, ones_v, acc):
    c = lax.axis_index("c")
    s = lax.axis_index("s")
    pltpu.sync_copy(zeros_h, acc.at[pl.ds(s * NPT, NPT)])
    pltpu.sync_copy(ones_h, ones_v)
    plsc.subcore_barrier()
    ebase = (c * NS + s) * EPW

    def chunk(j, carry):
        off = ebase + j * ECE
        pltpu.sync_copy(dst.at[pl.ds(off, ECE)], idx_v)
        pltpu.sync_copy(ones_v, acc.at[idx_v], add=True)
        return carry

    lax.fori_loop(0, EPW // ECE, chunk, 0)
    plsc.subcore_barrier()
    nb = s * NPT

    @pl.when(c == 0)
    def _():
        pltpu.sync_copy(acc.at[pl.ds(nb, NPT)], dega.at[pl.ds(nb, NPT)])

    @pl.when(c == 1)
    def _():
        pltpu.sync_copy(acc.at[pl.ds(nb, NPT)], degb.at[pl.ds(nb, NPT)])



@functools.partial(
    pl.kernel,
    out_type=[jax.ShapeDtypeStruct((N_PAD, 32), jnp.float32)] * 2,
    mesh=_mesh(),
    compiler_params=_SC_PARAMS,
    scratch_types=(
        [pltpu.VMEM((ECE,), jnp.int32)] * 4
        + [pltpu.VMEM((ECE, 32), jnp.float32)] * 2
        + [pltpu.VMEM_SHARED((N_PAD, 32), jnp.float32)]
        + [pltpu.SemaphoreType.DMA] * 2
    ),
)
def _agg_kernel(glo, ghi, src, dst, zeros_h, mlo, mhi,
                s0, s1, d0, d1, r0, r1, acc, semA, semB):
    c = lax.axis_index("c")
    s = lax.axis_index("s")
    pltpu.sync_copy(zeros_h, acc.at[pl.ds(s * NPT, NPT)])
    plsc.subcore_barrier()
    ebase = s * EPT

    def run(g):
        bufs = ((s0, d0, r0, semA), (s1, d1, r1, semB))

        def fire(bi, j):
            sv, dv, rv, sem = bufs[bi]
            off = ebase + j * ECE
            pltpu.sync_copy(src.at[pl.ds(off, ECE)], sv)
            pltpu.sync_copy(dst.at[pl.ds(off, ECE)], dv)
            pltpu.async_copy(g.at[sv], rv, sem)

        def drain_scatter(bi):
            sv, dv, rv, sem = bufs[bi]
            pltpu.make_async_copy(g.at[sv], rv, sem).wait()
            pltpu.sync_copy(rv, acc.at[dv], add=True)

        fire(0, 0)

        def body(jj, carry):
            j0 = jj * 2
            for b in (0, 1):
                nxt = j0 + b + 1

                @pl.when(nxt < NCHE)
                def _():
                    fire((b + 1) % 2, nxt)

                drain_scatter(b)
            return carry

        lax.fori_loop(0, NCHE // 2, body, 0)

    @pl.when(c == 0)
    def _():
        run(glo)

    @pl.when(c == 1)
    def _():
        run(ghi)

    plsc.subcore_barrier()
    nb = s * NPT

    @pl.when(c == 0)
    def _():
        pltpu.sync_copy(acc.at[pl.ds(nb, NPT)], mlo.at[pl.ds(nb, NPT)])

    @pl.when(c == 1)
    def _():
        pltpu.sync_copy(acc.at[pl.ds(nb, NPT)], mhi.at[pl.ds(nb, NPT)])



def _scale0_body(da, db, xt, xc, xd, xx, dv_o, glo_o, ghi_o):
    dv16 = lax.rsqrt(da[...] + db[...] + 1.0)
    dv_o[...] = dv16
    dv1 = dv16[:, 0:1]
    glo_o[...] = jnp.concatenate([xt[...], xc[...]], axis=1) * dv1
    ghi_o[...] = jnp.concatenate([xd[...], xx[...]], axis=1) * dv1


_scale0 = pl.pallas_call(
    _scale0_body,
    grid=(GRID,),
    in_specs=[pl.BlockSpec((R, EMB), lambda i: (i, 0))] * 6,
    out_specs=[
        pl.BlockSpec((R, EMB), lambda i: (i, 0)),
        pl.BlockSpec((R, 32), lambda i: (i, 0)),
        pl.BlockSpec((R, 32), lambda i: (i, 0)),
    ],
    out_shape=[
        jax.ShapeDtypeStruct((N_PAD, EMB), jnp.float32),
        jax.ShapeDtypeStruct((N_PAD, 32), jnp.float32),
        jax.ShapeDtypeStruct((N_PAD, 32), jnp.float32),
    ],
)



def _layer1_body(mlo, mhi, glo, ghi, dv, W, b, olo, ohi):
    m = jnp.concatenate([mlo[...], mhi[...]], axis=1) + jnp.concatenate(
        [glo[...], ghi[...]], axis=1)
    dv1 = dv[...][:, 0:1]
    agg = m * dv1
    h = jnp.maximum(jnp.dot(agg, W[...], preferred_element_type=jnp.float32) + b[...], 0.0)
    g = h * dv1
    olo[...] = g[:, :32]
    ohi[...] = g[:, 32:]


_layer1 = pl.pallas_call(
    _layer1_body,
    grid=(GRID,),
    in_specs=[
        pl.BlockSpec((R, 32), lambda i: (i, 0)),
        pl.BlockSpec((R, 32), lambda i: (i, 0)),
        pl.BlockSpec((R, 32), lambda i: (i, 0)),
        pl.BlockSpec((R, 32), lambda i: (i, 0)),
        pl.BlockSpec((R, EMB), lambda i: (i, 0)),
        pl.BlockSpec((HID, HID), lambda i: (0, 0)),
        pl.BlockSpec((1, HID), lambda i: (0, 0)),
    ],
    out_specs=[
        pl.BlockSpec((R, 32), lambda i: (i, 0)),
        pl.BlockSpec((R, 32), lambda i: (i, 0)),
    ],
    out_shape=[
        jax.ShapeDtypeStruct((N_PAD, 32), jnp.float32),
        jax.ShapeDtypeStruct((N_PAD, 32), jnp.float32),
    ],
)



def _layer2_body(mlo, mhi, glo, ghi, dv, W, b, bat, P, pb, pooled, counts, out):
    i = pl.program_id(0)
    m = jnp.concatenate([mlo[...], mhi[...]], axis=1) + jnp.concatenate(
        [glo[...], ghi[...]], axis=1)
    dv1 = dv[...][:, 0:1]
    agg = m * dv1
    h = jnp.maximum(jnp.dot(agg, W[...], preferred_element_type=jnp.float32) + b[...], 0.0)
    brow = bat[...].reshape(1, R)
    oh = (lax.broadcasted_iota(jnp.int32, (B, R), 0) == brow).astype(jnp.float32)
    p = jnp.dot(oh, h, preferred_element_type=jnp.float32)
    cnt = jnp.dot(oh, jnp.ones((R, HID), jnp.float32), preferred_element_type=jnp.float32)

    @pl.when(i == 0)
    def _():
        pooled[...] = jnp.zeros_like(pooled)
        counts[...] = jnp.zeros_like(counts)

    pooled[...] += p
    counts[...] += cnt

    @pl.when(i == GRID - 1)
    def _():
        mean = pooled[...] / jnp.maximum(counts[...], 1.0)
        out[...] = jnp.dot(mean, P[...], preferred_element_type=jnp.float32) + pb[...]


_layer2 = pl.pallas_call(
    _layer2_body,
    grid=(GRID,),
    in_specs=[
        pl.BlockSpec((R, 32), lambda i: (i, 0)),
        pl.BlockSpec((R, 32), lambda i: (i, 0)),
        pl.BlockSpec((R, 32), lambda i: (i, 0)),
        pl.BlockSpec((R, 32), lambda i: (i, 0)),
        pl.BlockSpec((R, EMB), lambda i: (i, 0)),
        pl.BlockSpec((HID, HID), lambda i: (0, 0)),
        pl.BlockSpec((1, HID), lambda i: (0, 0)),
        pl.BlockSpec((1, 1, R), lambda i: (i, 0, 0)),
        pl.BlockSpec((HID, HID), lambda i: (0, 0)),
        pl.BlockSpec((1, HID), lambda i: (0, 0)),
    ],
    out_specs=[
        pl.BlockSpec((B, HID), lambda i: (0, 0)),
        pl.BlockSpec((B, HID), lambda i: (0, 0)),
        pl.BlockSpec((B, HID), lambda i: (0, 0)),
    ],
    out_shape=[
        jax.ShapeDtypeStruct((B, HID), jnp.float32),
        jax.ShapeDtypeStruct((B, HID), jnp.float32),
        jax.ShapeDtypeStruct((B, HID), jnp.float32),
    ],
)


def kernel(node_feats_raw, edge_index, batch_index, t_emb, c_emb, d_emb, x_emb,
           gcn_W1, gcn_b1, gcn_W2, gcn_b2, proj_W, proj_b):
    f = node_feats_raw
    t = jnp.maximum(f[:, 0] % T_BUCKETS, 0)
    c = jnp.maximum(f[:, 1] % C_BUCKETS, 0)
    dd = jnp.clip(f[:, 2], 0, 255)
    xx = jnp.clip(f[:, 3], 0, 7)

    def pad_n(a):
        return jnp.pad(a, (0, N_PAD - N))

    ti, ci, di, xi = pad_n(t), pad_n(c), pad_n(dd), pad_n(xx)
    src = jnp.pad(edge_index[0], (0, E_PAD - E), constant_values=N_PAD - 1)
    dst = jnp.pad(edge_index[1], (0, E_PAD - E), constant_values=N_PAD - 1)
    ones16 = jnp.ones((ECE, EMB), jnp.float32)
    zeros16 = jnp.zeros((NPT, EMB), jnp.float32)
    zeros32 = jnp.zeros((NPT, 32), jnp.float32)

    xt, xc, xd, xxe = _emb_kernel(ti, ci, di, xi, t_emb, c_emb, d_emb, x_emb)
    dega, degb = _deg_kernel(dst, ones16, zeros16)
    dv16, g0lo, g0hi = _scale0(dega, degb, xt, xc, xd, xxe)
    m1lo, m1hi = _agg_kernel(g0lo, g0hi, src, dst, zeros32)
    g1lo, g1hi = _layer1(m1lo, m1hi, g0lo, g0hi, dv16, gcn_W1,
                         gcn_b1.reshape(1, HID))
    m2lo, m2hi = _agg_kernel(g1lo, g1hi, src, dst, zeros32)
    bat = jnp.pad(batch_index, (0, N_PAD - N), constant_values=B).reshape(GRID, 1, R)
    pooled, counts, out = _layer2(m2lo, m2hi, g1lo, g1hi, dv16, gcn_W2,
                                  gcn_b2.reshape(1, HID), bat, proj_W,
                                  proj_b.reshape(1, HID))
    return out

# --- scband reference (transcript-rebuilt; emitter-appended) ---
"""Pipeline reference for scband-dom-encoder-3582002725185 (READ-ONLY COPY).

The authoritative reference and input builder live on the scoring server;
editing this copy changes nothing except your own understanding.
"""

import jax, jax.numpy as jnp
import numpy as np

N_NODES = 50000
N_EDGES = 800000
HIDDEN = 64
OUT_DIM = 64
EMB_DIM = HIDDEN // 4  # 4 concatenated embeddings -> hidden
T_BUCKETS = 64
C_BUCKETS = 2048
N_GRAPHS = 32


def setup_inputs(seed: int = 0) -> dict:
    key = jax.random.key(seed)
    ks = jax.random.split(key, 14)
    node_feats_raw = jax.random.randint(ks[0], (N_NODES, 4), 0, 256, dtype=jnp.int32)
    edge_index = jax.random.randint(ks[1], (2, N_EDGES), 0, N_NODES, dtype=jnp.int32)
    batch_index = jnp.sort(jax.random.randint(ks[2], (N_NODES,), 0, N_GRAPHS, dtype=jnp.int32))
    s = 0.1
    t_emb = jax.random.normal(ks[3], (T_BUCKETS, EMB_DIM), dtype=jnp.float32) * s
    c_emb = jax.random.normal(ks[4], (C_BUCKETS, EMB_DIM), dtype=jnp.float32) * s
    d_emb = jax.random.normal(ks[5], (256, EMB_DIM), dtype=jnp.float32) * s
    x_emb = jax.random.normal(ks[6], (8, EMB_DIM), dtype=jnp.float32) * s
    gcn_W1 = jax.random.normal(ks[7], (HIDDEN, HIDDEN), dtype=jnp.float32) * (1.0 / np.sqrt(HIDDEN))
    gcn_b1 = jnp.zeros((HIDDEN,), dtype=jnp.float32)
    gcn_W2 = jax.random.normal(ks[8], (HIDDEN, HIDDEN), dtype=jnp.float32) * (1.0 / np.sqrt(HIDDEN))
    gcn_b2 = jnp.zeros((HIDDEN,), dtype=jnp.float32)
    proj_W = jax.random.normal(ks[9], (HIDDEN, OUT_DIM), dtype=jnp.float32) * (1.0 / np.sqrt(HIDDEN))
    proj_b = jnp.zeros((OUT_DIM,), dtype=jnp.float32)
    return {
        'node_feats_raw': node_feats_raw,
        'edge_index': edge_index,
        'batch_index': batch_index,
        't_emb': t_emb, 'c_emb': c_emb, 'd_emb': d_emb, 'x_emb': x_emb,
        'gcn_W1': gcn_W1, 'gcn_b1': gcn_b1,
        'gcn_W2': gcn_W2, 'gcn_b2': gcn_b2,
        'proj_W': proj_W, 'proj_b': proj_b,
    }


def _gcn_layer(h, src, dst, W, b, n):
    # GCNConv-style symmetric-normalized aggregation with self loops
    loop = jnp.arange(n, dtype=src.dtype)
    s = jnp.concatenate([src, loop])
    d = jnp.concatenate([dst, loop])
    deg = jax.ops.segment_sum(jnp.ones_like(s, dtype=h.dtype), d, num_segments=n)
    dinv = jnp.where(deg > 0, jax.lax.rsqrt(jnp.maximum(deg, 1e-12)), 0.0)
    norm = dinv[s] * dinv[d]
    agg = jax.ops.segment_sum(h[s] * norm[:, None], d, num_segments=n)
    return jax.nn.relu(agg @ W + b)


def reference(node_feats_raw, edge_index, batch_index, t_emb, c_emb, d_emb, x_emb,
              gcn_W1, gcn_b1, gcn_W2, gcn_b2, proj_W, proj_b):
    t = jnp.maximum(node_feats_raw[:, 0] % T_BUCKETS, 0)
    c = jnp.maximum(node_feats_raw[:, 1] % C_BUCKETS, 0)
    dd = jnp.clip(node_feats_raw[:, 2], 0, 255)
    xx = jnp.clip(node_feats_raw[:, 3], 0, 7)
    x0 = jnp.concatenate([t_emb[t], c_emb[c], d_emb[dd], x_emb[xx]], axis=-1)
    n = x0.shape[0]
    src, dst = edge_index[0], edge_index[1]
    h = _gcn_layer(x0, src, dst, gcn_W1, gcn_b1, n)
    h = _gcn_layer(h, src, dst, gcn_W2, gcn_b2, n)
    h = h @ proj_W + proj_b
    B = N_GRAPHS
    out = jax.ops.segment_sum(h, batch_index, num_segments=B)
    counts = jnp.clip(jnp.bincount(batch_index, length=B), 1).astype(h.dtype)[:, None]
    return out / counts

if __name__ == "__main__":
    import jax
    _d = setup_inputs()
    print(jax.jit(kernel)(*tuple(_d.values())))

</pallas_src>

<mosaic_0001>
#map = affine_map<(d0, d1) -> (0, 0)>
#map1 = affine_map<(d0, d1) -> (0)>
module attributes {stable_mosaic.version = 14 : i64} {
  func.func @_agg_kernel(%arg0: i32, %arg1: i32, %arg2: memref<50176x32xf32, #tpu.memory_space<hbm>>, %arg3: memref<50176x32xf32, #tpu.memory_space<hbm>>, %arg4: memref<825344xi32, #tpu.memory_space<hbm>>, %arg5: memref<825344xi32, #tpu.memory_space<hbm>>, %arg6: memref<3136x32xf32, #tpu.memory_space<hbm>>, %arg7: memref<50176x32xf32, #tpu.memory_space<hbm>>, %arg8: memref<50176x32xf32, #tpu.memory_space<hbm>>, %arg9: memref<416xi32, #tpu.memory_space<vmem>>, %arg10: memref<416xi32, #tpu.memory_space<vmem>>, %arg11: memref<416xi32, #tpu.memory_space<vmem>>, %arg12: memref<416xi32, #tpu.memory_space<vmem>>, %arg13: memref<416x32xf32, #tpu.memory_space<vmem>>, %arg14: memref<416x32xf32, #tpu.memory_space<vmem>>, %arg15: memref<50176x32xf32, #tpu.memory_space<vmem_shared>>, %arg16: memref<!tpu.dma_semaphore, #tpu.memory_space<semaphore_mem>>, %arg17: memref<!tpu.dma_semaphore, #tpu.memory_space<semaphore_mem>>) attributes {dimension_semantics = [#tpu.dimension_semantics<core_parallel>, #tpu.dimension_semantics<subcore_parallel>], iteration_bounds = array<i64: 2, 16>, scalar_prefetch = 0 : i64, scratch_operands = 9 : i64, tpu.core_type = #tpu.core_type<sc_vector_subcore>, window_params = [{transform_indices = #map}, {transform_indices = #map}, {transform_indices = #map1}, {transform_indices = #map1}, {transform_indices = #map}, {transform_indices = #map}, {transform_indices = #map}]} {
    %mul3A = arith.constant 3136 : i32
    %mul3A_0 = arith.muli %arg1, %mul3A : i32
    "tpu.region"() ({
      %run_scoped3A = tpu.sem_alloc : memref<!tpu.dma_semaphore, #tpu.memory_space<semaphore_mem>>
      %dma_start3A = arith.constant 0 : i32
      %dma_start3A_23 = tpu.memref_slice %arg15[%mul3A_0, %dma_start3A] : memref<50176x32xf32, #tpu.memory_space<vmem_shared>> -> memref<3136x32xf32, #tpu.memory_space<vmem_shared>>
      tpu.enqueue_dma source(%arg6 : memref<3136x32xf32, #tpu.memory_space<hbm>>) target(%dma_start3A_23 : memref<3136x32xf32, #tpu.memory_space<vmem_shared>>) target_semaphore(%run_scoped3A : memref<!tpu.dma_semaphore, #tpu.memory_space<semaphore_mem>>)
      %dma_wait3A = arith.constant 0 : i32
      %dma_wait3A_24 = tpu.memref_slice %arg15[%mul3A_0, %dma_wait3A] : memref<50176x32xf32, #tpu.memory_space<vmem_shared>> -> memref<3136x32xf32, #tpu.memory_space<vmem_shared>>
      tpu.wait_dma2 semaphore(%run_scoped3A : memref<!tpu.dma_semaphore, #tpu.memory_space<semaphore_mem>>) src(%arg6 : memref<3136x32xf32, #tpu.memory_space<hbm>>) dst(%dma_wait3A_24 : memref<3136x32xf32, #tpu.memory_space<vmem_shared>>)
      tpu.yield
    }) : () -> ()
    %barrier3A = arith.constant 0 : index
    tpu.barrier barrier_id(%barrier3A)
    %mul3A_1 = arith.constant 51584 : i32
    %mul3A_2 = arith.muli %arg1, %mul3A_1 : i32
    %eq3A = arith.constant 0 : i32
    %eq3A_3 = arith.cmpi eq, %arg0, %eq3A : i32
    %convert_element_type3A = arith.extui %eq3A_3 : i1 to i32
    %cond3A = arith.constant 0 : i32
    %cond3A_4 = arith.cmpi ne, %convert_element_type3A, %cond3A : i32
    scf.if %cond3A_4 {
      %add3A = arith.constant 0 : i32
      %add3A_23 = arith.addi %mul3A_2, %add3A : i32
      "tpu.region"() ({
        %run_scoped3A = tpu.sem_alloc : memref<!tpu.dma_semaphore, #tpu.memory_space<semaphore_mem>>
        %dma_start3A_31 = tpu.memref_slice %arg4[%add3A_23] : memref<825344xi32, #tpu.memory_space<hbm>> -> memref<416xi32, #tpu.memory_space<hbm>>
        %dma_start3A_32 = tpu.memref_slice %arg4[%add3A_23] : memref<825344xi32, #tpu.memory_space<hbm>> -> memref<416xi32, #tpu.memory_space<hbm>>
        tpu.enqueue_dma source(%dma_start3A_32 : memref<416xi32, #tpu.memory_space<hbm>>) target(%arg9 : memref<416xi32, #tpu.memory_space<vmem>>) target_semaphore(%run_scoped3A : memref<!tpu.dma_semaphore, #tpu.memory_space<semaphore_mem>>)
        %dma_wait3A = tpu.memref_slice %arg4[%add3A_23] : memref<825344xi32, #tpu.memory_space<hbm>> -> memref<416xi32, #tpu.memory_space<hbm>>
        %dma_wait3A_33 = tpu.memref_slice %arg4[%add3A_23] : memref<825344xi32, #tpu.memory_space<hbm>> -> memref<416xi32, #tpu.memory_space<hbm>>
        tpu.wait_dma2 semaphore(%run_scoped3A : memref<!tpu.dma_semaphore, #tpu.memory_space<semaphore_mem>>) src(%dma_wait3A_33 : memref<416xi32, #tpu.memory_space<hbm>>) dst(%arg9 : memref<416xi32, #tpu.memory_space<vmem>>)
        tpu.yield
      }) : () -> ()
      "tpu.region"() ({
        %run_scoped3A = tpu.sem_alloc : memref<!tpu.dma_semaphore, #tpu.memory_space<semaphore_mem>>
        %dma_start3A_31 = tpu.memref_slice %arg5[%add3A_23] : memref<825344xi32, #tpu.memory_space<hbm>> -> memref<416xi32, #tpu.memory_space<hbm>>
        %dma_start3A_32 = tpu.memref_slice %arg5[%add3A_23] : memref<825344xi32, #tpu.memory_space<hbm>> -> memref<416xi32, #tpu.memory_space<hbm>>
        tpu.enqueue_dma source(%dma_start3A_32 : memref<416xi32, #tpu.memory_space<hbm>>) target(%arg11 : memref<416xi32, #tpu.memory_space<vmem>>) target_semaphore(%run_scoped3A : memref<!tpu.dma_semaphore, #tpu.memory_space<semaphore_mem>>)
        %dma_wait3A = tpu.memref_slice %arg5[%add3A_23] : memref<825344xi32, #tpu.memory_space<hbm>> -> memref<416xi32, #tpu.memory_space<hbm>>
        %dma_wait3A_33 = tpu.memref_slice %arg5[%add3A_23] : memref<825344xi32, #tpu.memory_space<hbm>> -> memref<416xi32, #tpu.memory_space<hbm>>
        tpu.wait_dma2 semaphore(%run_scoped3A : memref<!tpu.dma_semaphore, #tpu.memory_space<semaphore_mem>>) src(%dma_wait3A_33 : memref<416xi32, #tpu.memory_space<hbm>>) dst(%arg11 : memref<416xi32, #tpu.memory_space<vmem>>)
        tpu.yield
      }) : () -> ()
      %dma_start3A = arith.constant 0 : i32
      %dma_start3A_24 = arith.constant 0 : i32
      %dma_start3A_25 = tpu.memref_slice %arg2[%dma_start3A, %dma_start3A_24] : memref<50176x32xf32, #tpu.memory_space<hbm>> -> memref<50176x32xf32, #tpu.memory_space<hbm>>
      tpu.enqueue_indirect_dma source(%dma_start3A_25 : memref<50176x32xf32, #tpu.memory_space<hbm>>) target(%arg13 : memref<416x32xf32, #tpu.memory_space<vmem>>) offsets(%arg9 : memref<416xi32, #tpu.memory_space<vmem>>) semaphore(%arg16 : memref<!tpu.dma_semaphore, #tpu.memory_space<semaphore_mem>>)
      %scan3A = arith.constant 0 : i32
      %scan3A_26 = arith.constant 0 : i32
      %scan3A_27 = arith.constant 62 : i32
      %scan3A_28 = arith.addi %scan3A_26, %scan3A_27 : i32
      %scan3A_29 = arith.constant 1 : i32
      scf.for %scan3A_31 = %scan3A_26 to %scan3A_28 step %scan3A_29  : i32 {
        %mul3A_32 = arith.constant 2 : i32
        %mul3A_33 = arith.muli %scan3A_31, %mul3A_32 : i32
        %add3A_34 = arith.constant 0 : i32
        %add3A_35 = arith.addi %mul3A_33, %add3A_34 : i32
        %add3A_36 = arith.constant 1 : i32
        %add3A_37 = arith.addi %add3A_35, %add3A_36 : i32
        %lt3A = arith.constant 124 : i32
        %lt3A_38 = arith.cmpi slt, %add3A_37, %lt3A : i32
        %convert_element_type3A_39 = arith.extui %lt3A_38 : i1 to i32
        %cond3A_40 = arith.constant 0 : i32
        %cond3A_41 = arith.cmpi ne, %convert_element_type3A_39, %cond3A_40 : i32
        scf.if %cond3A_41 {
          %mul3A_56 = arith.constant 416 : i32
          %mul3A_57 = arith.muli %add3A_37, %mul3A_56 : i32
          %add3A_58 = arith.addi %mul3A_2, %mul3A_57 : i32
          "tpu.region"() ({
            %run_scoped3A = tpu.sem_alloc : memref<!tpu.dma_semaphore, #tpu.memory_space<semaphore_mem>>
            %dma_start3A_62 = tpu.memref_slice %arg4[%add3A_58] : memref<825344xi32, #tpu.memory_space<hbm>> -> memref<416xi32, #tpu.memory_space<hbm>>
            %dma_start3A_63 = tpu.memref_slice %arg4[%add3A_58] : memref<825344xi32, #tpu.memory_space<hbm>> -> memref<416xi32, #tpu.memory_space<hbm>>
            tpu.enqueue_dma source(%dma_start3A_63 : memref<416xi32, #tpu.memory_space<hbm>>) target(%arg10 : memref<416xi32, #tpu.memory_space<vmem>>) target_semaphore(%run_scoped3A : memref<!tpu.dma_semaphore, #tpu.memory_space<semaphore_mem>>)
            %dma_wait3A_64 = tpu.memref_slice %arg4[%add3A_58] : memref<825344xi32, #tpu.memory_space<hbm>> -> memref<416xi32, #tpu.memory_space<hbm>>
            %dma_wait3A_65 = tpu.memref_slice %arg4[%add3A_58] : memref<825344xi32, #tpu.memory_space<hbm>> -> memref<416xi32, #tpu.memory_space<hbm>>
            tpu.wait_dma2 semaphore(%run_scoped3A : memref<!tpu.dma_semaphore, #tpu.memory_space<semaphore_mem>>) src(%dma_wait3A_65 : memref<416xi32, #tpu.memory_space<hbm>>) dst(%arg10 : memref<416xi32, #tpu.memory_space<vmem>>)
            tpu.yield
          }) : () -> ()
          "tpu.region"() ({
            %run_scoped3A = tpu.sem_alloc : memref<!tpu.dma_semaphore, #tpu.memory_space<semaphore_mem>>
            %dma_start3A_62 = tpu.memref_slice %arg5[%add3A_58] : memref<825344xi32, #tpu.memory_space<hbm>> -> memref<416xi32, #tpu.memory_space<hbm>>
            %dma_start3A_63 = tpu.memref_slice %arg5[%add3A_58] : memref<825344xi32, #tpu.memory_space<hbm>> -> memref<416xi32, #tpu.memory_space<hbm>>
            tpu.enqueue_dma source(%dma_start3A_63 : memref<416xi32, #tpu.memory_space<hbm>>) target(%arg12 : memref<416xi32, #tpu.memory_space<vmem>>) target_semaphore(%run_scoped3A : memref<!tpu.dma_semaphore, #tpu.memory_space<semaphore_mem>>)
            %dma_wait3A_64 = tpu.memref_slice %arg5[%add3A_58] : memref<825344xi32, #tpu.memory_space<hbm>> -> memref<416xi32, #tpu.memory_space<hbm>>
            %dma_wait3A_65 = tpu.memref_slice %arg5[%add3A_58] : memref<825344xi32, #tpu.memory_space<hbm>> -> memref<416xi32, #tpu.memory_space<hbm>>
            tpu.wait_dma2 semaphore(%run_scoped3A : memref<!tpu.dma_semaphore, #tpu.memory_space<semaphore_mem>>) src(%dma_wait3A_65 : memref<416xi32, #tpu.memory_space<hbm>>) dst(%arg12 : memref<416xi32, #tpu.memory_space<vmem>>)
            tpu.yield
          }) : () -> ()
          %dma_start3A_59 = arith.constant 0 : i32
          %dma_start3A_60 = arith.constant 0 : i32
          %dma_start3A_61 = tpu.memref_slice %arg2[%dma_start3A_59, %dma_start3A_60] : memref<50176x32xf32, #tpu.memory_space<hbm>> -> memref<50176x32xf32, #tpu.memory_space<hbm>>
          tpu.enqueue_indirect_dma source(%dma_start3A_61 : memref<50176x32xf32, #tpu.memory_space<hbm>>) target(%arg14 : memref<416x32xf32, #tpu.memory_space<vmem>>) offsets(%arg10 : memref<416xi32, #tpu.memory_space<vmem>>) semaphore(%arg17 : memref<!tpu.dma_semaphore, #tpu.memory_space<semaphore_mem>>)
        } else {
        }
        %dma_wait3A = arith.constant 0 : i32
        %dma_wait3A_42 = arith.constant 0 : i32
        %dma_wait3A_43 = tpu.memref_slice %arg2[%dma_wait3A, %dma_wait3A_42] : memref<50176x32xf32, #tpu.memory_space<hbm>> -> memref<50176x32xf32, #tpu.memory_space<hbm>>
        tpu.wait_indirect_dma semaphore(%arg16 : memref<!tpu.dma_semaphore, #tpu.memory_space<semaphore_mem>>) src(%dma_wait3A_43 : memref<50176x32xf32, #tpu.memory_space<hbm>>) dst(%arg13 : memref<416x32xf32, #tpu.memory_space<vmem>>)
        "tpu.region"() ({
          %run_scoped3A = tpu.sem_alloc : memref<!tpu.dma_semaphore, #tpu.memory_space<semaphore_mem>>
          %dma_start3A_56 = arith.constant 0 : i32
          %dma_start3A_57 = arith.constant 0 : i32
          %dma_start3A_58 = tpu.memref_slice %arg15[%dma_start3A_56, %dma_start3A_57] : memref<50176x32xf32, #tpu.memory_space<vmem_shared>> -> memref<50176x32xf32, #tpu.memory_space<vmem_shared>>
          tpu.enqueue_indirect_dma source(%arg13 : memref<416x32xf32, #tpu.memory_space<vmem>>) target(%dma_start3A_58 : memref<50176x32xf32, #tpu.memory_space<vmem_shared>>) offsets(%arg11 : memref<416xi32, #tpu.memory_space<vmem>>) semaphore(%run_scoped3A : memref<!tpu.dma_semaphore, #tpu.memory_space<semaphore_mem>>) {add = true}
          %dma_wait3A_59 = arith.constant 0 : i32
          %dma_wait3A_60 = arith.constant 0 : i32
          %dma_wait3A_61 = tpu.memref_slice %arg15[%dma_wait3A_59, %dma_wait3A_60] : memref<50176x32xf32, #tpu.memory_space<vmem_shared>> -> memref<50176x32xf32, #tpu.memory_space<vmem_shared>>
          tpu.wait_indirect_dma semaphore(%run_scoped3A : memref<!tpu.dma_semaphore, #tpu.memory_space<semaphore_mem>>) src(%arg13 : memref<416x32xf32, #tpu.memory_space<vmem>>) dst(%dma_wait3A_61 : memref<50176x32xf32, #tpu.memory_space<vmem_shared>>)
          tpu.yield
        }) : () -> ()
        %add3A_44 = arith.constant 1 : i32
        %add3A_45 = arith.addi %mul3A_33, %add3A_44 : i32
        %add3A_46 = arith.constant 1 : i32
        %add3A_47 = arith.addi %add3A_45, %add3A_46 : i32
        %lt3A_48 = arith.constant 124 : i32
        %lt3A_49 = arith.cmpi slt, %add3A_47, %lt3A_48 : i32
        %convert_element_type3A_50 = arith.extui %lt3A_49 : i1 to i32
        %cond3A_51 = arith.constant 0 : i32
        %cond3A_52 = arith.cmpi ne, %convert_element_type3A_50, %cond3A_51 : i32
        scf.if %cond3A_52 {
          %mul3A_56 = arith.constant 416 : i32
          %mul3A_57 = arith.muli %add3A_47, %mul3A_56 : i32
          %add3A_58 = arith.addi %mul3A_2, %mul3A_57 : i32
          "tpu.region"() ({
            %run_scoped3A = tpu.sem_alloc : memref<!tpu.dma_semaphore, #tpu.memory_space<semaphore_mem>>
            %dma_start3A_62 = tpu.memref_slice %arg4[%add3A_58] : memref<825344xi32, #tpu.memory_space<hbm>> -> memref<416xi32, #tpu.memory_space<hbm>>
            %dma_start3A_63 = tpu.memref_slice %arg4[%add3A_58] : memref<825344xi32, #tpu.memory_space<hbm>> -> memref<416xi32, #tpu.memory_space<hbm>>
            tpu.enqueue_dma source(%dma_start3A_63 : memref<416xi32, #tpu.memory_space<hbm>>) target(%arg9 : memref<416xi32, #tpu.memory_space<vmem>>) target_semaphore(%run_scoped3A : memref<!tpu.dma_semaphore, #tpu.memory_space<semaphore_mem>>)
            %dma_wait3A_64 = tpu.memref_slice %arg4[%add3A_58] : memref<825344xi32, #tpu.memory_space<hbm>> -> memref<416xi32, #tpu.memory_space<hbm>>
            %dma_wait3A_65 = tpu.memref_slice %arg4[%add3A_58] : memref<825344xi32, #tpu.memory_space<hbm>> -> memref<416xi32, #tpu.memory_space<hbm>>
            tpu.wait_dma2 semaphore(%run_scoped3A : memref<!tpu.dma_semaphore, #tpu.memory_space<semaphore_mem>>) src(%dma_wait3A_65 : memref<416xi32, #tpu.memory_space<hbm>>) dst(%arg9 : memref<416xi32, #tpu.memory_space<vmem>>)
            tpu.yield
          }) : () -> ()
          "tpu.region"() ({
            %run_scoped3A = tpu.sem_alloc : memref<!tpu.dma_semaphore, #tpu.memory_space<semaphore_mem>>
            %dma_start3A_62 = tpu.memref_slice %arg5[%add3A_58] : memref<825344xi32, #tpu.memory_space<hbm>> -> memref<416xi32, #tpu.memory_space<hbm>>
            %dma_start3A_63 = tpu.memref_slice %arg5[%add3A_58] : memref<825344xi32, #tpu.memory_space<hbm>> -> memref<416xi32, #tpu.memory_space<hbm>>
            tpu.enqueue_dma source(%dma_start3A_63 : memref<416xi32, #tpu.memory_space<hbm>>) target(%arg11 : memref<416xi32, #tpu.memory_space<vmem>>) target_semaphore(%run_scoped3A : memref<!tpu.dma_semaphore, #tpu.memory_space<semaphore_mem>>)
            %dma_wait3A_64 = tpu.memref_slice %arg5[%add3A_58] : memref<825344xi32, #tpu.memory_space<hbm>> -> memref<416xi32, #tpu.memory_space<hbm>>
            %dma_wait3A_65 = tpu.memref_slice %arg5[%add3A_58] : memref<825344xi32, #tpu.memory_space<hbm>> -> memref<416xi32, #tpu.memory_space<hbm>>
            tpu.wait_dma2 semaphore(%run_scoped3A : memref<!tpu.dma_semaphore, #tpu.memory_space<semaphore_mem>>) src(%dma_wait3A_65 : memref<416xi32, #tpu.memory_space<hbm>>) dst(%arg11 : memref<416xi32, #tpu.memory_space<vmem>>)
            tpu.yield
          }) : () -> ()
          %dma_start3A_59 = arith.constant 0 : i32
          %dma_start3A_60 = arith.constant 0 : i32
          %dma_start3A_61 = tpu.memref_slice %arg2[%dma_start3A_59, %dma_start3A_60] : memref<50176x32xf32, #tpu.memory_space<hbm>> -> memref<50176x32xf32, #tpu.memory_space<hbm>>
          tpu.enqueue_indirect_dma source(%dma_start3A_61 : memref<50176x32xf32, #tpu.memory_space<hbm>>) target(%arg13 : memref<416x32xf32, #tpu.memory_space<vmem>>) offsets(%arg9 : memref<416xi32, #tpu.memory_space<vmem>>) semaphore(%arg16 : memref<!tpu.dma_semaphore, #tpu.memory_space<semaphore_mem>>)
        } else {
        }
        %dma_wait3A_53 = arith.constant 0 : i32
        %dma_wait3A_54 = arith.constant 0 : i32
        %dma_wait3A_55 = tpu.memref_slice %arg2[%dma_wait3A_53, %dma_wait3A_54] : memref<50176x32xf32, #tpu.memory_space<hbm>> -> memref<50176x32xf32, #tpu.memory_space<hbm>>
        tpu.wait_indirect_dma semaphore(%arg17 : memref<!tpu.dma_semaphore, #tpu.memory_space<semaphore_mem>>) src(%dma_wait3A_55 : memref<50176x32xf32, #tpu.memory_space<hbm>>) dst(%arg14 : memref<416x32xf32, #tpu.memory_space<vmem>>)
        "tpu.region"() ({
          %run_scoped3A = tpu.sem_alloc : memref<!tpu.dma_semaphore, #tpu.memory_space<semaphore_mem>>
          %dma_start3A_56 = arith.constant 0 : i32
          %dma_start3A_57 = arith.constant 0 : i32
          %dma_start3A_58 = tpu.memref_slice %arg15[%dma_start3A_56, %dma_start3A_57] : memref<50176x32xf32, #tpu.memory_space<vmem_shared>> -> memref<50176x32xf32, #tpu.memory_space<vmem_shared>>
          tpu.enqueue_indirect_dma source(%arg14 : memref<416x32xf32, #tpu.memory_space<vmem>>) target(%dma_start3A_58 : memref<50176x32xf32, #tpu.memory_space<vmem_shared>>) offsets(%arg12 : memref<416xi32, #tpu.memory_space<vmem>>) semaphore(%run_scoped3A : memref<!tpu.dma_semaphore, #tpu.memory_space<semaphore_mem>>) {add = true}
          %dma_wait3A_59 = arith.constant 0 : i32
          %dma_wait3A_60 = arith.constant 0 : i32
          %dma_wait3A_61 = tpu.memref_slice %arg15[%dma_wait3A_59, %dma_wait3A_60] : memref<50176x32xf32, #tpu.memory_space<vmem_shared>> -> memref<50176x32xf32, #tpu.memory_space<vmem_shared>>
          tpu.wait_indirect_dma semaphore(%run_scoped3A : memref<!tpu.dma_semaphore, #tpu.memory_space<semaphore_mem>>) src(%arg14 : memref<416x32xf32, #tpu.memory_space<vmem>>) dst(%dma_wait3A_61 : memref<50176x32xf32, #tpu.memory_space<vmem_shared>>)
          tpu.yield
        }) : () -> ()
      }
      %scan3A_30 = arith.constant 62 : i32
    } else {
    }
    %eq3A_5 = arith.constant 1 : i32
    %eq3A_6 = arith.cmpi eq, %arg0, %eq3A_5 : i32
    %convert_element_type3A_7 = arith.extui %eq3A_6 : i1 to i32
    %cond3A_8 = arith.constant 0 : i32
    %cond3A_9 = arith.cmpi ne, %convert_element_type3A_7, %cond3A_8 : i32
    scf.if %cond3A_9 {
      %add3A = arith.constant 0 : i32
      %add3A_23 = arith.addi %mul3A_2, %add3A : i32
      "tpu.region"() ({
        %run_scoped3A = tpu.sem_alloc : memref<!tpu.dma_semaphore, #tpu.memory_space<semaphore_mem>>
        %dma_start3A_31 = tpu.memref_slice %arg4[%add3A_23] : memref<825344xi32, #tpu.memory_space<hbm>> -> memref<416xi32, #tpu.memory_space<hbm>>
        %dma_start3A_32 = tpu.memref_slice %arg4[%add3A_23] : memref<825344xi32, #tpu.memory_space<hbm>> -> memref<416xi32, #tpu.memory_space<hbm>>
        tpu.enqueue_dma source(%dma_start3A_32 : memref<416xi32, #tpu.memory_space<hbm>>) target(%arg9 : memref<416xi32, #tpu.memory_space<vmem>>) target_semaphore(%run_scoped3A : memref<!tpu.dma_semaphore, #tpu.memory_space<semaphore_mem>>)
        %dma_wait3A = tpu.memref_slice %arg4[%add3A_23] : memref<825344xi32, #tpu.memory_space<hbm>> -> memref<416xi32, #tpu.memory_space<hbm>>
        %dma_wait3A_33 = tpu.memref_slice %arg4[%add3A_23] : memref<825344xi32, #tpu.memory_space<hbm>> -> memref<416xi32, #tpu.memory_space<hbm>>
        tpu.wait_dma2 semaphore(%run_scoped3A : memref<!tpu.dma_semaphore, #tpu.memory_space<semaphore_mem>>) src(%dma_wait3A_33 : memref<416xi32, #tpu.memory_space<hbm>>) dst(%arg9 : memref<416xi32, #tpu.memory_space<vmem>>)
        tpu.yield
      }) : () -> ()
      "tpu.region"() ({
        %run_scoped3A = tpu.sem_alloc : memref<!tpu.dma_semaphore, #tpu.memory_space<semaphore_mem>>
        %dma_start3A_31 = tpu.memref_slice %arg5[%add3A_23] : memref<825344xi32, #tpu.memory_space<hbm>> -> memref<416xi32, #tpu.memory_space<hbm>>
        %dma_start3A_32 = tpu.memref_slice %arg5[%add3A_23] : memref<825344xi32, #tpu.memory_space<hbm>> -> memref<416xi32, #tpu.memory_space<hbm>>
        tpu.enqueue_dma source(%dma_start3A_32 : memref<416xi32, #tpu.memory_space<hbm>>) target(%arg11 : memref<416xi32, #tpu.memory_space<vmem>>) target_semaphore(%run_scoped3A : memref<!tpu.dma_semaphore, #tpu.memory_space<semaphore_mem>>)
        %dma_wait3A = tpu.memref_slice %arg5[%add3A_23] : memref<825344xi32, #tpu.memory_space<hbm>> -> memref<416xi32, #tpu.memory_space<hbm>>
        %dma_wait3A_33 = tpu.memref_slice %arg5[%add3A_23] : memref<825344xi32, #tpu.memory_space<hbm>> -> memref<416xi32, #tpu.memory_space<hbm>>
        tpu.wait_dma2 semaphore(%run_scoped3A : memref<!tpu.dma_semaphore, #tpu.memory_space<semaphore_mem>>) src(%dma_wait3A_33 : memref<416xi32, #tpu.memory_space<hbm>>) dst(%arg11 : memref<416xi32, #tpu.memory_space<vmem>>)
        tpu.yield
      }) : () -> ()
      %dma_start3A = arith.constant 0 : i32
      %dma_start3A_24 = arith.constant 0 : i32
      %dma_start3A_25 = tpu.memref_slice %arg3[%dma_start3A, %dma_start3A_24] : memref<50176x32xf32, #tpu.memory_space<hbm>> -> memref<50176x32xf32, #tpu.memory_space<hbm>>
      tpu.enqueue_indirect_dma source(%dma_start3A_25 : memref<50176x32xf32, #tpu.memory_space<hbm>>) target(%arg13 : memref<416x32xf32, #tpu.memory_space<vmem>>) offsets(%arg9 : memref<416xi32, #tpu.memory_space<vmem>>) semaphore(%arg16 : memref<!tpu.dma_semaphore, #tpu.memory_space<semaphore_mem>>)
      %scan3A = arith.constant 0 : i32
      %scan3A_26 = arith.constant 0 : i32
      %scan3A_27 = arith.constant 62 : i32
      %scan3A_28 = arith.addi %scan3A_26, %scan3A_27 : i32
      %scan3A_29 = arith.constant 1 : i32
      scf.for %scan3A_31 = %scan3A_26 to %scan3A_28 step %scan3A_29  : i32 {
        %mul3A_32 = arith.constant 2 : i32
        %mul3A_33 = arith.muli %scan3A_31, %mul3A_32 : i32
        %add3A_34 = arith.constant 0 : i32
        %add3A_35 = arith.addi %mul3A_33, %add3A_34 : i32
        %add3A_36 = arith.constant 1 : i32
        %add3A_37 = arith.addi %add3A_35, %add3A_36 : i32
        %lt3A = arith.constant 124 : i32
        %lt3A_38 = arith.cmpi slt, %add3A_37, %lt3A : i32
        %convert_element_type3A_39 = arith.extui %lt3A_38 : i1 to i32
        %cond3A_40 = arith.constant 0 : i32
        %cond3A_41 = arith.cmpi ne, %convert_element_type3A_39, %cond3A_40 : i32
        scf.if %cond3A_41 {
          %mul3A_56 = arith.constant 416 : i32
          %mul3A_57 = arith.muli %add3A_37, %mul3A_56 : i32
          %add3A_58 = arith.addi %mul3A_2, %mul3A_57 : i32
          "tpu.region"() ({
            %run_scoped3A = tpu.sem_alloc : memref<!tpu.dma_semaphore, #tpu.memory_space<semaphore_mem>>
            %dma_start3A_62 = tpu.memref_slice %arg4[%add3A_58] : memref<825344xi32, #tpu.memory_space<hbm>> -> memref<416xi32, #tpu.memory_space<hbm>>
            %dma_start3A_63 = tpu.memref_slice %arg4[%add3A_58] : memref<825344xi32, #tpu.memory_space<hbm>> -> memref<416xi32, #tpu.memory_space<hbm>>
            tpu.enqueue_dma source(%dma_start3A_63 : memref<416xi32, #tpu.memory_space<hbm>>) target(%arg10 : memref<416xi32, #tpu.memory_space<vmem>>) target_semaphore(%run_scoped3A : memref<!tpu.dma_semaphore, #tpu.memory_space<semaphore_mem>>)
            %dma_wait3A_64 = tpu.memref_slice %arg4[%add3A_58] : memref<825344xi32, #tpu.memory_space<hbm>> -> memref<416xi32, #tpu.memory_space<hbm>>
            %dma_wait3A_65 = tpu.memref_slice %arg4[%add3A_58] : memref<825344xi32, #tpu.memory_space<hbm>> -> memref<416xi32, #tpu.memory_space<hbm>>
            tpu.wait_dma2 semaphore(%run_scoped3A : memref<!tpu.dma_semaphore, #tpu.memory_space<semaphore_mem>>) src(%dma_wait3A_65 : memref<416xi32, #tpu.memory_space<hbm>>) dst(%arg10 : memref<416xi32, #tpu.memory_space<vmem>>)
            tpu.yield
          }) : () -> ()
          "tpu.region"() ({
            %run_scoped3A = tpu.sem_alloc : memref<!tpu.dma_semaphore, #tpu.memory_space<semaphore_mem>>
            %dma_start3A_62 = tpu.memref_slice %arg5[%add3A_58] : memref<825344xi32, #tpu.memory_space<hbm>> -> memref<416xi32, #tpu.memory_space<hbm>>
            %dma_start3A_63 = tpu.memref_slice %arg5[%add3A_58] : memref<825344xi32, #tpu.memory_space<hbm>> -> memref<416xi32, #tpu.memory_space<hbm>>
            tpu.enqueue_dma source(%dma_start3A_63 : memref<416xi32, #tpu.memory_space<hbm>>) target(%arg12 : memref<416xi32, #tpu.memory_space<vmem>>) target_semaphore(%run_scoped3A : memref<!tpu.dma_semaphore, #tpu.memory_space<semaphore_mem>>)
            %dma_wait3A_64 = tpu.memref_slice %arg5[%add3A_58] : memref<825344xi32, #tpu.memory_space<hbm>> -> memref<416xi32, #tpu.memory_space<hbm>>
            %dma_wait3A_65 = tpu.memref_slice %arg5[%add3A_58] : memref<825344xi32, #tpu.memory_space<hbm>> -> memref<416xi32, #tpu.memory_space<hbm>>
            tpu.wait_dma2 semaphore(%run_scoped3A : memref<!tpu.dma_semaphore, #tpu.memory_space<semaphore_mem>>) src(%dma_wait3A_65 : memref<416xi32, #tpu.memory_space<hbm>>) dst(%arg12 : memref<416xi32, #tpu.memory_space<vmem>>)
            tpu.yield
          }) : () -> ()
          %dma_start3A_59 = arith.constant 0 : i32
          %dma_start3A_60 = arith.constant 0 : i32
          %dma_start3A_61 = tpu.memref_slice %arg3[%dma_start3A_59, %dma_start3A_60] : memref<50176x32xf32, #tpu.memory_space<hbm>> -> memref<50176x32xf32, #tpu.memory_space<hbm>>
          tpu.enqueue_indirect_dma source(%dma_start3A_61 : memref<50176x32xf32, #tpu.memory_space<hbm>>) target(%arg14 : memref<416x32xf32, #tpu.memory_space<vmem>>) offsets(%arg10 : memref<416xi32, #tpu.memory_space<vmem>>) semaphore(%arg17 : memref<!tpu.dma_semaphore, #tpu.memory_space<semaphore_mem>>)
        } else {
        }
        %dma_wait3A = arith.constant 0 : i32
        %dma_wait3A_42 = arith.constant 0 : i32
        %dma_wait3A_43 = tpu.memref_slice %arg3[%dma_wait3A, %dma_wait3A_42] : memref<50176x32xf32, #tpu.memory_space<hbm>> -> memref<50176x32xf32, #tpu.memory_space<hbm>>
        tpu.wait_indirect_dma semaphore(%arg16 : memref<!tpu.dma_semaphore, #tpu.memory_space<semaphore_mem>>) src(%dma_wait3A_43 : memref<50176x32xf32, #tpu.memory_space<hbm>>) dst(%arg13 : memref<416x32xf32, #tpu.memory_space<vmem>>)
        "tpu.region"() ({
          %run_scoped3A = tpu.sem_alloc : memref<!tpu.dma_semaphore, #tpu.memory_space<semaphore_mem>>
          %dma_start3A_56 = arith.constant 0 : i32
          %dma_start3A_57 = arith.constant 0 : i32
          %dma_start3A_58 = tpu.memref_slice %arg15[%dma_start3A_56, %dma_start3A_57] : memref<50176x32xf32, #tpu.memory_space<vmem_shared>> -> memref<50176x32xf32, #tpu.memory_space<vmem_shared>>
          tpu.enqueue_indirect_dma source(%arg13 : memref<416x32xf32, #tpu.memory_space<vmem>>) target(%dma_start3A_58 : memref<50176x32xf32, #tpu.memory_space<vmem_shared>>) offsets(%arg11 : memref<416xi32, #tpu.memory_space<vmem>>) semaphore(%run_scoped3A : memref<!tpu.dma_semaphore, #tpu.memory_space<semaphore_mem>>) {add = true}
          %dma_wait3A_59 = arith.constant 0 : i32
          %dma_wait3A_60 = arith.constant 0 : i32
          %dma_wait3A_61 = tpu.memref_slice %arg15[%dma_wait3A_59, %dma_wait3A_60] : memref<50176x32xf32, #tpu.memory_space<vmem_shared>> -> memref<50176x32xf32, #tpu.memory_space<vmem_shared>>
          tpu.wait_indirect_dma semaphore(%run_scoped3A : memref<!tpu.dma_semaphore, #tpu.memory_space<semaphore_mem>>) src(%arg13 : memref<416x32xf32, #tpu.memory_space<vmem>>) dst(%dma_wait3A_61 : memref<50176x32xf32, #tpu.memory_space<vmem_shared>>)
          tpu.yield
        }) : () -> ()
        %add3A_44 = arith.constant 1 : i32
        %add3A_45 = arith.addi %mul3A_33, %add3A_44 : i32
        %add3A_46 = arith.constant 1 : i32
        %add3A_47 = arith.addi %add3A_45, %add3A_46 : i32
        %lt3A_48 = arith.constant 124 : i32
        %lt3A_49 = arith.cmpi slt, %add3A_47, %lt3A_48 : i32
        %convert_element_type3A_50 = arith.extui %lt3A_49 : i1 to i32
        %cond3A_51 = arith.constant 0 : i32
        %cond3A_52 = arith.cmpi ne, %convert_element_type3A_50, %cond3A_51 : i32
        scf.if %cond3A_52 {
          %mul3A_56 = arith.constant 416 : i32
          %mul3A_57 = arith.muli %add3A_47, %mul3A_56 : i32
          %add3A_58 = arith.addi %mul3A_2, %mul3A_57 : i32
          "tpu.region"() ({
            %run_scoped3A = tpu.sem_alloc : memref<!tpu.dma_semaphore, #tpu.memory_space<semaphore_mem>>
            %dma_start3A_62 = tpu.memref_slice %arg4[%add3A_58] : memref<825344xi32, #tpu.memory_space<hbm>> -> memref<416xi32, #tpu.memory_space<hbm>>
            %dma_start3A_63 = tpu.memref_slice %arg4[%add3A_58] : memref<825344xi32, #tpu.memory_space<hbm>> -> memref<416xi32, #tpu.memory_space<hbm>>
            tpu.enqueue_dma source(%dma_start3A_63 : memref<416xi32, #tpu.memory_space<hbm>>) target(%arg9 : memref<416xi32, #tpu.memory_space<vmem>>) target_semaphore(%run_scoped3A : memref<!tpu.dma_semaphore, #tpu.memory_space<semaphore_mem>>)
            %dma_wait3A_64 = tpu.memref_slice %arg4[%add3A_58] : memref<825344xi32, #tpu.memory_space<hbm>> -> memref<416xi32, #tpu.memory_space<hbm>>
            %dma_wait3A_65 = tpu.memref_slice %arg4[%add3A_58] : memref<825344xi32, #tpu.memory_space<hbm>> -> memref<416xi32, #tpu.memory_space<hbm>>
            tpu.wait_dma2 semaphore(%run_scoped3A : memref<!tpu.dma_semaphore, #tpu.memory_space<semaphore_mem>>) src(%dma_wait3A_65 : memref<416xi32, #tpu.memory_space<hbm>>) dst(%arg9 : memref<416xi32, #tpu.memory_space<vmem>>)
            tpu.yield
          }) : () -> ()
          "tpu.region"() ({
            %run_scoped3A = tpu.sem_alloc : memref<!tpu.dma_semaphore, #tpu.memory_space<semaphore_mem>>
            %dma_start3A_62 = tpu.memref_slice %arg5[%add3A_58] : memref<825344xi32, #tpu.memory_space<hbm>> -> memref<416xi32, #tpu.memory_space<hbm>>
            %dma_start3A_63 = tpu.memref_slice %arg5[%add3A_58] : memref<825344xi32, #tpu.memory_space<hbm>> -> memref<416xi32, #tpu.memory_space<hbm>>
            tpu.enqueue_dma source(%dma_start3A_63 : memref<416xi32, #tpu.memory_space<hbm>>) target(%arg11 : memref<416xi32, #tpu.memory_space<vmem>>) target_semaphore(%run_scoped3A : memref<!tpu.dma_semaphore, #tpu.memory_space<semaphore_mem>>)
            %dma_wait3A_64 = tpu.memref_slice %arg5[%add3A_58] : memref<825344xi32, #tpu.memory_space<hbm>> -> memref<416xi32, #tpu.memory_space<hbm>>
            %dma_wait3A_65 = tpu.memref_slice %arg5[%add3A_58] : memref<825344xi32, #tpu.memory_space<hbm>> -> memref<416xi32, #tpu.memory_space<hbm>>
            tpu.wait_dma2 semaphore(%run_scoped3A : memref<!tpu.dma_semaphore, #tpu.memory_space<semaphore_mem>>) src(%dma_wait3A_65 : memref<416xi32, #tpu.memory_space<hbm>>) dst(%arg11 : memref<416xi32, #tpu.memory_space<vmem>>)
            tpu.yield
          }) : () -> ()
          %dma_start3A_59 = arith.constant 0 : i32
          %dma_start3A_60 = arith.constant 0 : i32
          %dma_start3A_61 = tpu.memref_slice %arg3[%dma_start3A_59, %dma_start3A_60] : memref<50176x32xf32, #tpu.memory_space<hbm>> -> memref<50176x32xf32, #tpu.memory_space<hbm>>
          tpu.enqueue_indirect_dma source(%dma_start3A_61 : memref<50176x32xf32, #tpu.memory_space<hbm>>) target(%arg13 : memref<416x32xf32, #tpu.memory_space<vmem>>) offsets(%arg9 : memref<416xi32, #tpu.memory_space<vmem>>) semaphore(%arg16 : memref<!tpu.dma_semaphore, #tpu.memory_space<semaphore_mem>>)
        } else {
        }
        %dma_wait3A_53 = arith.constant 0 : i32
        %dma_wait3A_54 = arith.constant 0 : i32
        %dma_wait3A_55 = tpu.memref_slice %arg3[%dma_wait3A_53, %dma_wait3A_54] : memref<50176x32xf32, #tpu.memory_space<hbm>> -> memref<50176x32xf32, #tpu.memory_space<hbm>>
        tpu.wait_indirect_dma semaphore(%arg17 : memref<!tpu.dma_semaphore, #tpu.memory_space<semaphore_mem>>) src(%dma_wait3A_55 : memref<50176x32xf32, #tpu.memory_space<hbm>>) dst(%arg14 : memref<416x32xf32, #tpu.memory_space<vmem>>)
        "tpu.region"() ({
          %run_scoped3A = tpu.sem_alloc : memref<!tpu.dma_semaphore, #tpu.memory_space<semaphore_mem>>
          %dma_start3A_56 = arith.constant 0 : i32
          %dma_start3A_57 = arith.constant 0 : i32
          %dma_start3A_58 = tpu.memref_slice %arg15[%dma_start3A_56, %dma_start3A_57] : memref<50176x32xf32, #tpu.memory_space<vmem_shared>> -> memref<50176x32xf32, #tpu.memory_space<vmem_shared>>
          tpu.enqueue_indirect_dma source(%arg14 : memref<416x32xf32, #tpu.memory_space<vmem>>) target(%dma_start3A_58 : memref<50176x32xf32, #tpu.memory_space<vmem_shared>>) offsets(%arg12 : memref<416xi32, #tpu.memory_space<vmem>>) semaphore(%run_scoped3A : memref<!tpu.dma_semaphore, #tpu.memory_space<semaphore_mem>>) {add = true}
          %dma_wait3A_59 = arith.constant 0 : i32
          %dma_wait3A_60 = arith.constant 0 : i32
          %dma_wait3A_61 = tpu.memref_slice %arg15[%dma_wait3A_59, %dma_wait3A_60] : memref<50176x32xf32, #tpu.memory_space<vmem_shared>> -> memref<50176x32xf32, #tpu.memory_space<vmem_shared>>
          tpu.wait_indirect_dma semaphore(%run_scoped3A : memref<!tpu.dma_semaphore, #tpu.memory_space<semaphore_mem>>) src(%arg14 : memref<416x32xf32, #tpu.memory_space<vmem>>) dst(%dma_wait3A_61 : memref<50176x32xf32, #tpu.memory_space<vmem_shared>>)
          tpu.yield
        }) : () -> ()
      }
      %scan3A_30 = arith.constant 62 : i32
    } else {
    }
    %barrier3A_10 = arith.constant 0 : index
    tpu.barrier barrier_id(%barrier3A_10)
    %mul3A_11 = arith.constant 3136 : i32
    %mul3A_12 = arith.muli %arg1, %mul3A_11 : i32
    %eq3A_13 = arith.constant 0 : i32
    %eq3A_14 = arith.cmpi eq, %arg0, %eq3A_13 : i32
    %convert_element_type3A_15 = arith.extui %eq3A_14 : i1 to i32
    %cond3A_16 = arith.constant 0 : i32
    %cond3A_17 = arith.cmpi ne, %convert_element_type3A_15, %cond3A_16 : i32
    scf.if %cond3A_17 {
      "tpu.region"() ({
        %run_scoped3A = tpu.sem_alloc : memref<!tpu.dma_semaphore, #tpu.memory_space<semaphore_mem>>
        %dma_start3A = arith.constant 0 : i32
        %dma_start3A_23 = tpu.memref_slice %arg7[%mul3A_12, %dma_start3A] : memref<50176x32xf32, #tpu.memory_space<hbm>> -> memref<3136x32xf32, #tpu.memory_space<hbm>>
        %dma_start3A_24 = arith.constant 0 : i32
        %dma_start3A_25 = tpu.memref_slice %arg15[%mul3A_12, %dma_start3A_24] : memref<50176x32xf32, #tpu.memory_space<vmem_shared>> -> memref<3136x32xf32, #tpu.memory_space<vmem_shared>>
        tpu.enqueue_dma source(%dma_start3A_25 : memref<3136x32xf32, #tpu.memory_space<vmem_shared>>) target(%dma_start3A_23 : memref<3136x32xf32, #tpu.memory_space<hbm>>) target_semaphore(%run_scoped3A : memref<!tpu.dma_semaphore, #tpu.memory_space<semaphore_mem>>)
        %dma_wait3A = arith.constant 0 : i32
        %dma_wait3A_26 = tpu.memref_slice %arg7[%mul3A_12, %dma_wait3A] : memref<50176x32xf32, #tpu.memory_space<hbm>> -> memref<3136x32xf32, #tpu.memory_space<hbm>>
        %dma_wait3A_27 = arith.constant 0 : i32
        %dma_wait3A_28 = tpu.memref_slice %arg15[%mul3A_12, %dma_wait3A_27] : memref<50176x32xf32, #tpu.memory_space<vmem_shared>> -> memref<3136x32xf32, #tpu.memory_space<vmem_shared>>
        tpu.wait_dma2 semaphore(%run_scoped3A : memref<!tpu.dma_semaphore, #tpu.memory_space<semaphore_mem>>) src(%dma_wait3A_28 : memref<3136x32xf32, #tpu.memory_space<vmem_shared>>) dst(%dma_wait3A_26 : memref<3136x32xf32, #tpu.memory_space<hbm>>)
        tpu.yield
      }) : () -> ()
    } else {
    }
    %eq3A_18 = arith.constant 1 : i32
    %eq3A_19 = arith.cmpi eq, %arg0, %eq3A_18 : i32
    %convert_element_type3A_20 = arith.extui %eq3A_19 : i1 to i32
    %cond3A_21 = arith.constant 0 : i32
    %cond3A_22 = arith.cmpi ne, %convert_element_type3A_20, %cond3A_21 : i32
    scf.if %cond3A_22 {
      "tpu.region"() ({
        %run_scoped3A = tpu.sem_alloc : memref<!tpu.dma_semaphore, #tpu.memory_space<semaphore_mem>>
        %dma_start3A = arith.constant 0 : i32
        %dma_start3A_23 = tpu.memref_slice %arg8[%mul3A_12, %dma_start3A] : memref<50176x32xf32, #tpu.memory_space<hbm>> -> memref<3136x32xf32, #tpu.memory_space<hbm>>
        %dma_start3A_24 = arith.constant 0 : i32
        %dma_start3A_25 = tpu.memref_slice %arg15[%mul3A_12, %dma_start3A_24] : memref<50176x32xf32, #tpu.memory_space<vmem_shared>> -> memref<3136x32xf32, #tpu.memory_space<vmem_shared>>
        tpu.enqueue_dma source(%dma_start3A_25 : memref<3136x32xf32, #tpu.memory_space<vmem_shared>>) target(%dma_start3A_23 : memref<3136x32xf32, #tpu.memory_space<hbm>>) target_semaphore(%run_scoped3A : memref<!tpu.dma_semaphore, #tpu.memory_space<semaphore_mem>>)
        %dma_wait3A = arith.constant 0 : i32
        %dma_wait3A_26 = tpu.memref_slice %arg8[%mul3A_12, %dma_wait3A] : memref<50176x32xf32, #tpu.memory_space<hbm>> -> memref<3136x32xf32, #tpu.memory_space<hbm>>
        %dma_wait3A_27 = arith.constant 0 : i32
        %dma_wait3A_28 = tpu.memref_slice %arg15[%mul3A_12, %dma_wait3A_27] : memref<50176x32xf32, #tpu.memory_space<vmem_shared>> -> memref<3136x32xf32, #tpu.memory_space<vmem_shared>>
        tpu.wait_dma2 semaphore(%run_scoped3A : memref<!tpu.dma_semaphore, #tpu.memory_space<semaphore_mem>>) src(%dma_wait3A_28 : memref<3136x32xf32, #tpu.memory_space<vmem_shared>>) dst(%dma_wait3A_26 : memref<3136x32xf32, #tpu.memory_space<hbm>>)
        tpu.yield
      }) : () -> ()
    } else {
    }
    return
  }
}

#map = affine_map<(d0, d1) -> (0)>
#map1 = affine_map<(d0, d1) -> (0, 0)>
module attributes {stable_mosaic.version = 14 : i64} {
  func.func @_emb_kernel(%arg0: i32, %arg1: i32, %arg2: memref<50176xi32, #tpu.memory_space<hbm>>, %arg3: memref<50176xi32, #tpu.memory_space<hbm>>, %arg4: memref<50176xi32, #tpu.memory_space<hbm>>, %arg5: memref<50176xi32, #tpu.memory_space<hbm>>, %arg6: memref<64x16xf32, #tpu.memory_space<hbm>>, %arg7: memref<2048x16xf32, #tpu.memory_space<hbm>>, %arg8: memref<256x16xf32, #tpu.memory_space<hbm>>, %arg9: memref<8x16xf32, #tpu.memory_space<hbm>>, %arg10: memref<50176x16xf32, #tpu.memory_space<hbm>>, %arg11: memref<50176x16xf32, #tpu.memory_space<hbm>>, %arg12: memref<50176x16xf32, #tpu.memory_space<hbm>>, %arg13: memref<50176x16xf32, #tpu.memory_space<hbm>>, %arg14: memref<112xi32, #tpu.memory_space<vmem>>, %arg15: memref<112xi32, #tpu.memory_space<vmem>>, %arg16: memref<112xi32, #tpu.memory_space<vmem>>, %arg17: memref<112xi32, #tpu.memory_space<vmem>>, %arg18: memref<112x16xf32, #tpu.memory_space<vmem>>, %arg19: memref<112x16xf32, #tpu.memory_space<vmem>>, %arg20: memref<112x16xf32, #tpu.memory_space<vmem>>, %arg21: memref<112x16xf32, #tpu.memory_space<vmem>>, %arg22: memref<!tpu.dma_semaphore, #tpu.memory_space<semaphore_mem>>, %arg23: memref<!tpu.dma_semaphore, #tpu.memory_space<semaphore_mem>>, %arg24: memref<!tpu.dma_semaphore, #tpu.memory_space<semaphore_mem>>, %arg25: memref<!tpu.dma_semaphore, #tpu.memory_space<semaphore_mem>>) attributes {dimension_semantics = [#tpu.dimension_semantics<core_parallel>, #tpu.dimension_semantics<subcore_parallel>], iteration_bounds = array<i64: 2, 16>, scalar_prefetch = 0 : i64, scratch_operands = 12 : i64, tpu.core_type = #tpu.core_type<sc_vector_subcore>, window_params = [{transform_indices = #map}, {transform_indices = #map}, {transform_indices = #map}, {transform_indices = #map}, {transform_indices = #map1}, {transform_indices = #map1}, {transform_indices = #map1}, {transform_indices = #map1}, {transform_indices = #map1}, {transform_indices = #map1}, {transform_indices = #map1}, {transform_indices = #map1}]} {
    %mul3A = arith.constant 16 : i32
    %mul3A_0 = arith.muli %arg0, %mul3A : i32
    %add3A = arith.addi %mul3A_0, %arg1 : i32
    %mul3A_1 = arith.constant 1568 : i32
    %mul3A_2 = arith.muli %add3A, %mul3A_1 : i32
    %scan3A = arith.constant 0 : i32
    %scan3A_3 = arith.constant 0 : i32
    %scan3A_4 = arith.constant 14 : i32
    %scan3A_5 = arith.addi %scan3A_3, %scan3A_4 : i32
    %scan3A_6 = arith.constant 1 : i32
    scf.for %scan3A_8 = %scan3A_3 to %scan3A_5 step %scan3A_6  : i32 {
      %mul3A_9 = arith.constant 112 : i32
      %mul3A_10 = arith.muli %scan3A_8, %mul3A_9 : i32
      %add3A_11 = arith.addi %mul3A_2, %mul3A_10 : i32
      "tpu.region"() ({
        %run_scoped3A = tpu.sem_alloc : memref<!tpu.dma_semaphore, #tpu.memory_space<semaphore_mem>>
        %dma_start3A_34 = tpu.memref_slice %arg2[%add3A_11] : memref<50176xi32, #tpu.memory_space<hbm>> -> memref<112xi32, #tpu.memory_space<hbm>>
        %dma_start3A_35 = tpu.memref_slice %arg2[%add3A_11] : memref<50176xi32, #tpu.memory_space<hbm>> -> memref<112xi32, #tpu.memory_space<hbm>>
        tpu.enqueue_dma source(%dma_start3A_35 : memref<112xi32, #tpu.memory_space<hbm>>) target(%arg14 : memref<112xi32, #tpu.memory_space<vmem>>) target_semaphore(%run_scoped3A : memref<!tpu.dma_semaphore, #tpu.memory_space<semaphore_mem>>)
        %dma_wait3A_36 = tpu.memref_slice %arg2[%add3A_11] : memref<50176xi32, #tpu.memory_space<hbm>> -> memref<112xi32, #tpu.memory_space<hbm>>
        %dma_wait3A_37 = tpu.memref_slice %arg2[%add3A_11] : memref<50176xi32, #tpu.memory_space<hbm>> -> memref<112xi32, #tpu.memory_space<hbm>>
        tpu.wait_dma2 semaphore(%run_scoped3A : memref<!tpu.dma_semaphore, #tpu.memory_space<semaphore_mem>>) src(%dma_wait3A_37 : memref<112xi32, #tpu.memory_space<hbm>>) dst(%arg14 : memref<112xi32, #tpu.memory_space<vmem>>)
        tpu.yield
      }) : () -> ()
      %dma_start3A = arith.constant 0 : i32
      %dma_start3A_12 = arith.constant 0 : i32
      %dma_start3A_13 = tpu.memref_slice %arg6[%dma_start3A, %dma_start3A_12] : memref<64x16xf32, #tpu.memory_space<hbm>> -> memref<64x16xf32, #tpu.memory_space<hbm>>
      tpu.enqueue_indirect_dma source(%dma_start3A_13 : memref<64x16xf32, #tpu.memory_space<hbm>>) target(%arg18 : memref<112x16xf32, #tpu.memory_space<vmem>>) offsets(%arg14 : memref<112xi32, #tpu.memory_space<vmem>>) semaphore(%arg22 : memref<!tpu.dma_semaphore, #tpu.memory_space<semaphore_mem>>)
      "tpu.region"() ({
        %run_scoped3A = tpu.sem_alloc : memref<!tpu.dma_semaphore, #tpu.memory_space<semaphore_mem>>
        %dma_start3A_34 = tpu.memref_slice %arg3[%add3A_11] : memref<50176xi32, #tpu.memory_space<hbm>> -> memref<112xi32, #tpu.memory_space<hbm>>
        %dma_start3A_35 = tpu.memref_slice %arg3[%add3A_11] : memref<50176xi32, #tpu.memory_space<hbm>> -> memref<112xi32, #tpu.memory_space<hbm>>
        tpu.enqueue_dma source(%dma_start3A_35 : memref<112xi32, #tpu.memory_space<hbm>>) target(%arg15 : memref<112xi32, #tpu.memory_space<vmem>>) target_semaphore(%run_scoped3A : memref<!tpu.dma_semaphore, #tpu.memory_space<semaphore_mem>>)
        %dma_wait3A_36 = tpu.memref_slice %arg3[%add3A_11] : memref<50176xi32, #tpu.memory_space<hbm>> -> memref<112xi32, #tpu.memory_space<hbm>>
        %dma_wait3A_37 = tpu.memref_slice %arg3[%add3A_11] : memref<50176xi32, #tpu.memory_space<hbm>> -> memref<112xi32, #tpu.memory_space<hbm>>
        tpu.wait_dma2 semaphore(%run_scoped3A : memref<!tpu.dma_semaphore, #tpu.memory_space<semaphore_mem>>) src(%dma_wait3A_37 : memref<112xi32, #tpu.memory_space<hbm>>) dst(%arg15 : memref<112xi32, #tpu.memory_space<vmem>>)
        tpu.yield
      }) : () -> ()
      %dma_start3A_14 = arith.constant 0 : i32
      %dma_start3A_15 = arith.constant 0 : i32
      %dma_start3A_16 = tpu.memref_slice %arg7[%dma_start3A_14, %dma_start3A_15] : memref<2048x16xf32, #tpu.memory_space<hbm>> -> memref<2048x16xf32, #tpu.memory_space<hbm>>
      tpu.enqueue_indirect_dma source(%dma_start3A_16 : memref<2048x16xf32, #tpu.memory_space<hbm>>) target(%arg19 : memref<112x16xf32, #tpu.memory_space<vmem>>) offsets(%arg15 : memref<112xi32, #tpu.memory_space<vmem>>) semaphore(%arg23 : memref<!tpu.dma_semaphore, #tpu.memory_space<semaphore_mem>>)
      "tpu.region"() ({
        %run_scoped3A = tpu.sem_alloc : memref<!tpu.dma_semaphore, #tpu.memory_space<semaphore_mem>>
        %dma_start3A_34 = tpu.memref_slice %arg4[%add3A_11] : memref<50176xi32, #tpu.memory_space<hbm>> -> memref<112xi32, #tpu.memory_space<hbm>>
        %dma_start3A_35 = tpu.memref_slice %arg4[%add3A_11] : memref<50176xi32, #tpu.memory_space<hbm>> -> memref<112xi32, #tpu.memory_space<hbm>>
        tpu.enqueue_dma source(%dma_start3A_35 : memref<112xi32, #tpu.memory_space<hbm>>) target(%arg16 : memref<112xi32, #tpu.memory_space<vmem>>) target_semaphore(%run_scoped3A : memref<!tpu.dma_semaphore, #tpu.memory_space<semaphore_mem>>)
        %dma_wait3A_36 = tpu.memref_slice %arg4[%add3A_11] : memref<50176xi32, #tpu.memory_space<hbm>> -> memref<112xi32, #tpu.memory_space<hbm>>
        %dma_wait3A_37 = tpu.memref_slice %arg4[%add3A_11] : memref<50176xi32, #tpu.memory_space<hbm>> -> memref<112xi32, #tpu.memory_space<hbm>>
        tpu.wait_dma2 semaphore(%run_scoped3A : memref<!tpu.dma_semaphore, #tpu.memory_space<semaphore_mem>>) src(%dma_wait3A_37 : memref<112xi32, #tpu.memory_space<hbm>>) dst(%arg16 : memref<112xi32, #tpu.memory_space<vmem>>)
        tpu.yield
      }) : () -> ()
      %dma_start3A_17 = arith.constant 0 : i32
      %dma_start3A_18 = arith.constant 0 : i32
      %dma_start3A_19 = tpu.memref_slice %arg8[%dma_start3A_17, %dma_start3A_18] : memref<256x16xf32, #tpu.memory_space<hbm>> -> memref<256x16xf32, #tpu.memory_space<hbm>>
      tpu.enqueue_indirect_dma source(%dma_start3A_19 : memref<256x16xf32, #tpu.memory_space<hbm>>) target(%arg20 : memref<112x16xf32, #tpu.memory_space<vmem>>) offsets(%arg16 : memref<112xi32, #tpu.memory_space<vmem>>) semaphore(%arg24 : memref<!tpu.dma_semaphore, #tpu.memory_space<semaphore_mem>>)
      "tpu.region"() ({
        %run_scoped3A = tpu.sem_alloc : memref<!tpu.dma_semaphore, #tpu.memory_space<semaphore_mem>>
        %dma_start3A_34 = tpu.memref_slice %arg5[%add3A_11] : memref<50176xi32, #tpu.memory_space<hbm>> -> memref<112xi32, #tpu.memory_space<hbm>>
        %dma_start3A_35 = tpu.memref_slice %arg5[%add3A_11] : memref<50176xi32, #tpu.memory_space<hbm>> -> memref<112xi32, #tpu.memory_space<hbm>>
        tpu.enqueue_dma source(%dma_start3A_35 : memref<112xi32, #tpu.memory_space<hbm>>) target(%arg17 : memref<112xi32, #tpu.memory_space<vmem>>) target_semaphore(%run_scoped3A : memref<!tpu.dma_semaphore, #tpu.memory_space<semaphore_mem>>)
        %dma_wait3A_36 = tpu.memref_slice %arg5[%add3A_11] : memref<50176xi32, #tpu.memory_space<hbm>> -> memref<112xi32, #tpu.memory_space<hbm>>
        %dma_wait3A_37 = tpu.memref_slice %arg5[%add3A_11] : memref<50176xi32, #tpu.memory_space<hbm>> -> memref<112xi32, #tpu.memory_space<hbm>>
        tpu.wait_dma2 semaphore(%run_scoped3A : memref<!tpu.dma_semaphore, #tpu.memory_space<semaphore_mem>>) src(%dma_wait3A_37 : memref<112xi32, #tpu.memory_space<hbm>>) dst(%arg17 : memref<112xi32, #tpu.memory_space<vmem>>)
        tpu.yield
      }) : () -> ()
      %dma_start3A_20 = arith.constant 0 : i32
      %dma_start3A_21 = arith.constant 0 : i32
      %dma_start3A_22 = tpu.memref_slice %arg9[%dma_start3A_20, %dma_start3A_21] : memref<8x16xf32, #tpu.memory_space<hbm>> -> memref<8x16xf32, #tpu.memory_space<hbm>>
      tpu.enqueue_indirect_dma source(%dma_start3A_22 : memref<8x16xf32, #tpu.memory_space<hbm>>) target(%arg21 : memref<112x16xf32, #tpu.memory_space<vmem>>) offsets(%arg17 : memref<112xi32, #tpu.memory_space<vmem>>) semaphore(%arg25 : memref<!tpu.dma_semaphore, #tpu.memory_space<semaphore_mem>>)
      %dma_wait3A = arith.constant 0 : i32
      %dma_wait3A_23 = arith.constant 0 : i32
      %dma_wait3A_24 = tpu.memref_slice %arg6[%dma_wait3A, %dma_wait3A_23] : memref<64x16xf32, #tpu.memory_space<hbm>> -> memref<64x16xf32, #tpu.memory_space<hbm>>
      tpu.wait_indirect_dma semaphore(%arg22 : memref<!tpu.dma_semaphore, #tpu.memory_space<semaphore_mem>>) src(%dma_wait3A_24 : memref<64x16xf32, #tpu.memory_space<hbm>>) dst(%arg18 : memref<112x16xf32, #tpu.memory_space<vmem>>)
      "tpu.region"() ({
        %run_scoped3A = tpu.sem_alloc : memref<!tpu.dma_semaphore, #tpu.memory_space<semaphore_mem>>
        %dma_start3A_34 = arith.constant 0 : i32
        %dma_start3A_35 = tpu.memref_slice %arg10[%add3A_11, %dma_start3A_34] : memref<50176x16xf32, #tpu.memory_space<hbm>> -> memref<112x16xf32, #tpu.memory_space<hbm>>
        %dma_start3A_36 = arith.constant 0 : i32
        %dma_start3A_37 = tpu.memref_slice %arg10[%add3A_11, %dma_start3A_36] : memref<50176x16xf32, #tpu.memory_space<hbm>> -> memref<112x16xf32, #tpu.memory_space<hbm>>
        tpu.enqueue_dma source(%arg18 : memref<112x16xf32, #tpu.memory_space<vmem>>) target(%dma_start3A_37 : memref<112x16xf32, #tpu.memory_space<hbm>>) target_semaphore(%run_scoped3A : memref<!tpu.dma_semaphore, #tpu.memory_space<semaphore_mem>>)
        %dma_wait3A_38 = arith.constant 0 : i32
        %dma_wait3A_39 = tpu.memref_slice %arg10[%add3A_11, %dma_wait3A_38] : memref<50176x16xf32, #tpu.memory_space<hbm>> -> memref<112x16xf32, #tpu.memory_space<hbm>>
        %dma_wait3A_40 = arith.constant 0 : i32
        %dma_wait3A_41 = tpu.memref_slice %arg10[%add3A_11, %dma_wait3A_40] : memref<50176x16xf32, #tpu.memory_space<hbm>> -> memref<112x16xf32, #tpu.memory_space<hbm>>
        tpu.wait_dma2 semaphore(%run_scoped3A : memref<!tpu.dma_semaphore, #tpu.memory_space<semaphore_mem>>) src(%arg18 : memref<112x16xf32, #tpu.memory_space<vmem>>) dst(%dma_wait3A_41 : memref<112x16xf32, #tpu.memory_space<hbm>>)
        tpu.yield
      }) : () -> ()
      %dma_wait3A_25 = arith.constant 0 : i32
      %dma_wait3A_26 = arith.constant 0 : i32
      %dma_wait3A_27 = tpu.memref_slice %arg7[%dma_wait3A_25, %dma_wait3A_26] : memref<2048x16xf32, #tpu.memory_space<hbm>> -> memref<2048x16xf32, #tpu.memory_space<hbm>>
      tpu.wait_indirect_dma semaphore(%arg23 : memref<!tpu.dma_semaphore, #tpu.memory_space<semaphore_mem>>) src(%dma_wait3A_27 : memref<2048x16xf32, #tpu.memory_space<hbm>>) dst(%arg19 : memref<112x16xf32, #tpu.memory_space<vmem>>)
      "tpu.region"() ({
        %run_scoped3A = tpu.sem_alloc : memref<!tpu.dma_semaphore, #tpu.memory_space<semaphore_mem>>
        %dma_start3A_34 = arith.constant 0 : i32
        %dma_start3A_35 = tpu.memref_slice %arg11[%add3A_11, %dma_start3A_34] : memref<50176x16xf32, #tpu.memory_space<hbm>> -> memref<112x16xf32, #tpu.memory_space<hbm>>
        %dma_start3A_36 = arith.constant 0 : i32
        %dma_start3A_37 = tpu.memref_slice %arg11[%add3A_11, %dma_start3A_36] : memref<50176x16xf32, #tpu.memory_space<hbm>> -> memref<112x16xf32, #tpu.memory_space<hbm>>
        tpu.enqueue_dma source(%arg19 : memref<112x16xf32, #tpu.memory_space<vmem>>) target(%dma_start3A_37 : memref<112x16xf32, #tpu.memory_space<hbm>>) target_semaphore(%run_scoped3A : memref<!tpu.dma_semaphore, #tpu.memory_space<semaphore_mem>>)
        %dma_wait3A_38 = arith.constant 0 : i32
        %dma_wait3A_39 = tpu.memref_slice %arg11[%add3A_11, %dma_wait3A_38] : memref<50176x16xf32, #tpu.memory_space<hbm>> -> memref<112x16xf32, #tpu.memory_space<hbm>>
        %dma_wait3A_40 = arith.constant 0 : i32
        %dma_wait3A_41 = tpu.memref_slice %arg11[%add3A_11, %dma_wait3A_40] : memref<50176x16xf32, #tpu.memory_space<hbm>> -> memref<112x16xf32, #tpu.memory_space<hbm>>
        tpu.wait_dma2 semaphore(%run_scoped3A : memref<!tpu.dma_semaphore, #tpu.memory_space<semaphore_mem>>) src(%arg19 : memref<112x16xf32, #tpu.memory_space<vmem>>) dst(%dma_wait3A_41 : memref<112x16xf32, #tpu.memory_space<hbm>>)
        tpu.yield
      }) : () -> ()
      %dma_wait3A_28 = arith.constant 0 : i32
      %dma_wait3A_29 = arith.constant 0 : i32
      %dma_wait3A_30 = tpu.memref_slice %arg8[%dma_wait3A_28, %dma_wait3A_29] : memref<256x16xf32, #tpu.memory_space<hbm>> -> memref<256x16xf32, #tpu.memory_space<hbm>>
      tpu.wait_indirect_dma semaphore(%arg24 : memref<!tpu.dma_semaphore, #tpu.memory_space<semaphore_mem>>) src(%dma_wait3A_30 : memref<256x16xf32, #tpu.memory_space<hbm>>) dst(%arg20 : memref<112x16xf32, #tpu.memory_space<vmem>>)
      "tpu.region"() ({
        %run_scoped3A = tpu.sem_alloc : memref<!tpu.dma_semaphore, #tpu.memory_space<semaphore_mem>>
        %dma_start3A_34 = arith.constant 0 : i32
        %dma_start3A_35 = tpu.memref_slice %arg12[%add3A_11, %dma_start3A_34] : memref<50176x16xf32, #tpu.memory_space<hbm>> -> memref<112x16xf32, #tpu.memory_space<hbm>>
        %dma_start3A_36 = arith.constant 0 : i32
        %dma_start3A_37 = tpu.memref_slice %arg12[%add3A_11, %dma_start3A_36] : memref<50176x16xf32, #tpu.memory_space<hbm>> -> memref<112x16xf32, #tpu.memory_space<hbm>>
        tpu.enqueue_dma source(%arg20 : memref<112x16xf32, #tpu.memory_space<vmem>>) target(%dma_start3A_37 : memref<112x16xf32, #tpu.memory_space<hbm>>) target_semaphore(%run_scoped3A : memref<!tpu.dma_semaphore, #tpu.memory_space<semaphore_mem>>)
        %dma_wait3A_38 = arith.constant 0 : i32
        %dma_wait3A_39 = tpu.memref_slice %arg12[%add3A_11, %dma_wait3A_38] : memref<50176x16xf32, #tpu.memory_space<hbm>> -> memref<112x16xf32, #tpu.memory_space<hbm>>
        %dma_wait3A_40 = arith.constant 0 : i32
        %dma_wait3A_41 = tpu.memref_slice %arg12[%add3A_11, %dma_wait3A_40] : memref<50176x16xf32, #tpu.memory_space<hbm>> -> memref<112x16xf32, #tpu.memory_space<hbm>>
        tpu.wait_dma2 semaphore(%run_scoped3A : memref<!tpu.dma_semaphore, #tpu.memory_space<semaphore_mem>>) src(%arg20 : memref<112x16xf32, #tpu.memory_space<vmem>>) dst(%dma_wait3A_41 : memref<112x16xf32, #tpu.memory_space<hbm>>)
        tpu.yield
      }) : () -> ()
      %dma_wait3A_31 = arith.constant 0 : i32
      %dma_wait3A_32 = arith.constant 0 : i32
      %dma_wait3A_33 = tpu.memref_slice %arg9[%dma_wait3A_31, %dma_wait3A_32] : memref<8x16xf32, #tpu.memory_space<hbm>> -> memref<8x16xf32, #tpu.memory_space<hbm>>
      tpu.wait_indirect_dma semaphore(%arg25 : memref<!tpu.dma_semaphore, #tpu.memory_space<semaphore_mem>>) src(%dma_wait3A_33 : memref<8x16xf32, #tpu.memory_space<hbm>>) dst(%arg21 : memref<112x16xf32, #tpu.memory_space<vmem>>)
      "tpu.region"() ({
        %run_scoped3A = tpu.sem_alloc : memref<!tpu.dma_semaphore, #tpu.memory_space<semaphore_mem>>
        %dma_start3A_34 = arith.constant 0 : i32
        %dma_start3A_35 = tpu.memref_slice %arg13[%add3A_11, %dma_start3A_34] : memref<50176x16xf32, #tpu.memory_space<hbm>> -> memref<112x16xf32, #tpu.memory_space<hbm>>
        %dma_start3A_36 = arith.constant 0 : i32
        %dma_start3A_37 = tpu.memref_slice %arg13[%add3A_11, %dma_start3A_36] : memref<50176x16xf32, #tpu.memory_space<hbm>> -> memref<112x16xf32, #tpu.memory_space<hbm>>
        tpu.enqueue_dma source(%arg21 : memref<112x16xf32, #tpu.memory_space<vmem>>) target(%dma_start3A_37 : memref<112x16xf32, #tpu.memory_space<hbm>>) target_semaphore(%run_scoped3A : memref<!tpu.dma_semaphore, #tpu.memory_space<semaphore_mem>>)
        %dma_wait3A_38 = arith.constant 0 : i32
        %dma_wait3A_39 = tpu.memref_slice %arg13[%add3A_11, %dma_wait3A_38] : memref<50176x16xf32, #tpu.memory_space<hbm>> -> memref<112x16xf32, #tpu.memory_space<hbm>>
        %dma_wait3A_40 = arith.constant 0 : i32
        %dma_wait3A_41 = tpu.memref_slice %arg13[%add3A_11, %dma_wait3A_40] : memref<50176x16xf32, #tpu.memory_space<hbm>> -> memref<112x16xf32, #tpu.memory_space<hbm>>
        tpu.wait_dma2 semaphore(%run_scoped3A : memref<!tpu.dma_semaphore, #tpu.memory_space<semaphore_mem>>) src(%arg21 : memref<112x16xf32, #tpu.memory_space<vmem>>) dst(%dma_wait3A_41 : memref<112x16xf32, #tpu.memory_space<hbm>>)
        tpu.yield
      }) : () -> ()
    }
    %scan3A_7 = arith.constant 14 : i32
    return
  }
}

#map = affine_map<(d0, d1) -> (0)>
#map1 = affine_map<(d0, d1) -> (0, 0)>
module attributes {stable_mosaic.version = 14 : i64} {
  func.func @_deg_kernel(%arg0: i32, %arg1: i32, %arg2: memref<825344xi32, #tpu.memory_space<hbm>>, %arg3: memref<416x16xf32, #tpu.memory_space<hbm>>, %arg4: memref<3136x16xf32, #tpu.memory_space<hbm>>, %arg5: memref<50176x16xf32, #tpu.memory_space<hbm>>, %arg6: memref<50176x16xf32, #tpu.memory_space<hbm>>, %arg7: memref<416xi32, #tpu.memory_space<vmem>>, %arg8: memref<416x16xf32, #tpu.memory_space<vmem>>, %arg9: memref<50176x16xf32, #tpu.memory_space<vmem_shared>>) attributes {dimension_semantics = [#tpu.dimension_semantics<core_parallel>, #tpu.dimension_semantics<subcore_parallel>], iteration_bounds = array<i64: 2, 16>, scalar_prefetch = 0 : i64, scratch_operands = 3 : i64, tpu.core_type = #tpu.core_type<sc_vector_subcore>, window_params = [{transform_indices = #map}, {transform_indices = #map1}, {transform_indices = #map1}, {transform_indices = #map1}, {transform_indices = #map1}]} {
    %mul3A = arith.constant 3136 : i32
    %mul3A_0 = arith.muli %arg1, %mul3A : i32
    "tpu.region"() ({
      %run_scoped3A = tpu.sem_alloc : memref<!tpu.dma_semaphore, #tpu.memory_space<semaphore_mem>>
      %dma_start3A = arith.constant 0 : i32
      %dma_start3A_20 = tpu.memref_slice %arg9[%mul3A_0, %dma_start3A] : memref<50176x16xf32, #tpu.memory_space<vmem_shared>> -> memref<3136x16xf32, #tpu.memory_space<vmem_shared>>
      tpu.enqueue_dma source(%arg4 : memref<3136x16xf32, #tpu.memory_space<hbm>>) target(%dma_start3A_20 : memref<3136x16xf32, #tpu.memory_space<vmem_shared>>) target_semaphore(%run_scoped3A : memref<!tpu.dma_semaphore, #tpu.memory_space<semaphore_mem>>)
      %dma_wait3A = arith.constant 0 : i32
      %dma_wait3A_21 = tpu.memref_slice %arg9[%mul3A_0, %dma_wait3A] : memref<50176x16xf32, #tpu.memory_space<vmem_shared>> -> memref<3136x16xf32, #tpu.memory_space<vmem_shared>>
      tpu.wait_dma2 semaphore(%run_scoped3A : memref<!tpu.dma_semaphore, #tpu.memory_space<semaphore_mem>>) src(%arg4 : memref<3136x16xf32, #tpu.memory_space<hbm>>) dst(%dma_wait3A_21 : memref<3136x16xf32, #tpu.memory_space<vmem_shared>>)
      tpu.yield
    }) : () -> ()
    "tpu.region"() ({
      %run_scoped3A = tpu.sem_alloc : memref<!tpu.dma_semaphore, #tpu.memory_space<semaphore_mem>>
      tpu.enqueue_dma source(%arg3 : memref<416x16xf32, #tpu.memory_space<hbm>>) target(%arg8 : memref<416x16xf32, #tpu.memory_space<vmem>>) target_semaphore(%run_scoped3A : memref<!tpu.dma_semaphore, #tpu.memory_space<semaphore_mem>>)
      tpu.wait_dma2 semaphore(%run_scoped3A : memref<!tpu.dma_semaphore, #tpu.memory_space<semaphore_mem>>) src(%arg3 : memref<416x16xf32, #tpu.memory_space<hbm>>) dst(%arg8 : memref<416x16xf32, #tpu.memory_space<vmem>>)
      tpu.yield
    }) : () -> ()
    %barrier3A = arith.constant 0 : index
    tpu.barrier barrier_id(%barrier3A)
    %mul3A_1 = arith.constant 16 : i32
    %mul3A_2 = arith.muli %arg0, %mul3A_1 : i32
    %add3A = arith.addi %mul3A_2, %arg1 : i32
    %mul3A_3 = arith.constant 25792 : i32
    %mul3A_4 = arith.muli %add3A, %mul3A_3 : i32
    %scan3A = arith.constant 0 : i32
    %scan3A_5 = arith.constant 0 : i32
    %scan3A_6 = arith.constant 62 : i32
    %scan3A_7 = arith.addi %scan3A_5, %scan3A_6 : i32
    %scan3A_8 = arith.constant 1 : i32
    scf.for %scan3A_20 = %scan3A_5 to %scan3A_7 step %scan3A_8  : i32 {
      %mul3A_21 = arith.constant 416 : i32
      %mul3A_22 = arith.muli %scan3A_20, %mul3A_21 : i32
      %add3A_23 = arith.addi %mul3A_4, %mul3A_22 : i32
      "tpu.region"() ({
        %run_scoped3A = tpu.sem_alloc : memref<!tpu.dma_semaphore, #tpu.memory_space<semaphore_mem>>
        %dma_start3A = tpu.memref_slice %arg2[%add3A_23] : memref<825344xi32, #tpu.memory_space<hbm>> -> memref<416xi32, #tpu.memory_space<hbm>>
        %dma_start3A_24 = tpu.memref_slice %arg2[%add3A_23] : memref<825344xi32, #tpu.memory_space<hbm>> -> memref<416xi32, #tpu.memory_space<hbm>>
        tpu.enqueue_dma source(%dma_start3A_24 : memref<416xi32, #tpu.memory_space<hbm>>) target(%arg7 : memref<416xi32, #tpu.memory_space<vmem>>) target_semaphore(%run_scoped3A : memref<!tpu.dma_semaphore, #tpu.memory_space<semaphore_mem>>)
        %dma_wait3A = tpu.memref_slice %arg2[%add3A_23] : memref<825344xi32, #tpu.memory_space<hbm>> -> memref<416xi32, #tpu.memory_space<hbm>>
        %dma_wait3A_25 = tpu.memref_slice %arg2[%add3A_23] : memref<825344xi32, #tpu.memory_space<hbm>> -> memref<416xi32, #tpu.memory_space<hbm>>
        tpu.wait_dma2 semaphore(%run_scoped3A : memref<!tpu.dma_semaphore, #tpu.memory_space<semaphore_mem>>) src(%dma_wait3A_25 : memref<416xi32, #tpu.memory_space<hbm>>) dst(%arg7 : memref<416xi32, #tpu.memory_space<vmem>>)
        tpu.yield
      }) : () -> ()
      "tpu.region"() ({
        %run_scoped3A = tpu.sem_alloc : memref<!tpu.dma_semaphore, #tpu.memory_space<semaphore_mem>>
        %dma_start3A = arith.constant 0 : i32
        %dma_start3A_24 = arith.constant 0 : i32
        %dma_start3A_25 = tpu.memref_slice %arg9[%dma_start3A, %dma_start3A_24] : memref<50176x16xf32, #tpu.memory_space<vmem_shared>> -> memref<50176x16xf32, #tpu.memory_space<vmem_shared>>
        tpu.enqueue_indirect_dma source(%arg8 : memref<416x16xf32, #tpu.memory_space<vmem>>) target(%dma_start3A_25 : memref<50176x16xf32, #tpu.memory_space<vmem_shared>>) offsets(%arg7 : memref<416xi32, #tpu.memory_space<vmem>>) semaphore(%run_scoped3A : memref<!tpu.dma_semaphore, #tpu.memory_space<semaphore_mem>>) {add = true}
        %dma_wait3A = arith.constant 0 : i32
        %dma_wait3A_26 = arith.constant 0 : i32
        %dma_wait3A_27 = tpu.memref_slice %arg9[%dma_wait3A, %dma_wait3A_26] : memref<50176x16xf32, #tpu.memory_space<vmem_shared>> -> memref<50176x16xf32, #tpu.memory_space<vmem_shared>>
        tpu.wait_indirect_dma semaphore(%run_scoped3A : memref<!tpu.dma_semaphore, #tpu.memory_space<semaphore_mem>>) src(%arg8 : memref<416x16xf32, #tpu.memory_space<vmem>>) dst(%dma_wait3A_27 : memref<50176x16xf32, #tpu.memory_space<vmem_shared>>)
        tpu.yield
      }) : () -> ()
    }
    %scan3A_9 = arith.constant 62 : i32
    %barrier3A_10 = arith.constant 0 : index
    tpu.barrier barrier_id(%barrier3A_10)
    %mul3A_11 = arith.constant 3136 : i32
    %mul3A_12 = arith.muli %arg1, %mul3A_11 : i32
    %eq3A = arith.constant 0 : i32
    %eq3A_13 = arith.cmpi eq, %arg0, %eq3A : i32
    %convert_element_type3A = arith.extui %eq3A_13 : i1 to i32
    %cond3A = arith.constant 0 : i32
    %cond3A_14 = arith.cmpi ne, %convert_element_type3A, %cond3A : i32
    scf.if %cond3A_14 {
      "tpu.region"() ({
        %run_scoped3A = tpu.sem_alloc : memref<!tpu.dma_semaphore, #tpu.memory_space<semaphore_mem>>
        %dma_start3A = arith.constant 0 : i32
        %dma_start3A_20 = tpu.memref_slice %arg5[%mul3A_12, %dma_start3A] : memref<50176x16xf32, #tpu.memory_space<hbm>> -> memref<3136x16xf32, #tpu.memory_space<hbm>>
        %dma_start3A_21 = arith.constant 0 : i32
        %dma_start3A_22 = tpu.memref_slice %arg9[%mul3A_12, %dma_start3A_21] : memref<50176x16xf32, #tpu.memory_space<vmem_shared>> -> memref<3136x16xf32, #tpu.memory_space<vmem_shared>>
        tpu.enqueue_dma source(%dma_start3A_22 : memref<3136x16xf32, #tpu.memory_space<vmem_shared>>) target(%dma_start3A_20 : memref<3136x16xf32, #tpu.memory_space<hbm>>) target_semaphore(%run_scoped3A : memref<!tpu.dma_semaphore, #tpu.memory_space<semaphore_mem>>)
        %dma_wait3A = arith.constant 0 : i32
        %dma_wait3A_23 = tpu.memref_slice %arg5[%mul3A_12, %dma_wait3A] : memref<50176x16xf32, #tpu.memory_space<hbm>> -> memref<3136x16xf32, #tpu.memory_space<hbm>>
        %dma_wait3A_24 = arith.constant 0 : i32
        %dma_wait3A_25 = tpu.memref_slice %arg9[%mul3A_12, %dma_wait3A_24] : memref<50176x16xf32, #tpu.memory_space<vmem_shared>> -> memref<3136x16xf32, #tpu.memory_space<vmem_shared>>
        tpu.wait_dma2 semaphore(%run_scoped3A : memref<!tpu.dma_semaphore, #tpu.memory_space<semaphore_mem>>) src(%dma_wait3A_25 : memref<3136x16xf32, #tpu.memory_space<vmem_shared>>) dst(%dma_wait3A_23 : memref<3136x16xf32, #tpu.memory_space<hbm>>)
        tpu.yield
      }) : () -> ()
    } else {
    }
    %eq3A_15 = arith.constant 1 : i32
    %eq3A_16 = arith.cmpi eq, %arg0, %eq3A_15 : i32
    %convert_element_type3A_17 = arith.extui %eq3A_16 : i1 to i32
    %cond3A_18 = arith.constant 0 : i32
    %cond3A_19 = arith.cmpi ne, %convert_element_type3A_17, %cond3A_18 : i32
    scf.if %cond3A_19 {
      "tpu.region"() ({
        %run_scoped3A = tpu.sem_alloc : memref<!tpu.dma_semaphore, #tpu.memory_space<semaphore_mem>>
        %dma_start3A = arith.constant 0 : i32
        %dma_start3A_20 = tpu.memref_slice %arg6[%mul3A_12, %dma_start3A] : memref<50176x16xf32, #tpu.memory_space<hbm>> -> memref<3136x16xf32, #tpu.memory_space<hbm>>
        %dma_start3A_21 = arith.constant 0 : i32
        %dma_start3A_22 = tpu.memref_slice %arg9[%mul3A_12, %dma_start3A_21] : memref<50176x16xf32, #tpu.memory_space<vmem_shared>> -> memref<3136x16xf32, #tpu.memory_space<vmem_shared>>
        tpu.enqueue_dma source(%dma_start3A_22 : memref<3136x16xf32, #tpu.memory_space<vmem_shared>>) target(%dma_start3A_20 : memref<3136x16xf32, #tpu.memory_space<hbm>>) target_semaphore(%run_scoped3A : memref<!tpu.dma_semaphore, #tpu.memory_space<semaphore_mem>>)
        %dma_wait3A = arith.constant 0 : i32
        %dma_wait3A_23 = tpu.memref_slice %arg6[%mul3A_12, %dma_wait3A] : memref<50176x16xf32, #tpu.memory_space<hbm>> -> memref<3136x16xf32, #tpu.memory_space<hbm>>
        %dma_wait3A_24 = arith.constant 0 : i32
        %dma_wait3A_25 = tpu.memref_slice %arg9[%mul3A_12, %dma_wait3A_24] : memref<50176x16xf32, #tpu.memory_space<vmem_shared>> -> memref<3136x16xf32, #tpu.memory_space<vmem_shared>>
        tpu.wait_dma2 semaphore(%run_scoped3A : memref<!tpu.dma_semaphore, #tpu.memory_space<semaphore_mem>>) src(%dma_wait3A_25 : memref<3136x16xf32, #tpu.memory_space<vmem_shared>>) dst(%dma_wait3A_23 : memref<3136x16xf32, #tpu.memory_space<hbm>>)
        tpu.yield
      }) : () -> ()
    } else {
    }
    return
  }
}

#map = affine_map<(d0, d1) -> (0, 0)>
#map1 = affine_map<(d0, d1) -> (0)>
module attributes {stable_mosaic.version = 14 : i64} {
  func.func @_agg_kernel(%arg0: i32, %arg1: i32, %arg2: memref<50176x32xf32, #tpu.memory_space<hbm>>, %arg3: memref<50176x32xf32, #tpu.memory_space<hbm>>, %arg4: memref<825344xi32, #tpu.memory_space<hbm>>, %arg5: memref<825344xi32, #tpu.memory_space<hbm>>, %arg6: memref<3136x32xf32, #tpu.memory_space<hbm>>, %arg7: memref<50176x32xf32, #tpu.memory_space<hbm>>, %arg8: memref<50176x32xf32, #tpu.memory_space<hbm>>, %arg9: memref<416xi32, #tpu.memory_space<vmem>>, %arg10: memref<416xi32, #tpu.memory_space<vmem>>, %arg11: memref<416xi32, #tpu.memory_space<vmem>>, %arg12: memref<416xi32, #tpu.memory_space<vmem>>, %arg13: memref<416x32xf32, #tpu.memory_space<vmem>>, %arg14: memref<416x32xf32, #tpu.memory_space<vmem>>, %arg15: memref<50176x32xf32, #tpu.memory_space<vmem_shared>>, %arg16: memref<!tpu.dma_semaphore, #tpu.memory_space<semaphore_mem>>, %arg17: memref<!tpu.dma_semaphore, #tpu.memory_space<semaphore_mem>>) attributes {dimension_semantics = [#tpu.dimension_semantics<core_parallel>, #tpu.dimension_semantics<subcore_parallel>], iteration_bounds = array<i64: 2, 16>, scalar_prefetch = 0 : i64, scratch_operands = 9 : i64, tpu.core_type = #tpu.core_type<sc_vector_subcore>, window_params = [{transform_indices = #map}, {transform_indices = #map}, {transform_indices = #map1}, {transform_indices = #map1}, {transform_indices = #map}, {transform_indices = #map}, {transform_indices = #map}]} {
    %mul3A = arith.constant 3136 : i32
    %mul3A_0 = arith.muli %arg1, %mul3A : i32
    "tpu.region"() ({
      %run_scoped3A = tpu.sem_alloc : memref<!tpu.dma_semaphore, #tpu.memory_space<semaphore_mem>>
      %dma_start3A = arith.constant 0 : i32
      %dma_start3A_23 = tpu.memref_slice %arg15[%mul3A_0, %dma_start3A] : memref<50176x32xf32, #tpu.memory_space<vmem_shared>> -> memref<3136x32xf32, #tpu.memory_space<vmem_shared>>
      tpu.enqueue_dma source(%arg6 : memref<3136x32xf32, #tpu.memory_space<hbm>>) target(%dma_start3A_23 : memref<3136x32xf32, #tpu.memory_space<vmem_shared>>) target_semaphore(%run_scoped3A : memref<!tpu.dma_semaphore, #tpu.memory_space<semaphore_mem>>)
      %dma_wait3A = arith.constant 0 : i32
      %dma_wait3A_24 = tpu.memref_slice %arg15[%mul3A_0, %dma_wait3A] : memref<50176x32xf32, #tpu.memory_space<vmem_shared>> -> memref<3136x32xf32, #tpu.memory_space<vmem_shared>>
      tpu.wait_dma2 semaphore(%run_scoped3A : memref<!tpu.dma_semaphore, #tpu.memory_space<semaphore_mem>>) src(%arg6 : memref<3136x32xf32, #tpu.memory_space<hbm>>) dst(%dma_wait3A_24 : memref<3136x32xf32, #tpu.memory_space<vmem_shared>>)
      tpu.yield
    }) : () -> ()
    %barrier3A = arith.constant 0 : index
    tpu.barrier barrier_id(%barrier3A)
    %mul3A_1 = arith.constant 51584 : i32
    %mul3A_2 = arith.muli %arg1, %mul3A_1 : i32
    %eq3A = arith.constant 0 : i32
    %eq3A_3 = arith.cmpi eq, %arg0, %eq3A : i32
    %convert_element_type3A = arith.extui %eq3A_3 : i1 to i32
    %cond3A = arith.constant 0 : i32
    %cond3A_4 = arith.cmpi ne, %convert_element_type3A, %cond3A : i32
    scf.if %cond3A_4 {
      %add3A = arith.constant 0 : i32
      %add3A_23 = arith.addi %mul3A_2, %add3A : i32
      "tpu.region"() ({
        %run_scoped3A = tpu.sem_alloc : memref<!tpu.dma_semaphore, #tpu.memory_space<semaphore_mem>>
        %dma_start3A_31 = tpu.memref_slice %arg4[%add3A_23] : memref<825344xi32, #tpu.memory_space<hbm>> -> memref<416xi32, #tpu.memory_space<hbm>>
        %dma_start3A_32 = tpu.memref_slice %arg4[%add3A_23] : memref<825344xi32, #tpu.memory_space<hbm>> -> memref<416xi32, #tpu.memory_space<hbm>>
        tpu.enqueue_dma source(%dma_start3A_32 : memref<416xi32, #tpu.memory_space<hbm>>) target(%arg9 : memref<416xi32, #tpu.memory_space<vmem>>) target_semaphore(%run_scoped3A : memref<!tpu.dma_semaphore, #tpu.memory_space<semaphore_mem>>)
        %dma_wait3A = tpu.memref_slice %arg4[%add3A_23] : memref<825344xi32, #tpu.memory_space<hbm>> -> memref<416xi32, #tpu.memory_space<hbm>>
        %dma_wait3A_33 = tpu.memref_slice %arg4[%add3A_23] : memref<825344xi32, #tpu.memory_space<hbm>> -> memref<416xi32, #tpu.memory_space<hbm>>
        tpu.wait_dma2 semaphore(%run_scoped3A : memref<!tpu.dma_semaphore, #tpu.memory_space<semaphore_mem>>) src(%dma_wait3A_33 : memref<416xi32, #tpu.memory_space<hbm>>) dst(%arg9 : memref<416xi32, #tpu.memory_space<vmem>>)
        tpu.yield
      }) : () -> ()
      "tpu.region"() ({
        %run_scoped3A = tpu.sem_alloc : memref<!tpu.dma_semaphore, #tpu.memory_space<semaphore_mem>>
        %dma_start3A_31 = tpu.memref_slice %arg5[%add3A_23] : memref<825344xi32, #tpu.memory_space<hbm>> -> memref<416xi32, #tpu.memory_space<hbm>>
        %dma_start3A_32 = tpu.memref_slice %arg5[%add3A_23] : memref<825344xi32, #tpu.memory_space<hbm>> -> memref<416xi32, #tpu.memory_space<hbm>>
        tpu.enqueue_dma source(%dma_start3A_32 : memref<416xi32, #tpu.memory_space<hbm>>) target(%arg11 : memref<416xi32, #tpu.memory_space<vmem>>) target_semaphore(%run_scoped3A : memref<!tpu.dma_semaphore, #tpu.memory_space<semaphore_mem>>)
        %dma_wait3A = tpu.memref_slice %arg5[%add3A_23] : memref<825344xi32, #tpu.memory_space<hbm>> -> memref<416xi32, #tpu.memory_space<hbm>>
        %dma_wait3A_33 = tpu.memref_slice %arg5[%add3A_23] : memref<825344xi32, #tpu.memory_space<hbm>> -> memref<416xi32, #tpu.memory_space<hbm>>
        tpu.wait_dma2 semaphore(%run_scoped3A : memref<!tpu.dma_semaphore, #tpu.memory_space<semaphore_mem>>) src(%dma_wait3A_33 : memref<416xi32, #tpu.memory_space<hbm>>) dst(%arg11 : memref<416xi32, #tpu.memory_space<vmem>>)
        tpu.yield
      }) : () -> ()
      %dma_start3A = arith.constant 0 : i32
      %dma_start3A_24 = arith.constant 0 : i32
      %dma_start3A_25 = tpu.memref_slice %arg2[%dma_start3A, %dma_start3A_24] : memref<50176x32xf32, #tpu.memory_space<hbm>> -> memref<50176x32xf32, #tpu.memory_space<hbm>>
      tpu.enqueue_indirect_dma source(%dma_start3A_25 : memref<50176x32xf32, #tpu.memory_space<hbm>>) target(%arg13 : memref<416x32xf32, #tpu.memory_space<vmem>>) offsets(%arg9 : memref<416xi32, #tpu.memory_space<vmem>>) semaphore(%arg16 : memref<!tpu.dma_semaphore, #tpu.memory_space<semaphore_mem>>)
      %scan3A = arith.constant 0 : i32
      %scan3A_26 = arith.constant 0 : i32
      %scan3A_27 = arith.constant 62 : i32
      %scan3A_28 = arith.addi %scan3A_26, %scan3A_27 : i32
      %scan3A_29 = arith.constant 1 : i32
      scf.for %scan3A_31 = %scan3A_26 to %scan3A_28 step %scan3A_29  : i32 {
        %mul3A_32 = arith.constant 2 : i32
        %mul3A_33 = arith.muli %scan3A_31, %mul3A_32 : i32
        %add3A_34 = arith.constant 0 : i32
        %add3A_35 = arith.addi %mul3A_33, %add3A_34 : i32
        %add3A_36 = arith.constant 1 : i32
        %add3A_37 = arith.addi %add3A_35, %add3A_36 : i32
        %lt3A = arith.constant 124 : i32
        %lt3A_38 = arith.cmpi slt, %add3A_37, %lt3A : i32
        %convert_element_type3A_39 = arith.extui %lt3A_38 : i1 to i32
        %cond3A_40 = arith.constant 0 : i32
        %cond3A_41 = arith.cmpi ne, %convert_element_type3A_39, %cond3A_40 : i32
        scf.if %cond3A_41 {
          %mul3A_56 = arith.constant 416 : i32
          %mul3A_57 = arith.muli %add3A_37, %mul3A_56 : i32
          %add3A_58 = arith.addi %mul3A_2, %mul3A_57 : i32
          "tpu.region"() ({
            %run_scoped3A = tpu.sem_alloc : memref<!tpu.dma_semaphore, #tpu.memory_space<semaphore_mem>>
            %dma_start3A_62 = tpu.memref_slice %arg4[%add3A_58] : memref<825344xi32, #tpu.memory_space<hbm>> -> memref<416xi32, #tpu.memory_space<hbm>>
            %dma_start3A_63 = tpu.memref_slice %arg4[%add3A_58] : memref<825344xi32, #tpu.memory_space<hbm>> -> memref<416xi32, #tpu.memory_space<hbm>>
            tpu.enqueue_dma source(%dma_start3A_63 : memref<416xi32, #tpu.memory_space<hbm>>) target(%arg10 : memref<416xi32, #tpu.memory_space<vmem>>) target_semaphore(%run_scoped3A : memref<!tpu.dma_semaphore, #tpu.memory_space<semaphore_mem>>)
            %dma_wait3A_64 = tpu.memref_slice %arg4[%add3A_58] : memref<825344xi32, #tpu.memory_space<hbm>> -> memref<416xi32, #tpu.memory_space<hbm>>
            %dma_wait3A_65 = tpu.memref_slice %arg4[%add3A_58] : memref<825344xi32, #tpu.memory_space<hbm>> -> memref<416xi32, #tpu.memory_space<hbm>>
            tpu.wait_dma2 semaphore(%run_scoped3A : memref<!tpu.dma_semaphore, #tpu.memory_space<semaphore_mem>>) src(%dma_wait3A_65 : memref<416xi32, #tpu.memory_space<hbm>>) dst(%arg10 : memref<416xi32, #tpu.memory_space<vmem>>)
            tpu.yield
          }) : () -> ()
          "tpu.region"() ({
            %run_scoped3A = tpu.sem_alloc : memref<!tpu.dma_semaphore, #tpu.memory_space<semaphore_mem>>
            %dma_start3A_62 = tpu.memref_slice %arg5[%add3A_58] : memref<825344xi32, #tpu.memory_space<hbm>> -> memref<416xi32, #tpu.memory_space<hbm>>
            %dma_start3A_63 = tpu.memref_slice %arg5[%add3A_58] : memref<825344xi32, #tpu.memory_space<hbm>> -> memref<416xi32, #tpu.memory_space<hbm>>
            tpu.enqueue_dma source(%dma_start3A_63 : memref<416xi32, #tpu.memory_space<hbm>>) target(%arg12 : memref<416xi32, #tpu.memory_space<vmem>>) target_semaphore(%run_scoped3A : memref<!tpu.dma_semaphore, #tpu.memory_space<semaphore_mem>>)
            %dma_wait3A_64 = tpu.memref_slice %arg5[%add3A_58] : memref<825344xi32, #tpu.memory_space<hbm>> -> memref<416xi32, #tpu.memory_space<hbm>>
            %dma_wait3A_65 = tpu.memref_slice %arg5[%add3A_58] : memref<825344xi32, #tpu.memory_space<hbm>> -> memref<416xi32, #tpu.memory_space<hbm>>
            tpu.wait_dma2 semaphore(%run_scoped3A : memref<!tpu.dma_semaphore, #tpu.memory_space<semaphore_mem>>) src(%dma_wait3A_65 : memref<416xi32, #tpu.memory_space<hbm>>) dst(%arg12 : memref<416xi32, #tpu.memory_space<vmem>>)
            tpu.yield
          }) : () -> ()
          %dma_start3A_59 = arith.constant 0 : i32
          %dma_start3A_60 = arith.constant 0 : i32
          %dma_start3A_61 = tpu.memref_slice %arg2[%dma_start3A_59, %dma_start3A_60] : memref<50176x32xf32, #tpu.memory_space<hbm>> -> memref<50176x32xf32, #tpu.memory_space<hbm>>
          tpu.enqueue_indirect_dma source(%dma_start3A_61 : memref<50176x32xf32, #tpu.memory_space<hbm>>) target(%arg14 : memref<416x32xf32, #tpu.memory_space<vmem>>) offsets(%arg10 : memref<416xi32, #tpu.memory_space<vmem>>) semaphore(%arg17 : memref<!tpu.dma_semaphore, #tpu.memory_space<semaphore_mem>>)
        } else {
        }
        %dma_wait3A = arith.constant 0 : i32
        %dma_wait3A_42 = arith.constant 0 : i32
        %dma_wait3A_43 = tpu.memref_slice %arg2[%dma_wait3A, %dma_wait3A_42] : memref<50176x32xf32, #tpu.memory_space<hbm>> -> memref<50176x32xf32, #tpu.memory_space<hbm>>
        tpu.wait_indirect_dma semaphore(%arg16 : memref<!tpu.dma_semaphore, #tpu.memory_space<semaphore_mem>>) src(%dma_wait3A_43 : memref<50176x32xf32, #tpu.memory_space<hbm>>) dst(%arg13 : memref<416x32xf32, #tpu.memory_space<vmem>>)
        "tpu.region"() ({
          %run_scoped3A = tpu.sem_alloc : memref<!tpu.dma_semaphore, #tpu.memory_space<semaphore_mem>>
          %dma_start3A_56 = arith.constant 0 : i32
          %dma_start3A_57 = arith.constant 0 : i32
          %dma_start3A_58 = tpu.memref_slice %arg15[%dma_start3A_56, %dma_start3A_57] : memref<50176x32xf32, #tpu.memory_space<vmem_shared>> -> memref<50176x32xf32, #tpu.memory_space<vmem_shared>>
          tpu.enqueue_indirect_dma source(%arg13 : memref<416x32xf32, #tpu.memory_space<vmem>>) target(%dma_start3A_58 : memref<50176x32xf32, #tpu.memory_space<vmem_shared>>) offsets(%arg11 : memref<416xi32, #tpu.memory_space<vmem>>) semaphore(%run_scoped3A : memref<!tpu.dma_semaphore, #tpu.memory_space<semaphore_mem>>) {add = true}
          %dma_wait3A_59 = arith.constant 0 : i32
          %dma_wait3A_60 = arith.constant 0 : i32
          %dma_wait3A_61 = tpu.memref_slice %arg15[%dma_wait3A_59, %dma_wait3A_60] : memref<50176x32xf32, #tpu.memory_space<vmem_shared>> -> memref<50176x32xf32, #tpu.memory_space<vmem_shared>>
          tpu.wait_indirect_dma semaphore(%run_scoped3A : memref<!tpu.dma_semaphore, #tpu.memory_space<semaphore_mem>>) src(%arg13 : memref<416x32xf32, #tpu.memory_space<vmem>>) dst(%dma_wait3A_61 : memref<50176x32xf32, #tpu.memory_space<vmem_shared>>)
          tpu.yield
        }) : () -> ()
        %add3A_44 = arith.constant 1 : i32
        %add3A_45 = arith.addi %mul3A_33, %add3A_44 : i32
        %add3A_46 = arith.constant 1 : i32
        %add3A_47 = arith.addi %add3A_45, %add3A_46 : i32
        %lt3A_48 = arith.constant 124 : i32
        %lt3A_49 = arith.cmpi slt, %add3A_47, %lt3A_48 : i32
        %convert_element_type3A_50 = arith.extui %lt3A_49 : i1 to i32
        %cond3A_51 = arith.constant 0 : i32
        %cond3A_52 = arith.cmpi ne, %convert_element_type3A_50, %cond3A_51 : i32
        scf.if %cond3A_52 {
          %mul3A_56 = arith.constant 416 : i32
          %mul3A_57 = arith.muli %add3A_47, %mul3A_56 : i32
          %add3A_58 = arith.addi %mul3A_2, %mul3A_57 : i32
          "tpu.region"() ({
            %run_scoped3A = tpu.sem_alloc : memref<!tpu.dma_semaphore, #tpu.memory_space<semaphore_mem>>
            %dma_start3A_62 = tpu.memref_slice %arg4[%add3A_58] : memref<825344xi32, #tpu.memory_space<hbm>> -> memref<416xi32, #tpu.memory_space<hbm>>
            %dma_start3A_63 = tpu.memref_slice %arg4[%add3A_58] : memref<825344xi32, #tpu.memory_space<hbm>> -> memref<416xi32, #tpu.memory_space<hbm>>
            tpu.enqueue_dma source(%dma_start3A_63 : memref<416xi32, #tpu.memory_space<hbm>>) target(%arg9 : memref<416xi32, #tpu.memory_space<vmem>>) target_semaphore(%run_scoped3A : memref<!tpu.dma_semaphore, #tpu.memory_space<semaphore_mem>>)
            %dma_wait3A_64 = tpu.memref_slice %arg4[%add3A_58] : memref<825344xi32, #tpu.memory_space<hbm>> -> memref<416xi32, #tpu.memory_space<hbm>>
            %dma_wait3A_65 = tpu.memref_slice %arg4[%add3A_58] : memref<825344xi32, #tpu.memory_space<hbm>> -> memref<416xi32, #tpu.memory_space<hbm>>
            tpu.wait_dma2 semaphore(%run_scoped3A : memref<!tpu.dma_semaphore, #tpu.memory_space<semaphore_mem>>) src(%dma_wait3A_65 : memref<416xi32, #tpu.memory_space<hbm>>) dst(%arg9 : memref<416xi32, #tpu.memory_space<vmem>>)
            tpu.yield
          }) : () -> ()
          "tpu.region"() ({
            %run_scoped3A = tpu.sem_alloc : memref<!tpu.dma_semaphore, #tpu.memory_space<semaphore_mem>>
            %dma_start3A_62 = tpu.memref_slice %arg5[%add3A_58] : memref<825344xi32, #tpu.memory_space<hbm>> -> memref<416xi32, #tpu.memory_space<hbm>>
            %dma_start3A_63 = tpu.memref_slice %arg5[%add3A_58] : memref<825344xi32, #tpu.memory_space<hbm>> -> memref<416xi32, #tpu.memory_space<hbm>>
            tpu.enqueue_dma source(%dma_start3A_63 : memref<416xi32, #tpu.memory_space<hbm>>) target(%arg11 : memref<416xi32, #tpu.memory_space<vmem>>) target_semaphore(%run_scoped3A : memref<!tpu.dma_semaphore, #tpu.memory_space<semaphore_mem>>)
            %dma_wait3A_64 = tpu.memref_slice %arg5[%add3A_58] : memref<825344xi32, #tpu.memory_space<hbm>> -> memref<416xi32, #tpu.memory_space<hbm>>
            %dma_wait3A_65 = tpu.memref_slice %arg5[%add3A_58] : memref<825344xi32, #tpu.memory_space<hbm>> -> memref<416xi32, #tpu.memory_space<hbm>>
            tpu.wait_dma2 semaphore(%run_scoped3A : memref<!tpu.dma_semaphore, #tpu.memory_space<semaphore_mem>>) src(%dma_wait3A_65 : memref<416xi32, #tpu.memory_space<hbm>>) dst(%arg11 : memref<416xi32, #tpu.memory_space<vmem>>)
            tpu.yield
          }) : () -> ()
          %dma_start3A_59 = arith.constant 0 : i32
          %dma_start3A_60 = arith.constant 0 : i32
          %dma_start3A_61 = tpu.memref_slice %arg2[%dma_start3A_59, %dma_start3A_60] : memref<50176x32xf32, #tpu.memory_space<hbm>> -> memref<50176x32xf32, #tpu.memory_space<hbm>>
          tpu.enqueue_indirect_dma source(%dma_start3A_61 : memref<50176x32xf32, #tpu.memory_space<hbm>>) target(%arg13 : memref<416x32xf32, #tpu.memory_space<vmem>>) offsets(%arg9 : memref<416xi32, #tpu.memory_space<vmem>>) semaphore(%arg16 : memref<!tpu.dma_semaphore, #tpu.memory_space<semaphore_mem>>)
        } else {
        }
        %dma_wait3A_53 = arith.constant 0 : i32
        %dma_wait3A_54 = arith.constant 0 : i32
        %dma_wait3A_55 = tpu.memref_slice %arg2[%dma_wait3A_53, %dma_wait3A_54] : memref<50176x32xf32, #tpu.memory_space<hbm>> -> memref<50176x32xf32, #tpu.memory_space<hbm>>
        tpu.wait_indirect_dma semaphore(%arg17 : memref<!tpu.dma_semaphore, #tpu.memory_space<semaphore_mem>>) src(%dma_wait3A_55 : memref<50176x32xf32, #tpu.memory_space<hbm>>) dst(%arg14 : memref<416x32xf32, #tpu.memory_space<vmem>>)
        "tpu.region"() ({
          %run_scoped3A = tpu.sem_alloc : memref<!tpu.dma_semaphore, #tpu.memory_space<semaphore_mem>>
          %dma_start3A_56 = arith.constant 0 : i32
          %dma_start3A_57 = arith.constant 0 : i32
          %dma_start3A_58 = tpu.memref_slice %arg15[%dma_start3A_56, %dma_start3A_57] : memref<50176x32xf32, #tpu.memory_space<vmem_shared>> -> memref<50176x32xf32, #tpu.memory_space<vmem_shared>>
          tpu.enqueue_indirect_dma source(%arg14 : memref<416x32xf32, #tpu.memory_space<vmem>>) target(%dma_start3A_58 : memref<50176x32xf32, #tpu.memory_space<vmem_shared>>) offsets(%arg12 : memref<416xi32, #tpu.memory_space<vmem>>) semaphore(%run_scoped3A : memref<!tpu.dma_semaphore, #tpu.memory_space<semaphore_mem>>) {add = true}
          %dma_wait3A_59 = arith.constant 0 : i32
          %dma_wait3A_60 = arith.constant 0 : i32
          %dma_wait3A_61 = tpu.memref_slice %arg15[%dma_wait3A_59, %dma_wait3A_60] : memref<50176x32xf32, #tpu.memory_space<vmem_shared>> -> memref<50176x32xf32, #tpu.memory_space<vmem_shared>>
          tpu.wait_indirect_dma semaphore(%run_scoped3A : memref<!tpu.dma_semaphore, #tpu.memory_space<semaphore_mem>>) src(%arg14 : memref<416x32xf32, #tpu.memory_space<vmem>>) dst(%dma_wait3A_61 : memref<50176x32xf32, #tpu.memory_space<vmem_shared>>)
          tpu.yield
        }) : () -> ()
      }
      %scan3A_30 = arith.constant 62 : i32
    } else {
    }
    %eq3A_5 = arith.constant 1 : i32
    %eq3A_6 = arith.cmpi eq, %arg0, %eq3A_5 : i32
    %convert_element_type3A_7 = arith.extui %eq3A_6 : i1 to i32
    %cond3A_8 = arith.constant 0 : i32
    %cond3A_9 = arith.cmpi ne, %convert_element_type3A_7, %cond3A_8 : i32
    scf.if %cond3A_9 {
      %add3A = arith.constant 0 : i32
      %add3A_23 = arith.addi %mul3A_2, %add3A : i32
      "tpu.region"() ({
        %run_scoped3A = tpu.sem_alloc : memref<!tpu.dma_semaphore, #tpu.memory_space<semaphore_mem>>
        %dma_start3A_31 = tpu.memref_slice %arg4[%add3A_23] : memref<825344xi32, #tpu.memory_space<hbm>> -> memref<416xi32, #tpu.memory_space<hbm>>
        %dma_start3A_32 = tpu.memref_slice %arg4[%add3A_23] : memref<825344xi32, #tpu.memory_space<hbm>> -> memref<416xi32, #tpu.memory_space<hbm>>
        tpu.enqueue_dma source(%dma_start3A_32 : memref<416xi32, #tpu.memory_space<hbm>>) target(%arg9 : memref<416xi32, #tpu.memory_space<vmem>>) target_semaphore(%run_scoped3A : memref<!tpu.dma_semaphore, #tpu.memory_space<semaphore_mem>>)
        %dma_wait3A = tpu.memref_slice %arg4[%add3A_23] : memref<825344xi32, #tpu.memory_space<hbm>> -> memref<416xi32, #tpu.memory_space<hbm>>
        %dma_wait3A_33 = tpu.memref_slice %arg4[%add3A_23] : memref<825344xi32, #tpu.memory_space<hbm>> -> memref<416xi32, #tpu.memory_space<hbm>>
        tpu.wait_dma2 semaphore(%run_scoped3A : memref<!tpu.dma_semaphore, #tpu.memory_space<semaphore_mem>>) src(%dma_wait3A_33 : memref<416xi32, #tpu.memory_space<hbm>>) dst(%arg9 : memref<416xi32, #tpu.memory_space<vmem>>)
        tpu.yield
      }) : () -> ()
      "tpu.region"() ({
        %run_scoped3A = tpu.sem_alloc : memref<!tpu.dma_semaphore, #tpu.memory_space<semaphore_mem>>
        %dma_start3A_31 = tpu.memref_slice %arg5[%add3A_23] : memref<825344xi32, #tpu.memory_space<hbm>> -> memref<416xi32, #tpu.memory_space<hbm>>
        %dma_start3A_32 = tpu.memref_slice %arg5[%add3A_23] : memref<825344xi32, #tpu.memory_space<hbm>> -> memref<416xi32, #tpu.memory_space<hbm>>
        tpu.enqueue_dma source(%dma_start3A_32 : memref<416xi32, #tpu.memory_space<hbm>>) target(%arg11 : memref<416xi32, #tpu.memory_space<vmem>>) target_semaphore(%run_scoped3A : memref<!tpu.dma_semaphore, #tpu.memory_space<semaphore_mem>>)
        %dma_wait3A = tpu.memref_slice %arg5[%add3A_23] : memref<825344xi32, #tpu.memory_space<hbm>> -> memref<416xi32, #tpu.memory_space<hbm>>
        %dma_wait3A_33 = tpu.memref_slice %arg5[%add3A_23] : memref<825344xi32, #tpu.memory_space<hbm>> -> memref<416xi32, #tpu.memory_space<hbm>>
        tpu.wait_dma2 semaphore(%run_scoped3A : memref<!tpu.dma_semaphore, #tpu.memory_space<semaphore_mem>>) src(%dma_wait3A_33 : memref<416xi32, #tpu.memory_space<hbm>>) dst(%arg11 : memref<416xi32, #tpu.memory_space<vmem>>)
        tpu.yield
      }) : () -> ()
      %dma_start3A = arith.constant 0 : i32
      %dma_start3A_24 = arith.constant 0 : i32
      %dma_start3A_25 = tpu.memref_slice %arg3[%dma_start3A, %dma_start3A_24] : memref<50176x32xf32, #tpu.memory_space<hbm>> -> memref<50176x32xf32, #tpu.memory_space<hbm>>
      tpu.enqueue_indirect_dma source(%dma_start3A_25 : memref<50176x32xf32, #tpu.memory_space<hbm>>) target(%arg13 : memref<416x32xf32, #tpu.memory_space<vmem>>) offsets(%arg9 : memref<416xi32, #tpu.memory_space<vmem>>) semaphore(%arg16 : memref<!tpu.dma_semaphore, #tpu.memory_space<semaphore_mem>>)
      %scan3A = arith.constant 0 : i32
      %scan3A_26 = arith.constant 0 : i32
      %scan3A_27 = arith.constant 62 : i32
      %scan3A_28 = arith.addi %scan3A_26, %scan3A_27 : i32
      %scan3A_29 = arith.constant 1 : i32
      scf.for %scan3A_31 = %scan3A_26 to %scan3A_28 step %scan3A_29  : i32 {
        %mul3A_32 = arith.constant 2 : i32
        %mul3A_33 = arith.muli %scan3A_31, %mul3A_32 : i32
        %add3A_34 = arith.constant 0 : i32
        %add3A_35 = arith.addi %mul3A_33, %add3A_34 : i32
        %add3A_36 = arith.constant 1 : i32
        %add3A_37 = arith.addi %add3A_35, %add3A_36 : i32
        %lt3A = arith.constant 124 : i32
        %lt3A_38 = arith.cmpi slt, %add3A_37, %lt3A : i32
        %convert_element_type3A_39 = arith.extui %lt3A_38 : i1 to i32
        %cond3A_40 = arith.constant 0 : i32
        %cond3A_41 = arith.cmpi ne, %convert_element_type3A_39, %cond3A_40 : i32
        scf.if %cond3A_41 {
          %mul3A_56 = arith.constant 416 : i32
          %mul3A_57 = arith.muli %add3A_37, %mul3A_56 : i32
          %add3A_58 = arith.addi %mul3A_2, %mul3A_57 : i32
          "tpu.region"() ({
            %run_scoped3A = tpu.sem_alloc : memref<!tpu.dma_semaphore, #tpu.memory_space<semaphore_mem>>
            %dma_start3A_62 = tpu.memref_slice %arg4[%add3A_58] : memref<825344xi32, #tpu.memory_space<hbm>> -> memref<416xi32, #tpu.memory_space<hbm>>
            %dma_start3A_63 = tpu.memref_slice %arg4[%add3A_58] : memref<825344xi32, #tpu.memory_space<hbm>> -> memref<416xi32, #tpu.memory_space<hbm>>
            tpu.enqueue_dma source(%dma_start3A_63 : memref<416xi32, #tpu.memory_space<hbm>>) target(%arg10 : memref<416xi32, #tpu.memory_space<vmem>>) target_semaphore(%run_scoped3A : memref<!tpu.dma_semaphore, #tpu.memory_space<semaphore_mem>>)
            %dma_wait3A_64 = tpu.memref_slice %arg4[%add3A_58] : memref<825344xi32, #tpu.memory_space<hbm>> -> memref<416xi32, #tpu.memory_space<hbm>>
            %dma_wait3A_65 = tpu.memref_slice %arg4[%add3A_58] : memref<825344xi32, #tpu.memory_space<hbm>> -> memref<416xi32, #tpu.memory_space<hbm>>
            tpu.wait_dma2 semaphore(%run_scoped3A : memref<!tpu.dma_semaphore, #tpu.memory_space<semaphore_mem>>) src(%dma_wait3A_65 : memref<416xi32, #tpu.memory_space<hbm>>) dst(%arg10 : memref<416xi32, #tpu.memory_space<vmem>>)
            tpu.yield
          }) : () -> ()
          "tpu.region"() ({
            %run_scoped3A = tpu.sem_alloc : memref<!tpu.dma_semaphore, #tpu.memory_space<semaphore_mem>>
            %dma_start3A_62 = tpu.memref_slice %arg5[%add3A_58] : memref<825344xi32, #tpu.memory_space<hbm>> -> memref<416xi32, #tpu.memory_space<hbm>>
            %dma_start3A_63 = tpu.memref_slice %arg5[%add3A_58] : memref<825344xi32, #tpu.memory_space<hbm>> -> memref<416xi32, #tpu.memory_space<hbm>>
            tpu.enqueue_dma source(%dma_start3A_63 : memref<416xi32, #tpu.memory_space<hbm>>) target(%arg12 : memref<416xi32, #tpu.memory_space<vmem>>) target_semaphore(%run_scoped3A : memref<!tpu.dma_semaphore, #tpu.memory_space<semaphore_mem>>)
            %dma_wait3A_64 = tpu.memref_slice %arg5[%add3A_58] : memref<825344xi32, #tpu.memory_space<hbm>> -> memref<416xi32, #tpu.memory_space<hbm>>
            %dma_wait3A_65 = tpu.memref_slice %arg5[%add3A_58] : memref<825344xi32, #tpu.memory_space<hbm>> -> memref<416xi32, #tpu.memory_space<hbm>>
            tpu.wait_dma2 semaphore(%run_scoped3A : memref<!tpu.dma_semaphore, #tpu.memory_space<semaphore_mem>>) src(%dma_wait3A_65 : memref<416xi32, #tpu.memory_space<hbm>>) dst(%arg12 : memref<416xi32, #tpu.memory_space<vmem>>)
            tpu.yield
          }) : () -> ()
          %dma_start3A_59 = arith.constant 0 : i32
          %dma_start3A_60 = arith.constant 0 : i32
          %dma_start3A_61 = tpu.memref_slice %arg3[%dma_start3A_59, %dma_start3A_60] : memref<50176x32xf32, #tpu.memory_space<hbm>> -> memref<50176x32xf32, #tpu.memory_space<hbm>>
          tpu.enqueue_indirect_dma source(%dma_start3A_61 : memref<50176x32xf32, #tpu.memory_space<hbm>>) target(%arg14 : memref<416x32xf32, #tpu.memory_space<vmem>>) offsets(%arg10 : memref<416xi32, #tpu.memory_space<vmem>>) semaphore(%arg17 : memref<!tpu.dma_semaphore, #tpu.memory_space<semaphore_mem>>)
        } else {
        }
        %dma_wait3A = arith.constant 0 : i32
        %dma_wait3A_42 = arith.constant 0 : i32
        %dma_wait3A_43 = tpu.memref_slice %arg3[%dma_wait3A, %dma_wait3A_42] : memref<50176x32xf32, #tpu.memory_space<hbm>> -> memref<50176x32xf32, #tpu.memory_space<hbm>>
        tpu.wait_indirect_dma semaphore(%arg16 : memref<!tpu.dma_semaphore, #tpu.memory_space<semaphore_mem>>) src(%dma_wait3A_43 : memref<50176x32xf32, #tpu.memory_space<hbm>>) dst(%arg13 : memref<416x32xf32, #tpu.memory_space<vmem>>)
        "tpu.region"() ({
          %run_scoped3A = tpu.sem_alloc : memref<!tpu.dma_semaphore, #tpu.memory_space<semaphore_mem>>
          %dma_start3A_56 = arith.constant 0 : i32
          %dma_start3A_57 = arith.constant 0 : i32
          %dma_start3A_58 = tpu.memref_slice %arg15[%dma_start3A_56, %dma_start3A_57] : memref<50176x32xf32, #tpu.memory_space<vmem_shared>> -> memref<50176x32xf32, #tpu.memory_space<vmem_shared>>
          tpu.enqueue_indirect_dma source(%arg13 : memref<416x32xf32, #tpu.memory_space<vmem>>) target(%dma_start3A_58 : memref<50176x32xf32, #tpu.memory_space<vmem_shared>>) offsets(%arg11 : memref<416xi32, #tpu.memory_space<vmem>>) semaphore(%run_scoped3A : memref<!tpu.dma_semaphore, #tpu.memory_space<semaphore_mem>>) {add = true}
          %dma_wait3A_59 = arith.constant 0 : i32
          %dma_wait3A_60 = arith.constant 0 : i32
          %dma_wait3A_61 = tpu.memref_slice %arg15[%dma_wait3A_59, %dma_wait3A_60] : memref<50176x32xf32, #tpu.memory_space<vmem_shared>> -> memref<50176x32xf32, #tpu.memory_space<vmem_shared>>
          tpu.wait_indirect_dma semaphore(%run_scoped3A : memref<!tpu.dma_semaphore, #tpu.memory_space<semaphore_mem>>) src(%arg13 : memref<416x32xf32, #tpu.memory_space<vmem>>) dst(%dma_wait3A_61 : memref<50176x32xf32, #tpu.memory_space<vmem_shared>>)
          tpu.yield
        }) : () -> ()
        %add3A_44 = arith.constant 1 : i32
        %add3A_45 = arith.addi %mul3A_33, %add3A_44 : i32
        %add3A_46 = arith.constant 1 : i32
        %add3A_47 = arith.addi %add3A_45, %add3A_46 : i32
        %lt3A_48 = arith.constant 124 : i32
        %lt3A_49 = arith.cmpi slt, %add3A_47, %lt3A_48 : i32
        %convert_element_type3A_50 = arith.extui %lt3A_49 : i1 to i32
        %cond3A_51 = arith.constant 0 : i32
        %cond3A_52 = arith.cmpi ne, %convert_element_type3A_50, %cond3A_51 : i32
        scf.if %cond3A_52 {
          %mul3A_56 = arith.constant 416 : i32
          %mul3A_57 = arith.muli %add3A_47, %mul3A_56 : i32
          %add3A_58 = arith.addi %mul3A_2, %mul3A_57 : i32
          "tpu.region"() ({
            %run_scoped3A = tpu.sem_alloc : memref<!tpu.dma_semaphore, #tpu.memory_space<semaphore_mem>>
            %dma_start3A_62 = tpu.memref_slice %arg4[%add3A_58] : memref<825344xi32, #tpu.memory_space<hbm>> -> memref<416xi32, #tpu.memory_space<hbm>>
            %dma_start3A_63 = tpu.memref_slice %arg4[%add3A_58] : memref<825344xi32, #tpu.memory_space<hbm>> -> memref<416xi32, #tpu.memory_space<hbm>>
            tpu.enqueue_dma source(%dma_start3A_63 : memref<416xi32, #tpu.memory_space<hbm>>) target(%arg9 : memref<416xi32, #tpu.memory_space<vmem>>) target_semaphore(%run_scoped3A : memref<!tpu.dma_semaphore, #tpu.memory_space<semaphore_mem>>)
            %dma_wait3A_64 = tpu.memref_slice %arg4[%add3A_58] : memref<825344xi32, #tpu.memory_space<hbm>> -> memref<416xi32, #tpu.memory_space<hbm>>
            %dma_wait3A_65 = tpu.memref_slice %arg4[%add3A_58] : memref<825344xi32, #tpu.memory_space<hbm>> -> memref<416xi32, #tpu.memory_space<hbm>>
            tpu.wait_dma2 semaphore(%run_scoped3A : memref<!tpu.dma_semaphore, #tpu.memory_space<semaphore_mem>>) src(%dma_wait3A_65 : memref<416xi32, #tpu.memory_space<hbm>>) dst(%arg9 : memref<416xi32, #tpu.memory_space<vmem>>)
            tpu.yield
          }) : () -> ()
          "tpu.region"() ({
            %run_scoped3A = tpu.sem_alloc : memref<!tpu.dma_semaphore, #tpu.memory_space<semaphore_mem>>
            %dma_start3A_62 = tpu.memref_slice %arg5[%add3A_58] : memref<825344xi32, #tpu.memory_space<hbm>> -> memref<416xi32, #tpu.memory_space<hbm>>
            %dma_start3A_63 = tpu.memref_slice %arg5[%add3A_58] : memref<825344xi32, #tpu.memory_space<hbm>> -> memref<416xi32, #tpu.memory_space<hbm>>
            tpu.enqueue_dma source(%dma_start3A_63 : memref<416xi32, #tpu.memory_space<hbm>>) target(%arg11 : memref<416xi32, #tpu.memory_space<vmem>>) target_semaphore(%run_scoped3A : memref<!tpu.dma_semaphore, #tpu.memory_space<semaphore_mem>>)
            %dma_wait3A_64 = tpu.memref_slice %arg5[%add3A_58] : memref<825344xi32, #tpu.memory_space<hbm>> -> memref<416xi32, #tpu.memory_space<hbm>>
            %dma_wait3A_65 = tpu.memref_slice %arg5[%add3A_58] : memref<825344xi32, #tpu.memory_space<hbm>> -> memref<416xi32, #tpu.memory_space<hbm>>
            tpu.wait_dma2 semaphore(%run_scoped3A : memref<!tpu.dma_semaphore, #tpu.memory_space<semaphore_mem>>) src(%dma_wait3A_65 : memref<416xi32, #tpu.memory_space<hbm>>) dst(%arg11 : memref<416xi32, #tpu.memory_space<vmem>>)
            tpu.yield
          }) : () -> ()
          %dma_start3A_59 = arith.constant 0 : i32
          %dma_start3A_60 = arith.constant 0 : i32
          %dma_start3A_61 = tpu.memref_slice %arg3[%dma_start3A_59, %dma_start3A_60] : memref<50176x32xf32, #tpu.memory_space<hbm>> -> memref<50176x32xf32, #tpu.memory_space<hbm>>
          tpu.enqueue_indirect_dma source(%dma_start3A_61 : memref<50176x32xf32, #tpu.memory_space<hbm>>) target(%arg13 : memref<416x32xf32, #tpu.memory_space<vmem>>) offsets(%arg9 : memref<416xi32, #tpu.memory_space<vmem>>) semaphore(%arg16 : memref<!tpu.dma_semaphore, #tpu.memory_space<semaphore_mem>>)
        } else {
        }
        %dma_wait3A_53 = arith.constant 0 : i32
        %dma_wait3A_54 = arith.constant 0 : i32
        %dma_wait3A_55 = tpu.memref_slice %arg3[%dma_wait3A_53, %dma_wait3A_54] : memref<50176x32xf32, #tpu.memory_space<hbm>> -> memref<50176x32xf32, #tpu.memory_space<hbm>>
        tpu.wait_indirect_dma semaphore(%arg17 : memref<!tpu.dma_semaphore, #tpu.memory_space<semaphore_mem>>) src(%dma_wait3A_55 : memref<50176x32xf32, #tpu.memory_space<hbm>>) dst(%arg14 : memref<416x32xf32, #tpu.memory_space<vmem>>)
        "tpu.region"() ({
          %run_scoped3A = tpu.sem_alloc : memref<!tpu.dma_semaphore, #tpu.memory_space<semaphore_mem>>
          %dma_start3A_56 = arith.constant 0 : i32
          %dma_start3A_57 = arith.constant 0 : i32
          %dma_start3A_58 = tpu.memref_slice %arg15[%dma_start3A_56, %dma_start3A_57] : memref<50176x32xf32, #tpu.memory_space<vmem_shared>> -> memref<50176x32xf32, #tpu.memory_space<vmem_shared>>
          tpu.enqueue_indirect_dma source(%arg14 : memref<416x32xf32, #tpu.memory_space<vmem>>) target(%dma_start3A_58 : memref<50176x32xf32, #tpu.memory_space<vmem_shared>>) offsets(%arg12 : memref<416xi32, #tpu.memory_space<vmem>>) semaphore(%run_scoped3A : memref<!tpu.dma_semaphore, #tpu.memory_space<semaphore_mem>>) {add = true}
          %dma_wait3A_59 = arith.constant 0 : i32
          %dma_wait3A_60 = arith.constant 0 : i32
          %dma_wait3A_61 = tpu.memref_slice %arg15[%dma_wait3A_59, %dma_wait3A_60] : memref<50176x32xf32, #tpu.memory_space<vmem_shared>> -> memref<50176x32xf32, #tpu.memory_space<vmem_shared>>
          tpu.wait_indirect_dma semaphore(%run_scoped3A : memref<!tpu.dma_semaphore, #tpu.memory_space<semaphore_mem>>) src(%arg14 : memref<416x32xf32, #tpu.memory_space<vmem>>) dst(%dma_wait3A_61 : memref<50176x32xf32, #tpu.memory_space<vmem_shared>>)
          tpu.yield
        }) : () -> ()
      }
      %scan3A_30 = arith.constant 62 : i32
    } else {
    }
    %barrier3A_10 = arith.constant 0 : index
    tpu.barrier barrier_id(%barrier3A_10)
    %mul3A_11 = arith.constant 3136 : i32
    %mul3A_12 = arith.muli %arg1, %mul3A_11 : i32
    %eq3A_13 = arith.constant 0 : i32
    %eq3A_14 = arith.cmpi eq, %arg0, %eq3A_13 : i32
    %convert_element_type3A_15 = arith.extui %eq3A_14 : i1 to i32
    %cond3A_16 = arith.constant 0 : i32
    %cond3A_17 = arith.cmpi ne, %convert_element_type3A_15, %cond3A_16 : i32
    scf.if %cond3A_17 {
      "tpu.region"() ({
        %run_scoped3A = tpu.sem_alloc : memref<!tpu.dma_semaphore, #tpu.memory_space<semaphore_mem>>
        %dma_start3A = arith.constant 0 : i32
        %dma_start3A_23 = tpu.memref_slice %arg7[%mul3A_12, %dma_start3A] : memref<50176x32xf32, #tpu.memory_space<hbm>> -> memref<3136x32xf32, #tpu.memory_space<hbm>>
        %dma_start3A_24 = arith.constant 0 : i32
        %dma_start3A_25 = tpu.memref_slice %arg15[%mul3A_12, %dma_start3A_24] : memref<50176x32xf32, #tpu.memory_space<vmem_shared>> -> memref<3136x32xf32, #tpu.memory_space<vmem_shared>>
        tpu.enqueue_dma source(%dma_start3A_25 : memref<3136x32xf32, #tpu.memory_space<vmem_shared>>) target(%dma_start3A_23 : memref<3136x32xf32, #tpu.memory_space<hbm>>) target_semaphore(%run_scoped3A : memref<!tpu.dma_semaphore, #tpu.memory_space<semaphore_mem>>)
        %dma_wait3A = arith.constant 0 : i32
        %dma_wait3A_26 = tpu.memref_slice %arg7[%mul3A_12, %dma_wait3A] : memref<50176x32xf32, #tpu.memory_space<hbm>> -> memref<3136x32xf32, #tpu.memory_space<hbm>>
        %dma_wait3A_27 = arith.constant 0 : i32
        %dma_wait3A_28 = tpu.memref_slice %arg15[%mul3A_12, %dma_wait3A_27] : memref<50176x32xf32, #tpu.memory_space<vmem_shared>> -> memref<3136x32xf32, #tpu.memory_space<vmem_shared>>
        tpu.wait_dma2 semaphore(%run_scoped3A : memref<!tpu.dma_semaphore, #tpu.memory_space<semaphore_mem>>) src(%dma_wait3A_28 : memref<3136x32xf32, #tpu.memory_space<vmem_shared>>) dst(%dma_wait3A_26 : memref<3136x32xf32, #tpu.memory_space<hbm>>)
        tpu.yield
      }) : () -> ()
    } else {
    }
    %eq3A_18 = arith.constant 1 : i32
    %eq3A_19 = arith.cmpi eq, %arg0, %eq3A_18 : i32
    %convert_element_type3A_20 = arith.extui %eq3A_19 : i1 to i32
    %cond3A_21 = arith.constant 0 : i32
    %cond3A_22 = arith.cmpi ne, %convert_element_type3A_20, %cond3A_21 : i32
    scf.if %cond3A_22 {
      "tpu.region"() ({
        %run_scoped3A = tpu.sem_alloc : memref<!tpu.dma_semaphore, #tpu.memory_space<semaphore_mem>>
        %dma_start3A = arith.constant 0 : i32
        %dma_start3A_23 = tpu.memref_slice %arg8[%mul3A_12, %dma_start3A] : memref<50176x32xf32, #tpu.memory_space<hbm>> -> memref<3136x32xf32, #tpu.memory_space<hbm>>
        %dma_start3A_24 = arith.constant 0 : i32
        %dma_start3A_25 = tpu.memref_slice %arg15[%mul3A_12, %dma_start3A_24] : memref<50176x32xf32, #tpu.memory_space<vmem_shared>> -> memref<3136x32xf32, #tpu.memory_space<vmem_shared>>
        tpu.enqueue_dma source(%dma_start3A_25 : memref<3136x32xf32, #tpu.memory_space<vmem_shared>>) target(%dma_start3A_23 : memref<3136x32xf32, #tpu.memory_space<hbm>>) target_semaphore(%run_scoped3A : memref<!tpu.dma_semaphore, #tpu.memory_space<semaphore_mem>>)
        %dma_wait3A = arith.constant 0 : i32
        %dma_wait3A_26 = tpu.memref_slice %arg8[%mul3A_12, %dma_wait3A] : memref<50176x32xf32, #tpu.memory_space<hbm>> -> memref<3136x32xf32, #tpu.memory_space<hbm>>
        %dma_wait3A_27 = arith.constant 0 : i32
        %dma_wait3A_28 = tpu.memref_slice %arg15[%mul3A_12, %dma_wait3A_27] : memref<50176x32xf32, #tpu.memory_space<vmem_shared>> -> memref<3136x32xf32, #tpu.memory_space<vmem_shared>>
        tpu.wait_dma2 semaphore(%run_scoped3A : memref<!tpu.dma_semaphore, #tpu.memory_space<semaphore_mem>>) src(%dma_wait3A_28 : memref<3136x32xf32, #tpu.memory_space<vmem_shared>>) dst(%dma_wait3A_26 : memref<3136x32xf32, #tpu.memory_space<hbm>>)
        tpu.yield
      }) : () -> ()
    } else {
    }
    return
  }
}

module attributes {stable_mosaic.version = 14 : i64} {
  func.func @_scale0_body(%arg0: i32, %arg1: memref<512x16xf32, #tpu.memory_space<vmem>>, %arg2: memref<512x16xf32, #tpu.memory_space<vmem>>, %arg3: memref<512x16xf32, #tpu.memory_space<vmem>>, %arg4: memref<512x16xf32, #tpu.memory_space<vmem>>, %arg5: memref<512x16xf32, #tpu.memory_space<vmem>>, %arg6: memref<512x16xf32, #tpu.memory_space<vmem>>, %arg7: memref<512x16xf32, #tpu.memory_space<vmem>>, %arg8: memref<512x32xf32, #tpu.memory_space<vmem>>, %arg9: memref<512x32xf32, #tpu.memory_space<vmem>>) attributes {dimension_semantics = [#tpu.dimension_semantics<arbitrary>], iteration_bounds = array<i64: 98>, scalar_prefetch = 0 : i64, scratch_operands = 0 : i64, tpu.core_type = #tpu.core_type<tc>, window_params = [{transform_indices = @transform_0, window_bounds = array<i64: 512, 16>}, {transform_indices = @transform_1, window_bounds = array<i64: 512, 16>}, {transform_indices = @transform_2, window_bounds = array<i64: 512, 16>}, {transform_indices = @transform_3, window_bounds = array<i64: 512, 16>}, {transform_indices = @transform_4, window_bounds = array<i64: 512, 16>}, {transform_indices = @transform_5, window_bounds = array<i64: 512, 16>}, {transform_indices = @transform_6, window_bounds = array<i64: 512, 16>}, {transform_indices = @transform_7, window_bounds = array<i64: 512, 32>}, {transform_indices = @transform_8, window_bounds = array<i64: 512, 32>}]} {
    %get3A = arith.constant 0 : index
    %get3A_0 = arith.constant 0 : index
    %get3A_1 = vector.load %arg1[%get3A, %get3A_0] : memref<512x16xf32, #tpu.memory_space<vmem>>, vector<512x16xf32>
    %get3A_2 = arith.constant 0 : index
    %get3A_3 = arith.constant 0 : index
    %get3A_4 = vector.load %arg2[%get3A_2, %get3A_3] : memref<512x16xf32, #tpu.memory_space<vmem>>, vector<512x16xf32>
    %add3A = arith.addf %get3A_1, %get3A_4 : vector<512x16xf32>
    %add3A_5 = arith.constant 1.000000e+00 : f32
    %add3A_6 = vector.broadcast %add3A_5 : f32 to vector<512x16xf32>
    %add3A_7 = arith.addf %add3A, %add3A_6 : vector<512x16xf32>
    %rsqrt3A = math.rsqrt %add3A_7 : vector<512x16xf32>
    %swap3A = arith.constant 0 : index
    %swap3A_8 = arith.constant 0 : index
    %swap3A_9 = vector.load %arg7[%swap3A, %swap3A_8] : memref<512x16xf32, #tpu.memory_space<vmem>>, vector<512x16xf32>
    tpu.vector_store %arg7[%swap3A, %swap3A_8], %rsqrt3A {strides = array<i32>} : memref<512x16xf32, #tpu.memory_space<vmem>>, vector<512x16xf32>,
    %slice3A = vector.extract_strided_slice %rsqrt3A {offsets = [0, 0], sizes = [512, 1], strides = [1, 1]} : vector<512x16xf32> to vector<512x1xf32>
    %get3A_10 = arith.constant 0 : index
    %get3A_11 = arith.constant 0 : index
    %get3A_12 = vector.load %arg3[%get3A_10, %get3A_11] : memref<512x16xf32, #tpu.memory_space<vmem>>, vector<512x16xf32>
    %get3A_13 = arith.constant 0 : index
    %get3A_14 = arith.constant 0 : index
    %get3A_15 = vector.load %arg4[%get3A_13, %get3A_14] : memref<512x16xf32, #tpu.memory_space<vmem>>, vector<512x16xf32>
    %concatenate3A = tpu.concatenate %get3A_12, %get3A_15 in 1 : vector<512x16xf32>, vector<512x16xf32> -> vector<512x32xf32>
    %mul3A = vector.broadcast %slice3A : vector<512x1xf32> to vector<512x32xf32>
    %mul3A_16 = arith.mulf %concatenate3A, %mul3A : vector<512x32xf32>
    %swap3A_17 = arith.constant 0 : index
    %swap3A_18 = arith.constant 0 : index
    %swap3A_19 = vector.load %arg8[%swap3A_17, %swap3A_18] : memref<512x32xf32, #tpu.memory_space<vmem>>, vector<512x32xf32>
    tpu.vector_store %arg8[%swap3A_17, %swap3A_18], %mul3A_16 {strides = array<i32>} : memref<512x32xf32, #tpu.memory_space<vmem>>, vector<512x32xf32>,
    %get3A_20 = arith.constant 0 : index
    %get3A_21 = arith.constant 0 : index
    %get3A_22 = vector.load %arg5[%get3A_20, %get3A_21] : memref<512x16xf32, #tpu.memory_space<vmem>>, vector<512x16xf32>
    %get3A_23 = arith.constant 0 : index
    %get3A_24 = arith.constant 0 : index
    %get3A_25 = vector.load %arg6[%get3A_23, %get3A_24] : memref<512x16xf32, #tpu.memory_space<vmem>>, vector<512x16xf32>
    %concatenate3A_26 = tpu.concatenate %get3A_22, %get3A_25 in 1 : vector<512x16xf32>, vector<512x16xf32> -> vector<512x32xf32>
    %mul3A_27 = vector.broadcast %slice3A : vector<512x1xf32> to vector<512x32xf32>
    %mul3A_28 = arith.mulf %concatenate3A_26, %mul3A_27 : vector<512x32xf32>
    %swap3A_29 = arith.constant 0 : index
    %swap3A_30 = arith.constant 0 : index
    %swap3A_31 = vector.load %arg9[%swap3A_29, %swap3A_30] : memref<512x32xf32, #tpu.memory_space<vmem>>, vector<512x32xf32>
    tpu.vector_store %arg9[%swap3A_29, %swap3A_30], %mul3A_28 {strides = array<i32>} : memref<512x32xf32, #tpu.memory_space<vmem>>, vector<512x32xf32>,
    return
  }
  func.func @transform_0(%arg0: i32) -> (i32, i32) {
    %c0_i32 = arith.constant 0 : i32
    %c0_i32_0 = arith.constant 0 : i32
    return %arg0, %c0_i32 : i32, i32
  }
  func.func @transform_1(%arg0: i32) -> (i32, i32) {
    %c0_i32 = arith.constant 0 : i32
    %c0_i32_0 = arith.constant 0 : i32
    return %arg0, %c0_i32 : i32, i32
  }
  func.func @transform_2(%arg0: i32) -> (i32, i32) {
    %c0_i32 = arith.constant 0 : i32
    %c0_i32_0 = arith.constant 0 : i32
    return %arg0, %c0_i32 : i32, i32
  }
  func.func @transform_3(%arg0: i32) -> (i32, i32) {
    %c0_i32 = arith.constant 0 : i32
    %c0_i32_0 = arith.constant 0 : i32
    return %arg0, %c0_i32 : i32, i32
  }
  func.func @transform_4(%arg0: i32) -> (i32, i32) {
    %c0_i32 = arith.constant 0 : i32
    %c0_i32_0 = arith.constant 0 : i32
    return %arg0, %c0_i32 : i32, i32
  }
  func.func @transform_5(%arg0: i32) -> (i32, i32) {
    %c0_i32 = arith.constant 0 : i32
    %c0_i32_0 = arith.constant 0 : i32
    return %arg0, %c0_i32 : i32, i32
  }
  func.func @transform_6(%arg0: i32) -> (i32, i32) {
    %c0_i32 = arith.constant 0 : i32
    %c0_i32_0 = arith.constant 0 : i32
    return %arg0, %c0_i32 : i32, i32
  }
  func.func @transform_7(%arg0: i32) -> (i32, i32) {
    %c0_i32 = arith.constant 0 : i32
    %c0_i32_0 = arith.constant 0 : i32
    return %arg0, %c0_i32 : i32, i32
  }
  func.func @transform_8(%arg0: i32) -> (i32, i32) {
    %c0_i32 = arith.constant 0 : i32
    %c0_i32_0 = arith.constant 0 : i32
    return %arg0, %c0_i32 : i32, i32
  }
}

module attributes {stable_mosaic.version = 14 : i64} {
  func.func @_layer1_body(%arg0: i32, %arg1: memref<512x32xf32, #tpu.memory_space<vmem>>, %arg2: memref<512x32xf32, #tpu.memory_space<vmem>>, %arg3: memref<512x32xf32, #tpu.memory_space<vmem>>, %arg4: memref<512x32xf32, #tpu.memory_space<vmem>>, %arg5: memref<512x16xf32, #tpu.memory_space<vmem>>, %arg6: memref<64x64xf32, #tpu.memory_space<vmem>>, %arg7: memref<1x64xf32, #tpu.memory_space<vmem>>, %arg8: memref<512x32xf32, #tpu.memory_space<vmem>>, %arg9: memref<512x32xf32, #tpu.memory_space<vmem>>) attributes {dimension_semantics = [#tpu.dimension_semantics<arbitrary>], iteration_bounds = array<i64: 98>, scalar_prefetch = 0 : i64, scratch_operands = 0 : i64, tpu.core_type = #tpu.core_type<tc>, window_params = [{transform_indices = @transform_0, window_bounds = array<i64: 512, 32>}, {transform_indices = @transform_1, window_bounds = array<i64: 512, 32>}, {transform_indices = @transform_2, window_bounds = array<i64: 512, 32>}, {transform_indices = @transform_3, window_bounds = array<i64: 512, 32>}, {transform_indices = @transform_4, window_bounds = array<i64: 512, 16>}, {pipeline_mode = #tpu.pipeline_mode<synchronous>, transform_indices = @transform_5, window_bounds = array<i64: 64, 64>}, {pipeline_mode = #tpu.pipeline_mode<synchronous>, transform_indices = @transform_6, window_bounds = array<i64: 1, 64>}, {transform_indices = @transform_7, window_bounds = array<i64: 512, 32>}, {transform_indices = @transform_8, window_bounds = array<i64: 512, 32>}]} {
    %get3A = arith.constant 0 : index
    %get3A_0 = arith.constant 0 : index
    %get3A_1 = vector.load %arg1[%get3A, %get3A_0] : memref<512x32xf32, #tpu.memory_space<vmem>>, vector<512x32xf32>
    %get3A_2 = arith.constant 0 : index
    %get3A_3 = arith.constant 0 : index
    %get3A_4 = vector.load %arg2[%get3A_2, %get3A_3] : memref<512x32xf32, #tpu.memory_space<vmem>>, vector<512x32xf32>
    %concatenate3A = tpu.concatenate %get3A_1, %get3A_4 in 1 : vector<512x32xf32>, vector<512x32xf32> -> vector<512x64xf32>
    %get3A_5 = arith.constant 0 : index
    %get3A_6 = arith.constant 0 : index
    %get3A_7 = vector.load %arg3[%get3A_5, %get3A_6] : memref<512x32xf32, #tpu.memory_space<vmem>>, vector<512x32xf32>
    %get3A_8 = arith.constant 0 : index
    %get3A_9 = arith.constant 0 : index
    %get3A_10 = vector.load %arg4[%get3A_8, %get3A_9] : memref<512x32xf32, #tpu.memory_space<vmem>>, vector<512x32xf32>
    %concatenate3A_11 = tpu.concatenate %get3A_7, %get3A_10 in 1 : vector<512x32xf32>, vector<512x32xf32> -> vector<512x64xf32>
    %add3A = arith.addf %concatenate3A, %concatenate3A_11 : vector<512x64xf32>
    %get3A_12 = arith.constant 0 : index
    %get3A_13 = arith.constant 0 : index
    %get3A_14 = vector.load %arg5[%get3A_12, %get3A_13] : memref<512x16xf32, #tpu.memory_space<vmem>>, vector<512x16xf32>
    %slice3A = vector.extract_strided_slice %get3A_14 {offsets = [0, 0], sizes = [512, 1], strides = [1, 1]} : vector<512x16xf32> to vector<512x1xf32>
    %mul3A = vector.broadcast %slice3A : vector<512x1xf32> to vector<512x64xf32>
    %mul3A_15 = arith.mulf %add3A, %mul3A : vector<512x64xf32>
    %get3A_16 = arith.constant 0 : index
    %get3A_17 = arith.constant 0 : index
    %get3A_18 = vector.load %arg6[%get3A_16, %get3A_17] : memref<64x64xf32, #tpu.memory_space<vmem>>, vector<64x64xf32>
    %dot_general3A = arith.constant dense<0.000000e+00> : vector<512x64xf32>
    %dot_general3A_19 = tpu.matmul %mul3A_15, %get3A_18, %dot_general3A {dimension_numbers = #tpu.dot_dimension_numbers<[1], [0], [0], [1], [0, 0, 1, 1], [], []>, transpose_lhs_hint = false} : vector<512x64xf32>, vector<64x64xf32>, vector<512x64xf32> -> vector<512x64xf32>
    %get3A_20 = arith.constant 0 : index
    %get3A_21 = arith.constant 0 : index
    %get3A_22 = vector.load %arg7[%get3A_20, %get3A_21] : memref<1x64xf32, #tpu.memory_space<vmem>>, vector<1x64xf32>
    %add3A_23 = vector.broadcast %get3A_22 : vector<1x64xf32> to vector<512x64xf32>
    %add3A_24 = arith.addf %dot_general3A_19, %add3A_23 : vector<512x64xf32>
    %max3A = arith.constant 0.000000e+00 : f32
    %max3A_25 = vector.broadcast %max3A : f32 to vector<512x64xf32>
    %max3A_26 = arith.maximumf %add3A_24, %max3A_25 : vector<512x64xf32>
    %mul3A_27 = vector.broadcast %slice3A : vector<512x1xf32> to vector<512x64xf32>
    %mul3A_28 = arith.mulf %max3A_26, %mul3A_27 : vector<512x64xf32>
    %slice3A_29 = vector.extract_strided_slice %mul3A_28 {offsets = [0, 0], sizes = [512, 32], strides = [1, 1]} : vector<512x64xf32> to vector<512x32xf32>
    %swap3A = arith.constant 0 : index
    %swap3A_30 = arith.constant 0 : index
    %swap3A_31 = vector.load %arg8[%swap3A, %swap3A_30] : memref<512x32xf32, #tpu.memory_space<vmem>>, vector<512x32xf32>
    tpu.vector_store %arg8[%swap3A, %swap3A_30], %slice3A_29 {strides = array<i32>} : memref<512x32xf32, #tpu.memory_space<vmem>>, vector<512x32xf32>,
    %slice3A_32 = vector.extract_strided_slice %mul3A_28 {offsets = [0, 32], sizes = [512, 32], strides = [1, 1]} : vector<512x64xf32> to vector<512x32xf32>
    %swap3A_33 = arith.constant 0 : index
    %swap3A_34 = arith.constant 0 : index
    %swap3A_35 = vector.load %arg9[%swap3A_33, %swap3A_34] : memref<512x32xf32, #tpu.memory_space<vmem>>, vector<512x32xf32>
    tpu.vector_store %arg9[%swap3A_33, %swap3A_34], %slice3A_32 {strides = array<i32>} : memref<512x32xf32, #tpu.memory_space<vmem>>, vector<512x32xf32>,
    return
  }
  func.func @transform_0(%arg0: i32) -> (i32, i32) {
    %c0_i32 = arith.constant 0 : i32
    %c0_i32_0 = arith.constant 0 : i32
    return %arg0, %c0_i32 : i32, i32
  }
  func.func @transform_1(%arg0: i32) -> (i32, i32) {
    %c0_i32 = arith.constant 0 : i32
    %c0_i32_0 = arith.constant 0 : i32
    return %arg0, %c0_i32 : i32, i32
  }
  func.func @transform_2(%arg0: i32) -> (i32, i32) {
    %c0_i32 = arith.constant 0 : i32
    %c0_i32_0 = arith.constant 0 : i32
    return %arg0, %c0_i32 : i32, i32
  }
  func.func @transform_3(%arg0: i32) -> (i32, i32) {
    %c0_i32 = arith.constant 0 : i32
    %c0_i32_0 = arith.constant 0 : i32
    return %arg0, %c0_i32 : i32, i32
  }
  func.func @transform_4(%arg0: i32) -> (i32, i32) {
    %c0_i32 = arith.constant 0 : i32
    %c0_i32_0 = arith.constant 0 : i32
    return %arg0, %c0_i32 : i32, i32
  }
  func.func @transform_5(%arg0: i32) -> (i32, i32) {
    %c0_i32 = arith.constant 0 : i32
    %c0_i32_0 = arith.constant 0 : i32
    %c0_i32_1 = arith.constant 0 : i32
    return %c0_i32, %c0_i32_0 : i32, i32
  }
  func.func @transform_6(%arg0: i32) -> (i32, i32) {
    %c0_i32 = arith.constant 0 : i32
    %c0_i32_0 = arith.constant 0 : i32
    %c0_i32_1 = arith.constant 0 : i32
    return %c0_i32, %c0_i32_0 : i32, i32
  }
  func.func @transform_7(%arg0: i32) -> (i32, i32) {
    %c0_i32 = arith.constant 0 : i32
    %c0_i32_0 = arith.constant 0 : i32
    return %arg0, %c0_i32 : i32, i32
  }
  func.func @transform_8(%arg0: i32) -> (i32, i32) {
    %c0_i32 = arith.constant 0 : i32
    %c0_i32_0 = arith.constant 0 : i32
    return %arg0, %c0_i32 : i32, i32
  }
}

module attributes {stable_mosaic.version = 14 : i64} {
  func.func @_layer2_body(%arg0: i32, %arg1: memref<512x32xf32, #tpu.memory_space<vmem>>, %arg2: memref<512x32xf32, #tpu.memory_space<vmem>>, %arg3: memref<512x32xf32, #tpu.memory_space<vmem>>, %arg4: memref<512x32xf32, #tpu.memory_space<vmem>>, %arg5: memref<512x16xf32, #tpu.memory_space<vmem>>, %arg6: memref<64x64xf32, #tpu.memory_space<vmem>>, %arg7: memref<1x64xf32, #tpu.memory_space<vmem>>, %arg8: memref<1x1x512xi32, #tpu.memory_space<vmem>>, %arg9: memref<64x64xf32, #tpu.memory_space<vmem>>, %arg10: memref<1x64xf32, #tpu.memory_space<vmem>>, %arg11: memref<32x64xf32, #tpu.memory_space<vmem>>, %arg12: memref<32x64xf32, #tpu.memory_space<vmem>>, %arg13: memref<32x64xf32, #tpu.memory_space<vmem>>) attributes {dimension_semantics = [#tpu.dimension_semantics<arbitrary>], iteration_bounds = array<i64: 98>, scalar_prefetch = 0 : i64, scratch_operands = 0 : i64, tpu.core_type = #tpu.core_type<tc>, window_params = [{transform_indices = @transform_0, window_bounds = array<i64: 512, 32>}, {transform_indices = @transform_1, window_bounds = array<i64: 512, 32>}, {transform_indices = @transform_2, window_bounds = array<i64: 512, 32>}, {transform_indices = @transform_3, window_bounds = array<i64: 512, 32>}, {transform_indices = @transform_4, window_bounds = array<i64: 512, 16>}, {pipeline_mode = #tpu.pipeline_mode<synchronous>, transform_indices = @transform_5, window_bounds = array<i64: 64, 64>}, {pipeline_mode = #tpu.pipeline_mode<synchronous>, transform_indices = @transform_6, window_bounds = array<i64: 1, 64>}, {transform_indices = @transform_7, window_bounds = array<i64: 1, 1, 512>}, {pipeline_mode = #tpu.pipeline_mode<synchronous>, transform_indices = @transform_8, window_bounds = array<i64: 64, 64>}, {pipeline_mode = #tpu.pipeline_mode<synchronous>, transform_indices = @transform_9, window_bounds = array<i64: 1, 64>}, {pipeline_mode = #tpu.pipeline_mode<synchronous>, transform_indices = @transform_10, window_bounds = array<i64: 32, 64>}, {pipeline_mode = #tpu.pipeline_mode<synchronous>, transform_indices = @transform_11, window_bounds = array<i64: 32, 64>}, {pipeline_mode = #tpu.pipeline_mode<synchronous>, transform_indices = @transform_12, window_bounds = array<i64: 32, 64>}]} {
    %get3A = arith.constant 0 : index
    %get3A_0 = arith.constant 0 : index
    %get3A_1 = vector.load %arg1[%get3A, %get3A_0] : memref<512x32xf32, #tpu.memory_space<vmem>>, vector<512x32xf32>
    %get3A_2 = arith.constant 0 : index
    %get3A_3 = arith.constant 0 : index
    %get3A_4 = vector.load %arg2[%get3A_2, %get3A_3] : memref<512x32xf32, #tpu.memory_space<vmem>>, vector<512x32xf32>
    %concatenate3A = tpu.concatenate %get3A_1, %get3A_4 in 1 : vector<512x32xf32>, vector<512x32xf32> -> vector<512x64xf32>
    %get3A_5 = arith.constant 0 : index
    %get3A_6 = arith.constant 0 : index
    %get3A_7 = vector.load %arg3[%get3A_5, %get3A_6] : memref<512x32xf32, #tpu.memory_space<vmem>>, vector<512x32xf32>
    %get3A_8 = arith.constant 0 : index
    %get3A_9 = arith.constant 0 : index
    %get3A_10 = vector.load %arg4[%get3A_8, %get3A_9] : memref<512x32xf32, #tpu.memory_space<vmem>>, vector<512x32xf32>
    %concatenate3A_11 = tpu.concatenate %get3A_7, %get3A_10 in 1 : vector<512x32xf32>, vector<512x32xf32> -> vector<512x64xf32>
    %add3A = arith.addf %concatenate3A, %concatenate3A_11 : vector<512x64xf32>
    %get3A_12 = arith.constant 0 : index
    %get3A_13 = arith.constant 0 : index
    %get3A_14 = vector.load %arg5[%get3A_12, %get3A_13] : memref<512x16xf32, #tpu.memory_space<vmem>>, vector<512x16xf32>
    %slice3A = vector.extract_strided_slice %get3A_14 {offsets = [0, 0], sizes = [512, 1], strides = [1, 1]} : vector<512x16xf32> to vector<512x1xf32>
    %mul3A = vector.broadcast %slice3A : vector<512x1xf32> to vector<512x64xf32>
    %mul3A_15 = arith.mulf %add3A, %mul3A : vector<512x64xf32>
    %get3A_16 = arith.constant 0 : index
    %get3A_17 = arith.constant 0 : index
    %get3A_18 = vector.load %arg6[%get3A_16, %get3A_17] : memref<64x64xf32, #tpu.memory_space<vmem>>, vector<64x64xf32>
    %dot_general3A = arith.constant dense<0.000000e+00> : vector<512x64xf32>
    %dot_general3A_19 = tpu.matmul %mul3A_15, %get3A_18, %dot_general3A {dimension_numbers = #tpu.dot_dimension_numbers<[1], [0], [0], [1], [0, 0, 1, 1], [], []>, transpose_lhs_hint = false} : vector<512x64xf32>, vector<64x64xf32>, vector<512x64xf32> -> vector<512x64xf32>
    %get3A_20 = arith.constant 0 : index
    %get3A_21 = arith.constant 0 : index
    %get3A_22 = vector.load %arg7[%get3A_20, %get3A_21] : memref<1x64xf32, #tpu.memory_space<vmem>>, vector<1x64xf32>
    %add3A_23 = vector.broadcast %get3A_22 : vector<1x64xf32> to vector<512x64xf32>
    %add3A_24 = arith.addf %dot_general3A_19, %add3A_23 : vector<512x64xf32>
    %max3A = arith.constant 0.000000e+00 : f32
    %max3A_25 = vector.broadcast %max3A : f32 to vector<512x64xf32>
    %max3A_26 = arith.maximumf %add3A_24, %max3A_25 : vector<512x64xf32>
    %get3A_27 = arith.constant 0 : index
    %get3A_28 = arith.constant 0 : index
    %get3A_29 = arith.constant 0 : index
    %get3A_30 = vector.load %arg8[%get3A_27, %get3A_28, %get3A_29] : memref<1x1x512xi32, #tpu.memory_space<vmem>>, vector<1x1x512xi32>
    %reshape3A = vector.shape_cast %get3A_30 : vector<1x1x512xi32> to vector<1x512xi32>
    %iota3A = tpu.iota {dimensions = array<i32: 0>} : vector<32x512xi32>
    %eq3A = vector.broadcast %reshape3A : vector<1x512xi32> to vector<32x512xi32>
    %eq3A_31 = arith.cmpi eq, %iota3A, %eq3A : vector<32x512xi32>
    %convert_element_type3A = arith.extui %eq3A_31 : vector<32x512xi1> to vector<32x512xi32>
    %convert_element_type3A_32 = arith.sitofp %convert_element_type3A : vector<32x512xi32> to vector<32x512xf32>
    %dot_general3A_33 = arith.constant dense<0.000000e+00> : vector<32x64xf32>
    %dot_general3A_34 = tpu.matmul %convert_element_type3A_32, %max3A_26, %dot_general3A_33 {dimension_numbers = #tpu.dot_dimension_numbers<[1], [0], [0], [1], [0, 0, 1, 1], [], []>, transpose_lhs_hint = false} : vector<32x512xf32>, vector<512x64xf32>, vector<32x64xf32> -> vector<32x64xf32>
    %broadcast_in_dim3A = arith.constant 1.000000e+00 : f32
    %broadcast_in_dim3A_35 = vector.broadcast %broadcast_in_dim3A : f32 to vector<512x64xf32>
    %dot_general3A_36 = arith.constant dense<0.000000e+00> : vector<32x64xf32>
    %dot_general3A_37 = tpu.matmul %convert_element_type3A_32, %broadcast_in_dim3A_35, %dot_general3A_36 {dimension_numbers = #tpu.dot_dimension_numbers<[1], [0], [0], [1], [0, 0, 1, 1], [], []>, transpose_lhs_hint = false} : vector<32x512xf32>, vector<512x64xf32>, vector<32x64xf32> -> vector<32x64xf32>
    %eq3A_38 = arith.constant 0 : i32
    %eq3A_39 = arith.cmpi eq, %arg0, %eq3A_38 : i32
    %convert_element_type3A_40 = arith.extui %eq3A_39 : i1 to i32
    %cond3A = arith.constant 0 : i32
    %cond3A_41 = arith.cmpi ne, %convert_element_type3A_40, %cond3A : i32
    scf.if %cond3A_41 {
      %broadcast_in_dim3A_60 = arith.constant 0.000000e+00 : f32
      %broadcast_in_dim3A_61 = vector.broadcast %broadcast_in_dim3A_60 : f32 to vector<32x64xf32>
      %swap3A_62 = arith.constant 0 : index
      %swap3A_63 = arith.constant 0 : index
      %swap3A_64 = vector.load %arg11[%swap3A_62, %swap3A_63] : memref<32x64xf32, #tpu.memory_space<vmem>>, vector<32x64xf32>
      tpu.vector_store %arg11[%swap3A_62, %swap3A_63], %broadcast_in_dim3A_61 {strides = array<i32>} : memref<32x64xf32, #tpu.memory_space<vmem>>, vector<32x64xf32>,
      %broadcast_in_dim3A_65 = arith.constant 0.000000e+00 : f32
      %broadcast_in_dim3A_66 = vector.broadcast %broadcast_in_dim3A_65 : f32 to vector<32x64xf32>
      %swap3A_67 = arith.constant 0 : index
      %swap3A_68 = arith.constant 0 : index
      %swap3A_69 = vector.load %arg12[%swap3A_67, %swap3A_68] : memref<32x64xf32, #tpu.memory_space<vmem>>, vector<32x64xf32>
      tpu.vector_store %arg12[%swap3A_67, %swap3A_68], %broadcast_in_dim3A_66 {strides = array<i32>} : memref<32x64xf32, #tpu.memory_space<vmem>>, vector<32x64xf32>,
    } else {
    }
    %get3A_42 = arith.constant 0 : index
    %get3A_43 = arith.constant 0 : index
    %get3A_44 = vector.load %arg11[%get3A_42, %get3A_43] : memref<32x64xf32, #tpu.memory_space<vmem>>, vector<32x64xf32>
    %add3A_45 = arith.addf %get3A_44, %dot_general3A_34 : vector<32x64xf32>
    %swap3A = arith.constant 0 : index
    %swap3A_46 = arith.constant 0 : index
    %swap3A_47 = vector.load %arg11[%swap3A, %swap3A_46] : memref<32x64xf32, #tpu.memory_space<vmem>>, vector<32x64xf32>
    tpu.vector_store %arg11[%swap3A, %swap3A_46], %add3A_45 {strides = array<i32>} : memref<32x64xf32, #tpu.memory_space<vmem>>, vector<32x64xf32>,
    %get3A_48 = arith.constant 0 : index
    %get3A_49 = arith.constant 0 : index
    %get3A_50 = vector.load %arg12[%get3A_48, %get3A_49] : memref<32x64xf32, #tpu.memory_space<vmem>>, vector<32x64xf32>
    %add3A_51 = arith.addf %get3A_50, %dot_general3A_37 : vector<32x64xf32>
    %swap3A_52 = arith.constant 0 : index
    %swap3A_53 = arith.constant 0 : index
    %swap3A_54 = vector.load %arg12[%swap3A_52, %swap3A_53] : memref<32x64xf32, #tpu.memory_space<vmem>>, vector<32x64xf32>
    tpu.vector_store %arg12[%swap3A_52, %swap3A_53], %add3A_51 {strides = array<i32>} : memref<32x64xf32, #tpu.memory_space<vmem>>, vector<32x64xf32>,
    %eq3A_55 = arith.constant 97 : i32
    %eq3A_56 = arith.cmpi eq, %arg0, %eq3A_55 : i32
    %convert_element_type3A_57 = arith.extui %eq3A_56 : i1 to i32
    %cond3A_58 = arith.constant 0 : i32
    %cond3A_59 = arith.cmpi ne, %convert_element_type3A_57, %cond3A_58 : i32
    scf.if %cond3A_59 {
      %get3A_60 = arith.constant 0 : index
      %get3A_61 = arith.constant 0 : index
      %get3A_62 = vector.load %arg11[%get3A_60, %get3A_61] : memref<32x64xf32, #tpu.memory_space<vmem>>, vector<32x64xf32>
      %get3A_63 = arith.constant 0 : index
      %get3A_64 = arith.constant 0 : index
      %get3A_65 = vector.load %arg12[%get3A_63, %get3A_64] : memref<32x64xf32, #tpu.memory_space<vmem>>, vector<32x64xf32>
      %max3A_66 = arith.constant 1.000000e+00 : f32
      %max3A_67 = vector.broadcast %max3A_66 : f32 to vector<32x64xf32>
      %max3A_68 = arith.maximumf %get3A_65, %max3A_67 : vector<32x64xf32>
      %div3A = arith.divf %get3A_62, %max3A_68 : vector<32x64xf32>
      %get3A_69 = arith.constant 0 : index
      %get3A_70 = arith.constant 0 : index
      %get3A_71 = vector.load %arg9[%get3A_69, %get3A_70] : memref<64x64xf32, #tpu.memory_space<vmem>>, vector<64x64xf32>
      %dot_general3A_72 = arith.constant dense<0.000000e+00> : vector<32x64xf32>
      %dot_general3A_73 = tpu.matmul %div3A, %get3A_71, %dot_general3A_72 {dimension_numbers = #tpu.dot_dimension_numbers<[1], [0], [0], [1], [0, 0, 1, 1], [], []>, transpose_lhs_hint = false} : vector<32x64xf32>, vector<64x64xf32>, vector<32x64xf32> -> vector<32x64xf32>
      %get3A_74 = arith.constant 0 : index
      %get3A_75 = arith.constant 0 : index
      %get3A_76 = vector.load %arg10[%get3A_74, %get3A_75] : memref<1x64xf32, #tpu.memory_space<vmem>>, vector<1x64xf32>
      %add3A_77 = vector.broadcast %get3A_76 : vector<1x64xf32> to vector<32x64xf32>
      %add3A_78 = arith.addf %dot_general3A_73, %add3A_77 : vector<32x64xf32>
      %swap3A_79 = arith.constant 0 : index
      %swap3A_80 = arith.constant 0 : index
      %swap3A_81 = vector.load %arg13[%swap3A_79, %swap3A_80] : memref<32x64xf32, #tpu.memory_space<vmem>>, vector<32x64xf32>
      tpu.vector_store %arg13[%swap3A_79, %swap3A_80], %add3A_78 {strides = array<i32>} : memref<32x64xf32, #tpu.memory_space<vmem>>, vector<32x64xf32>,
    } else {
    }
    return
  }
  func.func @transform_0(%arg0: i32) -> (i32, i32) {
    %c0_i32 = arith.constant 0 : i32
    %c0_i32_0 = arith.constant 0 : i32
    return %arg0, %c0_i32 : i32, i32
  }
  func.func @transform_1(%arg0: i32) -> (i32, i32) {
    %c0_i32 = arith.constant 0 : i32
    %c0_i32_0 = arith.constant 0 : i32
    return %arg0, %c0_i32 : i32, i32
  }
  func.func @transform_2(%arg0: i32) -> (i32, i32) {
    %c0_i32 = arith.constant 0 : i32
    %c0_i32_0 = arith.constant 0 : i32
    return %arg0, %c0_i32 : i32, i32
  }
  func.func @transform_3(%arg0: i32) -> (i32, i32) {
    %c0_i32 = arith.constant 0 : i32
    %c0_i32_0 = arith.constant 0 : i32
    return %arg0, %c0_i32 : i32, i32
  }
  func.func @transform_4(%arg0: i32) -> (i32, i32) {
    %c0_i32 = arith.constant 0 : i32
    %c0_i32_0 = arith.constant 0 : i32
    return %arg0, %c0_i32 : i32, i32
  }
  func.func @transform_5(%arg0: i32) -> (i32, i32) {
    %c0_i32 = arith.constant 0 : i32
    %c0_i32_0 = arith.constant 0 : i32
    %c0_i32_1 = arith.constant 0 : i32
    return %c0_i32, %c0_i32_0 : i32, i32
  }
  func.func @transform_6(%arg0: i32) -> (i32, i32) {
    %c0_i32 = arith.constant 0 : i32
    %c0_i32_0 = arith.constant 0 : i32
    %c0_i32_1 = arith.constant 0 : i32
    return %c0_i32, %c0_i32_0 : i32, i32
  }
  func.func @transform_7(%arg0: i32) -> (i32, i32, i32) {
    %c0_i32 = arith.constant 0 : i32
    %c0_i32_0 = arith.constant 0 : i32
    %c0_i32_1 = arith.constant 0 : i32
    return %arg0, %c0_i32, %c0_i32_0 : i32, i32, i32
  }
  func.func @transform_8(%arg0: i32) -> (i32, i32) {
    %c0_i32 = arith.constant 0 : i32
    %c0_i32_0 = arith.constant 0 : i32
    %c0_i32_1 = arith.constant 0 : i32
    return %c0_i32, %c0_i32_0 : i32, i32
  }
  func.func @transform_9(%arg0: i32) -> (i32, i32) {
    %c0_i32 = arith.constant 0 : i32
    %c0_i32_0 = arith.constant 0 : i32
    %c0_i32_1 = arith.constant 0 : i32
    return %c0_i32, %c0_i32_0 : i32, i32
  }
  func.func @transform_10(%arg0: i32) -> (i32, i32) {
    %c0_i32 = arith.constant 0 : i32
    %c0_i32_0 = arith.constant 0 : i32
    %c0_i32_1 = arith.constant 0 : i32
    return %c0_i32, %c0_i32_0 : i32, i32
  }
  func.func @transform_11(%arg0: i32) -> (i32, i32) {
    %c0_i32 = arith.constant 0 : i32
    %c0_i32_0 = arith.constant 0 : i32
    %c0_i32_1 = arith.constant 0 : i32
    return %c0_i32, %c0_i32_0 : i32, i32
  }
  func.func @transform_12(%arg0: i32) -> (i32, i32) {
    %c0_i32 = arith.constant 0 : i32
    %c0_i32_0 = arith.constant 0 : i32
    %c0_i32_1 = arith.constant 0 : i32
    return %c0_i32, %c0_i32_0 : i32, i32
  }
}

</mosaic_0001>

<sc_bundles>
// kernel: kernel.12.cloned.1.call-start
scs
__scs_entry_jumppad:
0x0: {  	(pc) =	sbr.rel $0x88, $3  }
0x1: {  	(tag) =	ssettag $0x0;
	lr =	simm.s32 $0x1  }
0x2: {  	[smem:$0x3F94] =	sst lr;
	_ =	strace $0xD0000000  }
0x3: {  	_ = 	snop  }
0x4: {  	_ = 	snop  }
0x5: {  	_ = 	snop  }
0x6: {  	_ = 	snop  }
0x7: {  	_ = 	snop  }
__scs_overlays_trampoline_lowered:
0x8: {  	[smem:$0x3FA3] =	sst s0  }
0x9: {  	[smem:$0x3FA4] =	sst s1  }
0xa: {  	[smem:$0x3FA5] =	sst s2  }
0xb: {  	[smem:$0x3FA6] =	sst s3  }
0xc: {  	[smem:$0x3FA7] =	sst s4  }
0xd: {  	[smem:$0x3FA8] =	sst s5  }
0xe: {  	[smem:$0x3FA9] =	sst s6  }
0xf: {  	[smem:$0x3FAA] =	sst s7  }
0x10: {  	[smem:$0x3FAB] =	sst s8  }
0x11: {  	[smem:$0x3FAC] =	sst s9;
	s0 =	simm.s32 @!p0 $0x0  }
0x12: {  	s1 =	sld [smem:$0x3F92];
	s0 =	simm.s32 @p0 $0x1  }
0x13: {  	[smem:$0x3FAD] =	sst s0;
	s0 =	simm.s32 @!p1 $0x0  }
0x14: {  	s2 =	sld [smem:$0x3F91];
	s0 =	simm.s32 @p1 $0x1  }
0x15: {  	[smem:$0x3FAE] =	sst s0;
	s0 =	simm.s32 @!p2 $0x0  }
0x16: {  	s3 =	sld [smem:$0x3FDB];
	s0 =	simm.s32 @p2 $0x1  }
0x17: {  	s4 =	simm.s32 $0x1BF5;
	[smem:$0x3FB0] =	sst s0  }
0x18: {  	s0 =	sld [smem:$0x3F93];
	_ =	swait.ge [sflag:s4], $0x0  }
0x19: {  	s7 =	sld [smem:$0x3F94]  }
0x1a: {  	s8 =	sadd.s32 $0xFFFFE003, lr  }
0x1b: {  	s9 =	sadd.s32 $0xFFFFFEF7, lr;
	s5 =	simm.s32 $0xFFFFFFFF;
	p2 =	slt.u32 s8, $0xFFFFF086  }
0x1c: {  	p1 =	slt.u32 s9, $0xF7A;
	s5 =	simm.s32 @!p2 $0x0  }
0x1d: {  	s5 =	simm.s32 @p1 $0x1;
	p0 =	seq.s32 s7, s2  }
0x1e: {  	s7 =	smul.u32 @!p0 $0xF7A, s2;
	p2 =	seq.s32 @!p0 s5, $0x0  }
0x1f: {  	s9 =	smul.u32 $0xF7A, s1;
	s8 =	simm.s32 @!p0 $0x1BF5;
	p2 =	por !p2, p0  }
0x20: {  	[sflag:s8] =	ssyncset.s32 @!p0 $0xFFFFF086;
	s6 =	sadd.s32 @!p0 s3, s7;
	s7 =	simm.s32 @!p0 $0x108  }
0x21: {  	s3 =	sadd.s32 s3, s9;
	s6 =	sadd.s32 @!p0 $0x88, s6;
	s7 =	simm.s32 @p2 $0x1082  }
0x22: {  	[simem:s7], [sflag:s8] =	dma.local @!p0 [hbm:s6], $0xF7A  }
0x23: {  	s9 =	sor.u32 $0xD0000000, s2;
	s6 =	simm.s32 $0x108;
	_ =	swait.ge @!p0 [sflag:s8], $0x0  }
0x24: {  	s3 =	sadd.s32 $0x88, s3;
	s6 =	simm.s32 @!p1 $0x1082;
	[sflag:s4] =	ssyncset.s32 $0xFFFFF086  }
0x25: {  	[simem:s6], [sflag:s4] =	dma.local [hbm:s3], $0xF7A  }
0x26: {  	[smem:$0x3F94] =	sst s1;
	(tag) =	ssettag s2;
	_ =	strace s9  }
0x27: {  	s1 =	sld [smem:$0x3FA4]  }
0x28: {  	s2 =	sld [smem:$0x3FA5]  }
0x29: {  	s4 =	sld [smem:$0x3FA7]  }
0x2a: {  	p0 =	seq.s32 s5, $0x0;
	s5 =	sld [smem:$0x3FA8]  }
0x2b: {  	s6 =	sld [smem:$0x3FA9]  }
0x2c: {  	s7 =	sld [smem:$0x3FAA]  }
0x2d: {  	s3 =	simm.s32 $0x108;
	s8 =	sld [smem:$0x3FAB]  }
0x2e: {  	s3 =	simm.s32 @!p0 $0x1082;
	s9 =	sld [smem:$0x3FAC]  }
0x2f: {  	lr =	sadd.s32 s0, s3;
	s0 =	sld [smem:$0x3FA3]  }
0x30: {  	s3 =	sld [smem:$0x3FA6]  }
0x31: {  	[smem:$0x3FAF] =	sst s10  }
0x32: {  	s10 =	sld [smem:$0x3FAD];
	_ =	sdelay $0x3  }
0x33: {  	p0 =	seq.s32 s10, $0x1;
	s10 =	sld [smem:$0x3FAF];
	_ =	sdelay $0x3  }
0x34: {  	[smem:$0x3FAF] =	sst s10  }
0x35: {  	s10 =	sld [smem:$0x3FAE];
	_ =	sdelay $0x3  }
0x36: {  	p1 =	seq.s32 s10, $0x1;
	s10 =	sld [smem:$0x3FAF];
	_ =	sdelay $0x3  }
0x37: {  	[smem:$0x3FAF] =	sst s10  }
0x38: {  	s10 =	sld [smem:$0x3FB0]  }
0x39: {  	_ = 	snop;
	(pc) =	sbr.ind lr, $3  }
0x3a: {  	_ = 	snop  }
0x3b: {  	_ = 	snop  }
0x3c: {  	p2 =	seq.s32 s10, $0x1;
	s10 =	sld [smem:$0x3FAF]  }
0x3d: {  	_ =	shalt  }
0x3e: {  	_ =	shalt  }
0x3f: {  	_ =	shalt  }
0x40: {  	_ =	shalt  }
0x41: {  	_ =	shalt  }
0x42: {  	_ =	shalt  }
0x43: {  	_ =	shalt  }
0x44: {  	_ =	shalt  }
0x45: {  	_ =	shalt  }
0x46: {  	_ =	shalt  }
0x47: {  	_ =	shalt  }
0x48: {  	_ =	shalt  }
0x49: {  	_ =	shalt  }
0x4a: {  	_ =	shalt  }
0x4b: {  	_ =	shalt  }
0x4c: {  	_ =	shalt  }
0x4d: {  	_ =	shalt  }
0x4e: {  	_ =	shalt  }
0x4f: {  	_ =	shalt  }
0x50: {  	_ =	shalt  }
0x51: {  	_ =	shalt  }
0x52: {  	_ =	shalt  }
0x53: {  	_ =	shalt  }
0x54: {  	_ =	shalt  }
0x55: {  	_ =	shalt  }
0x56: {  	_ =	shalt  }
0x57: {  	_ =	shalt  }
0x58: {  	_ =	shalt  }
0x59: {  	_ =	shalt  }
0x5a: {  	_ =	shalt  }
0x5b: {  	_ =	shalt  }
0x5c: {  	_ =	shalt  }
0x5d: {  	_ =	shalt  }
0x5e: {  	_ =	shalt  }
0x5f: {  	_ =	shalt  }
0x60: {  	_ =	shalt  }
0x61: {  	_ =	shalt  }
0x62: {  	_ =	shalt  }
0x63: {  	_ =	shalt  }
0x64: {  	_ =	shalt  }
0x65: {  	_ =	shalt  }
0x66: {  	_ =	shalt  }
0x67: {  	_ =	shalt  }
0x68: {  	_ =	shalt  }
0x69: {  	_ =	shalt  }
0x6a: {  	_ =	shalt  }
0x6b: {  	_ =	shalt  }
0x6c: {  	_ =	shalt  }
0x6d: {  	_ =	shalt  }
0x6e: {  	_ =	shalt  }
0x6f: {  	_ =	shalt  }
0x70: {  	_ =	shalt  }
0x71: {  	_ =	shalt  }
0x72: {  	_ =	shalt  }
0x73: {  	_ =	shalt  }
0x74: {  	_ =	shalt  }
0x75: {  	_ =	shalt  }
0x76: {  	_ =	shalt  }
0x77: {  	_ =	shalt  }
0x78: {  	_ =	shalt  }
0x79: {  	_ =	shalt  }
0x7a: {  	_ =	shalt  }
0x7b: {  	_ =	shalt  }
0x7c: {  	_ =	shalt  }
0x7d: {  	_ =	shalt  }
0x7e: {  	_ =	shalt  }
0x7f: {  	_ =	shalt  }
0x80: {  	_ =	shalt  }
0x81: {  	_ =	shalt  }
0x82: {  	_ =	shalt  }
0x83: {  	_ =	shalt  }
0x84: {  	_ =	shalt  }
0x85: {  	_ =	shalt  }
0x86: {  	_ =	shalt  }
0x87: {  	_ =	shalt  }
.Lfunc_end0:
.L_simem_size_0:
called_computation.1_lowered:
.L_overlay_start_0:
0x88: {  	s2 =	sld [smem:$0x3FD9]  }
0x89: {  	s3 =	sld [smem:$0x3FFE];
	_ =	sdelay $0x1  }
0x8a: {  	s1 =	srdreg.scid  }
0x8b: {  	s0 =	sand.u32 $0x1, s1  }
0x8c: {  	s17 =	sshll.u32 s0, $0xA;
	s2 =	sadd.s32 s3, s2  }
0x8d: {  	s2 =	sadd.s32 s2, s17  }
0x8e: {  	[smem:$0x3FBB] =	sst s2  }
0x8f: {  	_ = 	snop  }
0x90: {  	(tm) =	ssettm $0x1  }
0x91: {  	s18 =	sld [smem:$0x3FFB];
	_ =	sdelay $0x3  }
0x92: {  	_ =	strace s18  }
0x93: {  	s2 =	sld [smem:$0x3FFC];
	_ =	sdelay $0x3  }
0x94: {  	_ =	strace s2  }
0x95: {  	s2 =	sld [smem:$0x3FFD];
	_ =	sdelay $0x3  }
0x96: {  	_ =	strace s2  }
0x97: {  	_ =	strace $0x8FFFFFFF  }
0x98: {  	s19 =	sld [smem:$0x3FDB];
	_ =	sdelay $0x1  }
0x99: {  	s20 =	simm.s32 $_scs_section_size  }
0x9a: {  	s4 =	simm.s32 $_size__tile_overlayer_lowered;
	s5 =	simm.s32 $_tile_overlayer_lowered  }
0x9b: {  	s6 =	simm.s32 $0x1BFF;
	s21 =	sshll.u32 s5, $0x1;
	s3 =	sadd.s32 s20, s19  }
0x9c: {  	s22 =	simm.s32 $0x0;
	s4 =	sshll.u32 s4, $0x1;
	s5 =	sadd.s32 s21, s3  }
0x9d: {  	[timem:s22], [sflag:s6] =	dma.local [hbm:s5], s4  }
0x9e: {  	_ =	swait.ge [sflag:s6], s4  }
0x9f: {  	s4 =	ssub.s32 $0x0, s4;
	[sflag:s6] =	ssyncset.done $0x0  }
0xa0: {  	[sflag:s6] =	ssyncadd.s32 s4;
	_ =	sdelay $0x1  }
0xa1: {  	s23 =	simm.s32 $0x1B8B  }
0xa2: {  	_ =	swait.ge [sflag:s23], $0x1  }
0xa3: {  	[sflag:s23] =	ssyncset.done $0x0  }
0xa4: {  	[sflag:s23] =	ssyncadd.s32 $0xFFFFFFFF  }
0xa5: {  	s4 =	sld [smem:$0x0]  }
0xa6: {  	s5 =	sand.u32 $0xFFFFFFFE, s1  }
0xa7: {  	p0 =	sne.s32 s1, s5  }
0xa8: {  	s5 =	sshll.u32 @p0 s5, $0xE  }
0xa9: {  	s5 =	sadd.s32 @p0 $0x11B8D, s5;
	s6 =	sshll.u32 @p0 s4, $0x11  }
0xaa: {  	s5 =	sor.u32 @p0 s6, s5  }
0xab: {  	[sflag:s5] =	ssyncadd.remote.s32 @p0 $0x1;
	_ =	sdelay $0x1  }
0xac: {  	s5 =	simm.s32 @p0 $0x1B8D  }
0xad: {  	_ =	swait.eq @p0 [sflag:s5], $0x1  }
0xae: {  	[sflag:s5] =	ssyncadd.s32 @p0 $0xFFFFFFFF  }
0xaf: {  	s6 =	sshll.u32 @!p0 s1, $0xE  }
0xb0: {  	s6 =	sor.u32 @!p0 $0x4000, s6;
	s5 =	simm.s32 @!p0 $0x1B8D  }
0xb1: {  	s4 =	sshll.u32 @!p0 s4, $0x11;
	s6 =	sadd.s32 @!p0 $0x11B8D, s6;
	_ =	swait.eq @!p0 [sflag:s5], $0x1  }
0xb2: {  	s4 =	sor.u32 @!p0 s4, s6;
	[sflag:s5] =	ssyncadd.s32 @!p0 $0xFFFFFFFF  }
0xb3: {  	s25 =	simm.s32 $0x1B8E;
	s24 =	sld [smem:$0x3FFE];
	[sflag:s4] =	ssyncadd.remote.s32 @!p0 $0x1  }
0xb4: {  	s26 =	simm.s32 $execute0_lowered;
	[smem:$0x3FD2] =	sst s25  }
0xb5: {  	s5 =	sshll.u32 s26, $0x1;
	_ =	strace $0x80000049;
	[dreg:$0x1] =	wrdreg $0xFFFFFFFF  }
0xb6: {  	s28 =	simm.s32 $_size_execute0_lowered;
	s3 =	sadd.s32 s3, s5;
	[dreg:$0x0] =	wrdreg $0x0  }
0xb7: {  	s5 =	sshll.u32 s28, $0x1;
	[dreg:$0x2] =	wrdreg s3  }
0xb8: {  	[dreg:$0x3] =	wrdreg s5  }
0xb9: {  	[dreg:$0x4] =	wrdreg $0xC0  }
0xba: {  	_ =	task [dreg:s22], $0x5FFFF  }
0xbb: {  	[dreg:$0x1] =	wrdreg $0xFFFFFFFF  }
0xbc: {  	[dreg:$0x0] =	wrdreg $0x60  }
0xbd: {  	[dreg:$0x2] =	wrdreg s24  }
0xbe: {  	[dreg:$0x3] =	wrdreg $0x1BA00  }
0xbf: {  	[dreg:$0x4] =	wrdreg $0xA  }
0xc0: {  	_ =	task.clear_ibuf [dreg:s22], $0x5FFFF;
	_ =	strace $0x90000049  }
0xc1: {  	s29 =	simm.s32 $0xA;
	_ =	strace $0x8000004B  }
0xc2: {  	_ =	swait.ge [sflag:s29], $0x1  }
0xc3: {  	[sflag:s29] =	ssyncadd.s32 $0xFFFFFFFF  }
0xc4: {  	_ =	strace $0x9000004B  }
0xc5: {  	_ =	sfence  }
0xc6: {  	s30 =	sld [smem:$0x0];
	_ =	sdelay $0x2  }
0xc7: {  	s31 =	sshll.u32 s1, $0xD;
	s1 =	sshrl.u32 s1, $0x2  }
0xc8: {  	s4 =	sand.u32 $0x4000, s31;
	s1 =	sadd.s32 s1, s30  }
0xc9: {  	s0 =	sor.u32 s4, s0;
	s1 =	sshll.u32 s1, $0x11  }
0xca: {  	s0 =	sor.u32 s1, s0  }
0xcb: {  	s0 =	sadd.s32 $0x8F2B, s0  }
0xcc: {  	[sflag:s0] =	ssyncadd.remote.s32 $0x1  }
0xcd: {  	_ =	sfence.sel $0xFFFF  }
0xce: {  	[dreg:$0x0] =	wrdreg $0xFFFFFFFF;
	(pc) =	sbr.abs _section_cstart, $3  }
0xcf: {  	[dreg:$0x1] =	wrdreg $0xFFFFFFFF  }
0xd0: {  	_ =	task.clear_ibuf [dreg:s22], $0x2FFFF;
	_ =	strace $0x9FFFFFFF  }
0xd1: {  	(tm) =	ssettm $0x7FFFFFFF  }
tec
execute0_lowered:
.L_overlay_start_1:
0x0: {  	(tag) =	ssettag $0x1  }
0x1: {  	s8 =	rddreg [dreg:$0x0]  }
0x2: {  	s0 =	srdreg.scid;
	s2 =	rddreg [dreg:$0x1]  }
0x3: {  	s1 =	rddreg [dreg:$0x2];
	s6 =	sand.u32 $0x1, s0  }
0x4: {  	s3 =	simm.s32 $0x0;
	s0 =	stileid.u32;
	s4 =	smul.u32 $0x64C00, s6  }
0x5: {  	s12 =	simm.s32 $0x87C00;
	[smem:$0x7FF] =	sst s3;
	s5 =	smul.u32 $0x64C0, s0  }
0x6: {  	_ =	strace $0x8000004A;
	s7 =	ssub.s32 $0x2, s6;
	s31 =	smul.u32 $0xC400, s0  }
0x7: {  	s11 =	sshll.u32 s0, $0x6;
	p0 =	seq.s32 s6, $0x1;
	s10 =	sshrl.u32 s7, $0x1  }
0x8: {  	s6 =	sor.u32 $0x1C01, s11;
	s12 =	simm.s32 @!p0 $0xA0400;
	s11 =	simm.s32 $0x1  }
0x9: {  	s4 =	sadd.s32 s5, s4;
	s5 =	sadd.s32 $0x85E00, s8;
	s7 =	ssub.s32 s7, s10  }
0xa: {  	s13 =	sadd.s32 s31, s2;
	s10 =	sshrl.u32 s31, $0x3;
	s4 =	sshrl.u32 s4, $0x3  }
0xb: {  	s9 =	sadd.s32 s4, s8;
	s4 =	sadd.s32 $0x87800, s8;
	s8 =	sadd.s32 s12, s8  }
0xc: {  	s7 =	smax.u32 s7, $0x1;
	s12 =	simm.s32 $0x1A0;
	s8 =	sadd.s32 s8, s10  }
0xd: {  	s9 =	sadd.s32 $0x6CA00, s9;
	s10 =	sshrl.u32 s13, $0x3;
	s13 =	simm.s32 $0x0  }
.LBB2_1:
0xe: {  	[spmem:s10], [sflag:s6] =	dma.local [hbm:s5], $0x1880  }
0xf: {  	_ =	swait.ge [sflag:s11], $0x1880  }
0x10: {  	[sflag:s11] =	ssyncset.done $0x0  }
0x11: {  	[sflag:s11] =	ssyncadd.s32 $0xFFFFE780  }
0x12: {  	[tilespmem:s12], [sflag:$0x1] =	stream.linear.gather [hbm4b:s4+s3], $0x1A00, $0x38;
	[tilespmem:$0xDFA0] =	vst v63  }
0x13: {  	_ =	swait.ge [sflag:s11], $0x1A00  }
0x14: {  	[sflag:s11] =	ssyncset.done $0x0  }
0x15: {  	[sflag:s11] =	ssyncadd.s32 $0xFFFFE600  }
0x16: {  	s14 =	sadd.s32 $0x0, s9;
	[bflag:$0x0] =	sbarrier.arrive $0xFFFF  }
0x17: {  	[tilespmem:s3], [sflag:$0x1] =	stream.linear.gather [hbm4b:s14+s3], $0x1A0, $0x38;
	[tilespmem:$0xDFA0] =	vst v63  }
0x18: {  	_ =	swait.ge [sflag:s11], $0x1A0  }
0x19: {  	[sflag:s11] =	ssyncset.done $0x0  }
0x1a: {  	[sflag:s11] =	ssyncadd.s32 $0xFFFFFE60  }
0x1b: {  	[spmem:s2] =	stream.indirect.scatter.add.f32 [tilespmem:s12], [sflag:$0x1], $0x10, s3, s12, $0xb8;
	[tilespmem:$0xDFA0] =	vst v63  }
0x1c: {  	_ =	swait.ge [sflag:s11], $0x1A00  }
0x1d: {  	s15 =	simm.s32 $0x68;
	s14 =	simm.s32 $0x34;
	[sflag:s11] =	ssyncset.done $0x0  }
.LBB2_2:
0x1e: {  	s16 =	sadd.s32 s14, s9  }
0x1f: {  	[sflag:s11] =	ssyncadd.s32 $0xFFFFE600;
	s14 =	smov.u32 s15;
	s17 =	sadd.s32 $0x34, s15  }
0x20: {  	[tilespmem:s3], [sflag:$0x1] =	stream.linear.gather [hbm4b:s16+s3], $0x1A0, $0x38;
	[tilespmem:$0xDFA0] =	vst v63  }
0x21: {  	p0 =	sne.s32 s15, $0xC64;
	_ =	swait.ge [sflag:s11], $0x1A0  }
.Ltmp0:
0x22: {  	[sflag:s11] =	ssyncset.done $0x0;
	(pc) =	sbr.rel @p0 .LBB2_2-.Ltmp0, $4  }
0x23: {  	[sflag:s11] =	ssyncadd.s32 $0xFFFFFE60  }
0x24: {  	[spmem:s2] =	stream.indirect.scatter.add.f32 [tilespmem:s12], [sflag:$0x1], $0x10, s3, s12, $0xb8;
	[tilespmem:$0xDFA0] =	vst v63  }
0x25: {  	_ =	swait.ge [sflag:s11], $0x1A00  }
0x26: {  	s15 =	smov.u32 s17;
	[sflag:s11] =	ssyncset.done $0x0  }
0x27: {  	s14 =	sadd.s32 s14, s9;
	[sflag:s11] =	ssyncadd.s32 $0xFFFFE600  }
0x28: {  	[tilespmem:s3], [sflag:$0x1] =	stream.linear.gather [hbm4b:s14+s3], $0x1A0, $0x38;
	[tilespmem:$0xDFA0] =	vst v63  }
0x29: {  	_ =	swait.ge [sflag:s11], $0x1A0  }
0x2a: {  	[sflag:s11] =	ssyncset.done $0x0  }
0x2b: {  	[sflag:s11] =	ssyncadd.s32 $0xFFFFFE60  }
0x2c: {  	[spmem:s2] =	stream.indirect.scatter.add.f32 [tilespmem:s12], [sflag:$0x1], $0x10, s3, s12, $0xb8;
	[tilespmem:$0xDFA0] =	vst v63  }
0x2d: {  	_ =	swait.ge [sflag:s11], $0x1A00  }
0x2e: {  	s13 =	sadd.s32 $0x1, s13;
	[sflag:s11] =	ssyncset.done $0x0  }
0x2f: {  	p0 =	sne.s32 s13, s7;
	[sflag:s11] =	ssyncadd.s32 $0xFFFFE600  }
.Ltmp1:
0x30: {  	[bflag:$0x0] =	sbarrier.arrive $0xFFFF;
	(pc) =	sbr.rel @p0 .LBB2_1-.Ltmp1, $4  }
0x31: {  	[hbm:s8], [sflag:s6] =	dma.local [spmem:s10], $0x1880  }
0x32: {  	_ =	swait.ge [sflag:s11], $0x1880  }
0x33: {  	[sflag:s11] =	ssyncset.done $0x0  }
0x34: {  	[sflag:s11] =	ssyncadd.s32 $0xFFFFE780  }
0x35: {  	_ =	sfence.sel $0x180000  }
0x36: {  	[bflag:$0x0] =	sbarrier.arrive $0xFFFF  }
0x37: {  	p0 =	sne.s32 s0, $0x0;
	_ =	strace $0x9000004A  }
0x38: {  	s0 =	sadd.s32 @!p0 $0x100000, s1;
	[bflag:$0x2] =	sbarrier.arrive $0xFFFF  }
0x39: {  	[sflag:s0] =	ssyncadd.tile.s32 @!p0 $0x1;
	_ =	shalt  }
.Lfunc_end2:
_tile_overlayer_lowered:
.L_overlay_start_2:
0x3a: {  	(tag) =	ssettag $0x2  }
0x3b: {  	s0 =	rddreg [dreg:$0x0];
	s2 =	stileid.u32  }
0x3c: {  	s1 =	rddreg [dreg:$0x1];
	p0 =	sne.s32 s2, $0x0  }
0x3d: {  	s3 =	rddreg [dreg:$0x2];
	[bflag:$0x3] =	sbarrier.arrive $0xFFFF;
	s2 =	simm.s32 @!p0 $0x1C01  }
0x3e: {  	[timem:s3], [sflag:s2] =	dma.local @!p0 [hbm:s0], s1  }
0x3f: {  	s0 =	simm.s32 @!p0 $0x1  }
0x40: {  	_ =	swait.ge @!p0 [sflag:s0], s1  }
0x41: {  	s1 =	ssub.s32 @!p0 $0x0, s1;
	[sflag:s0] =	ssyncset.done @!p0 $0x0  }
0x42: {  	[sflag:s0] =	ssyncadd.s32 @!p0 s1  }
0x43: {  	[bflag:$0x3] =	sbarrier.arrive $0xFFFF  }
0x44: {  	_ =	shalt  }

// kernel: kernel.15.cloned.1.call-start
scs
__scs_entry_jumppad:
0x0: {  	(pc) =	sbr.rel $0x88, $3  }
0x1: {  	(tag) =	ssettag $0x0;
	lr =	simm.s32 $0x1  }
0x2: {  	[smem:$0x3F94] =	sst lr;
	_ =	strace $0xD0000000  }
0x3: {  	_ = 	snop  }
0x4: {  	_ = 	snop  }
0x5: {  	_ = 	snop  }
0x6: {  	_ = 	snop  }
0x7: {  	_ = 	snop  }
__scs_overlays_trampoline_lowered:
0x8: {  	[smem:$0x3FA3] =	sst s0  }
0x9: {  	[smem:$0x3FA4] =	sst s1  }
0xa: {  	[smem:$0x3FA5] =	sst s2  }
0xb: {  	[smem:$0x3FA6] =	sst s3  }
0xc: {  	[smem:$0x3FA7] =	sst s4  }
0xd: {  	[smem:$0x3FA8] =	sst s5  }
0xe: {  	[smem:$0x3FA9] =	sst s6  }
0xf: {  	[smem:$0x3FAA] =	sst s7  }
0x10: {  	[smem:$0x3FAB] =	sst s8  }
0x11: {  	[smem:$0x3FAC] =	sst s9;
	s0 =	simm.s32 @!p0 $0x0  }
0x12: {  	s1 =	sld [smem:$0x3F92];
	s0 =	simm.s32 @p0 $0x1  }
0x13: {  	[smem:$0x3FAD] =	sst s0;
	s0 =	simm.s32 @!p1 $0x0  }
0x14: {  	s2 =	sld [smem:$0x3F91];
	s0 =	simm.s32 @p1 $0x1  }
0x15: {  	[smem:$0x3FAE] =	sst s0;
	s0 =	simm.s32 @!p2 $0x0  }
0x16: {  	s3 =	sld [smem:$0x3FDB];
	s0 =	simm.s32 @p2 $0x1  }
0x17: {  	s4 =	simm.s32 $0x1BF5;
	[smem:$0x3FB0] =	sst s0  }
0x18: {  	s0 =	sld [smem:$0x3F93];
	_ =	swait.ge [sflag:s4], $0x0  }
0x19: {  	s7 =	sld [smem:$0x3F94]  }
0x1a: {  	s8 =	sadd.s32 $0xFFFFE003, lr  }
0x1b: {  	s9 =	sadd.s32 $0xFFFFFEF7, lr;
	s5 =	simm.s32 $0xFFFFFFFF;
	p2 =	slt.u32 s8, $0xFFFFF086  }
0x1c: {  	p1 =	slt.u32 s9, $0xF7A;
	s5 =	simm.s32 @!p2 $0x0  }
0x1d: {  	s5 =	simm.s32 @p1 $0x1;
	p0 =	seq.s32 s7, s2  }
0x1e: {  	s7 =	smul.u32 @!p0 $0xF7A, s2;
	p2 =	seq.s32 @!p0 s5, $0x0  }
0x1f: {  	s9 =	smul.u32 $0xF7A, s1;
	s8 =	simm.s32 @!p0 $0x1BF5;
	p2 =	por !p2, p0  }
0x20: {  	[sflag:s8] =	ssyncset.s32 @!p0 $0xFFFFF086;
	s6 =	sadd.s32 @!p0 s3, s7;
	s7 =	simm.s32 @!p0 $0x108  }
0x21: {  	s3 =	sadd.s32 s3, s9;
	s6 =	sadd.s32 @!p0 $0x88, s6;
	s7 =	simm.s32 @p2 $0x1082  }
0x22: {  	[simem:s7], [sflag:s8] =	dma.local @!p0 [hbm:s6], $0xF7A  }
0x23: {  	s9 =	sor.u32 $0xD0000000, s2;
	s6 =	simm.s32 $0x108;
	_ =	swait.ge @!p0 [sflag:s8], $0x0  }
0x24: {  	s3 =	sadd.s32 $0x88, s3;
	s6 =	simm.s32 @!p1 $0x1082;
	[sflag:s4] =	ssyncset.s32 $0xFFFFF086  }
0x25: {  	[simem:s6], [sflag:s4] =	dma.local [hbm:s3], $0xF7A  }
0x26: {  	[smem:$0x3F94] =	sst s1;
	(tag) =	ssettag s2;
	_ =	strace s9  }
0x27: {  	s1 =	sld [smem:$0x3FA4]  }
0x28: {  	s2 =	sld [smem:$0x3FA5]  }
0x29: {  	s4 =	sld [smem:$0x3FA7]  }
0x2a: {  	p0 =	seq.s32 s5, $0x0;
	s5 =	sld [smem:$0x3FA8]  }
0x2b: {  	s6 =	sld [smem:$0x3FA9]  }
0x2c: {  	s7 =	sld [smem:$0x3FAA]  }
0x2d: {  	s3 =	simm.s32 $0x108;
	s8 =	sld [smem:$0x3FAB]  }
0x2e: {  	s3 =	simm.s32 @!p0 $0x1082;
	s9 =	sld [smem:$0x3FAC]  }
0x2f: {  	lr =	sadd.s32 s0, s3;
	s0 =	sld [smem:$0x3FA3]  }
0x30: {  	s3 =	sld [smem:$0x3FA6]  }
0x31: {  	[smem:$0x3FAF] =	sst s10  }
0x32: {  	s10 =	sld [smem:$0x3FAD];
	_ =	sdelay $0x3  }
0x33: {  	p0 =	seq.s32 s10, $0x1;
	s10 =	sld [smem:$0x3FAF];
	_ =	sdelay $0x3  }
0x34: {  	[smem:$0x3FAF] =	sst s10  }
0x35: {  	s10 =	sld [smem:$0x3FAE];
	_ =	sdelay $0x3  }
0x36: {  	p1 =	seq.s32 s10, $0x1;
	s10 =	sld [smem:$0x3FAF];
	_ =	sdelay $0x3  }
0x37: {  	[smem:$0x3FAF] =	sst s10  }
0x38: {  	s10 =	sld [smem:$0x3FB0]  }
0x39: {  	_ = 	snop;
	(pc) =	sbr.ind lr, $3  }
0x3a: {  	_ = 	snop  }
0x3b: {  	_ = 	snop  }
0x3c: {  	p2 =	seq.s32 s10, $0x1;
	s10 =	sld [smem:$0x3FAF]  }
0x3d: {  	_ =	shalt  }
0x3e: {  	_ =	shalt  }
0x3f: {  	_ =	shalt  }
0x40: {  	_ =	shalt  }
0x41: {  	_ =	shalt  }
0x42: {  	_ =	shalt  }
0x43: {  	_ =	shalt  }
0x44: {  	_ =	shalt  }
0x45: {  	_ =	shalt  }
0x46: {  	_ =	shalt  }
0x47: {  	_ =	shalt  }
0x48: {  	_ =	shalt  }
0x49: {  	_ =	shalt  }
0x4a: {  	_ =	shalt  }
0x4b: {  	_ =	shalt  }
0x4c: {  	_ =	shalt  }
0x4d: {  	_ =	shalt  }
0x4e: {  	_ =	shalt  }
0x4f: {  	_ =	shalt  }
0x50: {  	_ =	shalt  }
0x51: {  	_ =	shalt  }
0x52: {  	_ =	shalt  }
0x53: {  	_ =	shalt  }
0x54: {  	_ =	shalt  }
0x55: {  	_ =	shalt  }
0x56: {  	_ =	shalt  }
0x57: {  	_ =	shalt  }
0x58: {  	_ =	shalt  }
0x59: {  	_ =	shalt  }
0x5a: {  	_ =	shalt  }
0x5b: {  	_ =	shalt  }
0x5c: {  	_ =	shalt  }
0x5d: {  	_ =	shalt  }
0x5e: {  	_ =	shalt  }
0x5f: {  	_ =	shalt  }
0x60: {  	_ =	shalt  }
0x61: {  	_ =	shalt  }
0x62: {  	_ =	shalt  }
0x63: {  	_ =	shalt  }
0x64: {  	_ =	shalt  }
0x65: {  	_ =	shalt  }
0x66: {  	_ =	shalt  }
0x67: {  	_ =	shalt  }
0x68: {  	_ =	shalt  }
0x69: {  	_ =	shalt  }
0x6a: {  	_ =	shalt  }
0x6b: {  	_ =	shalt  }
0x6c: {  	_ =	shalt  }
0x6d: {  	_ =	shalt  }
0x6e: {  	_ =	shalt  }
0x6f: {  	_ =	shalt  }
0x70: {  	_ =	shalt  }
0x71: {  	_ =	shalt  }
0x72: {  	_ =	shalt  }
0x73: {  	_ =	shalt  }
0x74: {  	_ =	shalt  }
0x75: {  	_ =	shalt  }
0x76: {  	_ =	shalt  }
0x77: {  	_ =	shalt  }
0x78: {  	_ =	shalt  }
0x79: {  	_ =	shalt  }
0x7a: {  	_ =	shalt  }
0x7b: {  	_ =	shalt  }
0x7c: {  	_ =	shalt  }
0x7d: {  	_ =	shalt  }
0x7e: {  	_ =	shalt  }
0x7f: {  	_ =	shalt  }
0x80: {  	_ =	shalt  }
0x81: {  	_ =	shalt  }
0x82: {  	_ =	shalt  }
0x83: {  	_ =	shalt  }
0x84: {  	_ =	shalt  }
0x85: {  	_ =	shalt  }
0x86: {  	_ =	shalt  }
0x87: {  	_ =	shalt  }
.Lfunc_end0:
.L_simem_size_0:
called_computation.2_lowered:
.L_overlay_start_0:
0x88: {  	s2 =	sld [smem:$0x3FD9]  }
0x89: {  	s3 =	sld [smem:$0x3FFE];
	_ =	sdelay $0x1  }
0x8a: {  	s1 =	srdreg.scid  }
0x8b: {  	s0 =	sand.u32 $0x1, s1  }
0x8c: {  	s16 =	sshll.u32 s0, $0xA;
	s2 =	sadd.s32 s3, s2  }
0x8d: {  	s2 =	sadd.s32 s2, s16  }
0x8e: {  	[smem:$0x3FBB] =	sst s2  }
0x8f: {  	_ = 	snop  }
0x90: {  	(tm) =	ssettm $0x1  }
0x91: {  	s17 =	sld [smem:$0x3FFB];
	_ =	sdelay $0x3  }
0x92: {  	_ =	strace s17  }
0x93: {  	s2 =	sld [smem:$0x3FFC];
	_ =	sdelay $0x3  }
0x94: {  	_ =	strace s2  }
0x95: {  	s2 =	sld [smem:$0x3FFD];
	_ =	sdelay $0x3  }
0x96: {  	_ =	strace s2  }
0x97: {  	_ =	strace $0x8FFFFFFF  }
0x98: {  	s18 =	sld [smem:$0x3FDB];
	_ =	sdelay $0x1  }
0x99: {  	s19 =	simm.s32 $_scs_section_size  }
0x9a: {  	s4 =	simm.s32 $_size__tile_overlayer_lowered;
	s5 =	simm.s32 $_tile_overlayer_lowered  }
0x9b: {  	s22 =	simm.s32 $0x1BFF;
	s21 =	sshll.u32 s5, $0x1;
	s2 =	sadd.s32 s19, s18  }
0x9c: {  	s6 =	simm.s32 $0x0;
	s20 =	sshll.u32 s4, $0x1;
	s4 =	sadd.s32 s21, s2  }
0x9d: {  	[timem:s6], [sflag:s22] =	dma.local [hbm:s4], s20  }
0x9e: {  	_ =	swait.ge [sflag:s22], s20  }
0x9f: {  	s3 =	ssub.s32 $0x0, s20;
	[sflag:s22] =	ssyncset.done $0x0  }
0xa0: {  	[sflag:s22] =	ssyncadd.s32 s3;
	_ =	sdelay $0x1  }
0xa1: {  	s23 =	simm.s32 $0x1B8B  }
0xa2: {  	_ =	swait.ge [sflag:s23], $0x1  }
0xa3: {  	[sflag:s23] =	ssyncset.done $0x0  }
0xa4: {  	s25 =	simm.s32 $0x1B8E;
	s24 =	sld [smem:$0x3FFE];
	[sflag:s23] =	ssyncadd.s32 $0xFFFFFFFF  }
0xa5: {  	s26 =	simm.s32 $execute0_lowered;
	[smem:$0x3FD2] =	sst s25  }
0xa6: {  	s4 =	sshll.u32 s26, $0x1;
	_ =	strace $0x8000004C;
	[dreg:$0x1] =	wrdreg $0xFFFFFFFF  }
0xa7: {  	s28 =	simm.s32 $_size_execute0_lowered;
	s2 =	sadd.s32 s2, s4;
	[dreg:$0x0] =	wrdreg $0x0  }
0xa8: {  	s4 =	sshll.u32 s28, $0x1;
	[dreg:$0x2] =	wrdreg s2  }
0xa9: {  	[dreg:$0x3] =	wrdreg s4  }
0xaa: {  	[dreg:$0x4] =	wrdreg $0xC0  }
0xab: {  	_ =	task [dreg:s6], $0x5FFFF  }
0xac: {  	[dreg:$0x1] =	wrdreg $0xFFFFFFFF  }
0xad: {  	[dreg:$0x0] =	wrdreg $0x60  }
0xae: {  	[dreg:$0x2] =	wrdreg s24  }
0xaf: {  	[dreg:$0x3] =	wrdreg $0x6E800  }
0xb0: {  	[dreg:$0x4] =	wrdreg $0x9  }
0xb1: {  	_ =	task.clear_ibuf [dreg:s6], $0x5FFFF;
	_ =	strace $0x9000004C  }
0xb2: {  	s29 =	simm.s32 $0x9;
	_ =	strace $0x8000004E  }
0xb3: {  	_ =	swait.ge [sflag:s29], $0x1  }
0xb4: {  	[sflag:s29] =	ssyncadd.s32 $0xFFFFFFFF  }
0xb5: {  	_ =	strace $0x9000004E  }
0xb6: {  	_ =	sfence  }
0xb7: {  	s30 =	sld [smem:$0x0];
	_ =	sdelay $0x2  }
0xb8: {  	s31 =	sshll.u32 s1, $0xD;
	s1 =	sshrl.u32 s1, $0x2  }
0xb9: {  	s3 =	sand.u32 $0x4000, s31;
	s1 =	sadd.s32 s1, s30  }
0xba: {  	s0 =	sor.u32 s3, s0;
	s1 =	sshll.u32 s1, $0x11  }
0xbb: {  	s0 =	sor.u32 s1, s0  }
0xbc: {  	s0 =	sadd.s32 $0x8F2B, s0  }
0xbd: {  	[sflag:s0] =	ssyncadd.remote.s32 $0x1  }
0xbe: {  	_ =	sfence.sel $0xFFFF  }
0xbf: {  	[dreg:$0x0] =	wrdreg $0xFFFFFFFF;
	(pc) =	sbr.abs _section_cstart, $3  }
0xc0: {  	[dreg:$0x1] =	wrdreg $0xFFFFFFFF  }
0xc1: {  	_ =	task.clear_ibuf [dreg:s6], $0x2FFFF;
	_ =	strace $0x9FFFFFFF  }
0xc2: {  	(tm) =	ssettm $0x7FFFFFFF  }
0xc3: {  	_ =	shalt  }
tec
execute0_lowered:
.L_overlay_start_1:
0x0: {  	(tag) =	ssettag $0x1  }
0x1: {  	s0 =	rddreg [dreg:$0x0]  }
0x2: {  	s1 =	rddreg [dreg:$0x1]  }
0x3: {  	s2 =	simm.s32 $0x0;
	s6 =	srdreg.scid;
	s4 =	stileid.u32  }
0x4: {  	s21 =	simm.s32 $0x1A0;
	s22 =	simm.s32 $0x680;
	s23 =	simm.s32 $0x4E0  }
0x5: {  	s24 =	simm.s32 $0x3A80;
	s25 =	simm.s32 $0x1;
	s26 =	simm.s32 $0x2  }
0x6: {  	s28 =	simm.s32 $0x0;
	[smem:$0x7FF] =	sst s2;
	s3 =	sadd.s32 $0x2E00, s0  }
0x7: {  	s5 =	sadd.s32 $0x85E00, s0;
	s17 =	sadd.s32 $0xB8C00, s0;
	s16 =	sadd.s32 $0x6CA00, s0  }
0x8: {  	s18 =	sand.u32 $0x1, s6;
	s6 =	sadd.s32 $0x33E00, s0;
	s12 =	smul.u32 $0x18800, s4  }
0x9: {  	s7 =	sadd.s32 $0xD2000, s0;
	s11 =	smul.u32 $0xC980, s4;
	s8 =	sadd.s32 $0x37000, s0  }
0xa: {  	s30 =	sshll.u32 s4, $0x6;
	s20 =	smul.u32 $0x1930, s4;
	_ =	strace $0x8000004D  }
0xb: {  	s9 =	ssub.s32 $0x2, s18;
	[dreg:$0x3] =	wrdreg s7;
	p0 =	sne.s32 s18, $0x0  }
0xc: {  	s10 =	sshrl.u32 s9, $0x1;
	s19 =	sadd.s32 s12, s1;
	s14 =	sshrl.u32 s11, $0x3  }
.Ltmp0:
0xd: {  	s12 =	sshrl.u32 s12, $0x3;
	s29 =	ssub.s32 s9, s10;
	(pc) =	sbr.rel .LBB2_1-.Ltmp0, $4  }
0xe: {  	s9 =	sor.u32 $0x1C03, s30;
	s10 =	sadd.s32 s17, s14;
	s11 =	sadd.s32 s16, s14  }
0xf: {  	s31 =	sadd.s32 $0x18FC, s14;
	s18 =	sshrl.u32 s19, $0x3;
	s19 =	simm.s32 $0x3  }
0x10: {  	s13 =	smax.u32 s29, $0x1;
	s14 =	sadd.s32 s16, s31;
	s15 =	sadd.s32 s17, s31  }
0x11: {  	s16 =	sadd.s32 s20, s16;
	s17 =	sadd.s32 s20, s17;
	s20 =	simm.s32 $0x340  }
.LBB2_7:
0x12: {  	s0 =	sadd.s32 $0x18FC, s31;
	[sflag:s19] =	ssyncadd.s32 $0xFFFFCC00  }
0x13: {  	[tilespmem:s21], [sflag:$0x3] =	stream.linear.gather [hbm4b:s0+s2], $0x1A0, $0x38;
	[tilespmem:$0x1F680] =	vst v63  }
0x14: {  	_ =	swait.ge [sflag:s19], $0x1A0  }
0x15: {  	s30 =	sadd.s32 s29, s16;
	[sflag:s19] =	ssyncset.done $0x0  }
0x16: {  	s4 =	sadd.s32 $0x18FC, s30;
	[sflag:s19] =	ssyncadd.s32 $0xFFFFFE60  }
0x17: {  	[tilespmem:s23], [sflag:$0x3] =	stream.linear.gather [hbm4b:s4+s2], $0x1A0, $0x38;
	[tilespmem:$0x1F680] =	vst v63  }
0x18: {  	_ =	swait.ge [sflag:s19], $0x1A0  }
0x19: {  	[sflag:s19] =	ssyncset.done $0x0  }
0x1a: {  	[sflag:s19] =	ssyncadd.s32 $0xFFFFFE60  }
0x1b: {  	[tilespmem:s24], [sflag:$0x2] =	stream.indirect.gather [hbm4b:s5+s21], $0x20, s21, s21, $0xb8;
	[tilespmem:$0x1F680] =	vst v63  }
0x1c: {  	_ =	swait.ge [sflag:s25], $0x3400  }
0x1d: {  	[sflag:s25] =	ssyncset.done $0x0  }
0x1e: {  	[sflag:s25] =	ssyncadd.s32 $0xFFFFCC00  }
0x1f: {  	[spmem:s1] =	stream.indirect.scatter.add.f32 [tilespmem:s22], [sflag:$0x3], $0x20, s20, s21, $0xb8;
	[tilespmem:$0x1F680] =	vst v63  }
0x20: {  	_ =	swait.ge [sflag:s19], $0x3400  }
0x21: {  	[sflag:s19] =	ssyncset.done $0x0  }
0x22: {  	s31 =	sadd.s32 $0x1930, s31;
	[sflag:s19] =	ssyncadd.s32 $0xFFFFCC00  }
0x23: {  	[tilespmem:s2], [sflag:$0x3] =	stream.linear.gather [hbm4b:s31+s2], $0x1A0, $0x38;
	[tilespmem:$0x1F680] =	vst v63  }
0x24: {  	_ =	swait.ge [sflag:s19], $0x1A0  }
0x25: {  	[sflag:s19] =	ssyncset.done $0x0  }
0x26: {  	s0 =	sadd.s32 $0x1930, s30;
	[sflag:s19] =	ssyncadd.s32 $0xFFFFFE60  }
0x27: {  	[tilespmem:s20], [sflag:$0x3] =	stream.linear.gather [hbm4b:s0+s2], $0x1A0, $0x38;
	[tilespmem:$0x1F680] =	vst v63  }
0x28: {  	_ =	swait.ge [sflag:s19], $0x1A0  }
0x29: {  	[sflag:s19] =	ssyncset.done $0x0  }
0x2a: {  	[sflag:s19] =	ssyncadd.s32 $0xFFFFFE60  }
0x2b: {  	[tilespmem:s22], [sflag:$0x1] =	stream.indirect.gather [hbm4b:s5+s21], $0x20, s2, s21, $0xb8;
	[tilespmem:$0x1F680] =	vst v63  }
0x2c: {  	_ =	swait.ge [sflag:s26], $0x3400  }
0x2d: {  	[sflag:s26] =	ssyncset.done $0x0  }
0x2e: {  	[sflag:s26] =	ssyncadd.s32 $0xFFFFCC00  }
0x2f: {  	[spmem:s1] =	stream.indirect.scatter.add.f32 [tilespmem:s24], [sflag:$0x3], $0x20, s23, s21, $0xb8;
	[tilespmem:$0x1F680] =	vst v63  }
0x30: {  	_ =	swait.ge [sflag:s19], $0x3400  }
0x31: {  	[sflag:s19] =	ssyncset.done $0x0  }
0x32: {  	s29 =	smov.u32 s8;
	s0 =	smov.u32 s5;
	[sflag:s19] =	ssyncadd.s32 $0xFFFFCC00  }
.LBB2_8:
0x33: {  	[tilespmem:s21], [sflag:$0x3] =	stream.linear.gather [hbm4b:s15+s2], $0x1A0, $0x38;
	[tilespmem:$0x1F680] =	vst v63  }
0x34: {  	_ =	swait.ge [sflag:s19], $0x1A0  }
0x35: {  	[sflag:s19] =	ssyncset.done $0x0  }
0x36: {  	[sflag:s19] =	ssyncadd.s32 $0xFFFFFE60  }
0x37: {  	[tilespmem:s23], [sflag:$0x3] =	stream.linear.gather [hbm4b:s14+s2], $0x1A0, $0x38;
	[tilespmem:$0x1F680] =	vst v63  }
0x38: {  	_ =	swait.ge [sflag:s19], $0x1A0  }
0x39: {  	[sflag:s19] =	ssyncset.done $0x0  }
0x3a: {  	[sflag:s19] =	ssyncadd.s32 $0xFFFFFE60  }
0x3b: {  	[tilespmem:s24], [sflag:$0x2] =	stream.indirect.gather [hbm4b:s0+s21], $0x20, s21, s21, $0xb8;
	[tilespmem:$0x1F680] =	vst v63  }
0x3c: {  	_ =	swait.ge [sflag:s25], $0x3400  }
0x3d: {  	[sflag:s25] =	ssyncset.done $0x0  }
0x3e: {  	[sflag:s25] =	ssyncadd.s32 $0xFFFFCC00  }
0x3f: {  	[spmem:s1] =	stream.indirect.scatter.add.f32 [tilespmem:s22], [sflag:$0x3], $0x20, s20, s21, $0xb8;
	[tilespmem:$0x1F680] =	vst v63  }
0x40: {  	_ =	swait.ge [sflag:s19], $0x3400  }
0x41: {  	[sflag:s19] =	ssyncset.done $0x0  }
0x42: {  	[sflag:s19] =	ssyncadd.s32 $0xFFFFCC00  }
0x43: {  	_ =	swait.ge [sflag:s26], $0x3400  }
0x44: {  	[sflag:s26] =	ssyncset.done $0x0  }
0x45: {  	[sflag:s26] =	ssyncadd.s32 $0xFFFFCC00  }
0x46: {  	[spmem:s1] =	stream.indirect.scatter.add.f32 [tilespmem:s24], [sflag:$0x3], $0x20, s23, s21, $0xb8;
	[tilespmem:$0x1F680] =	vst v63  }
0x47: {  	_ =	swait.ge [sflag:s19], $0x3400  }
0x48: {  	s28 =	sadd.s32 $0x1, s28;
	[sflag:s19] =	ssyncset.done $0x0  }
0x49: {  	p1 =	sne.s32 s28, s13;
	[sflag:s19] =	ssyncadd.s32 $0xFFFFCC00  }
.Ltmp1:
0x4a: {  	s31 =	sadd.s32 s29, s12;
	[bflag:$0x0] =	sbarrier.arrive $0xFFFF;
	(pc) =	sbr.rel @!p1 .LBB2_9-.Ltmp1, $4  }
0x4b: {  	[hbm:s31], [sflag:s9] =	dma.local [spmem:s18], $0x3100  }
0x4c: {  	_ =	swait.ge [sflag:s19], $0x3100  }
0x4d: {  	[sflag:s19] =	ssyncset.done $0x0  }
0x4e: {  	[sflag:s19] =	ssyncadd.s32 $0xFFFFCF00  }
.LBB2_1:
0x4f: {  	[spmem:s18], [sflag:s9] =	dma.local [hbm:s6], $0x3100  }
0x50: {  	_ =	swait.ge [sflag:s19], $0x3100  }
0x51: {  	[sflag:s19] =	ssyncset.done $0x0  }
0x52: {  	[sflag:s19] =	ssyncadd.s32 $0xFFFFCF00  }
0x53: {  	[bflag:$0x0] =	sbarrier.arrive $0xFFFF  }
0x54: {  	[tilespmem:s2], [sflag:$0x3] =	stream.linear.gather [hbm4b:s10+s2], $0x1A0, $0x38;
	[tilespmem:$0x1F680] =	vst v63  }
0x55: {  	_ =	swait.ge [sflag:s19], $0x1A0  }
0x56: {  	[sflag:s19] =	ssyncset.done $0x0  }
.Ltmp2:
0x57: {  	[sflag:s19] =	ssyncadd.s32 $0xFFFFFE60;
	(pc) =	sbr.rel @p0 .LBB2_5-.Ltmp2, $4  }
0x58: {  	[tilespmem:s20], [sflag:$0x3] =	stream.linear.gather [hbm4b:s11+s2], $0x1A0, $0x38;
	[tilespmem:$0x1F680] =	vst v63  }
0x59: {  	_ =	swait.ge [sflag:s19], $0x1A0  }
0x5a: {  	[sflag:s19] =	ssyncset.done $0x0  }
0x5b: {  	[sflag:s19] =	ssyncadd.s32 $0xFFFFFE60  }
0x5c: {  	[tilespmem:s22], [sflag:$0x1] =	stream.indirect.gather [hbm4b:s3+s21], $0x20, s2, s21, $0xb8;
	[tilespmem:$0x1F680] =	vst v63  }
0x5d: {  	s0 =	sadd.s32 $0xFFFFE738, s17  }
0x5e: {  	s29 =	sadd.s32 $0x18FC, s0  }
0x5f: {  	[tilespmem:s21], [sflag:$0x3] =	stream.linear.gather [hbm4b:s29+s2], $0x1A0, $0x38;
	[tilespmem:$0x1F680] =	vst v63  }
0x60: {  	_ =	swait.ge [sflag:s19], $0x1A0  }
0x61: {  	s29 =	sadd.s32 $0xFFFFE738, s16;
	[sflag:s19] =	ssyncset.done $0x0  }
0x62: {  	s30 =	sadd.s32 $0x18FC, s29;
	[sflag:s19] =	ssyncadd.s32 $0xFFFFFE60  }
0x63: {  	[tilespmem:s23], [sflag:$0x3] =	stream.linear.gather [hbm4b:s30+s2], $0x1A0, $0x38;
	[tilespmem:$0x1F680] =	vst v63  }
0x64: {  	_ =	swait.ge [sflag:s19], $0x1A0  }
0x65: {  	[sflag:s19] =	ssyncset.done $0x0  }
0x66: {  	[sflag:s19] =	ssyncadd.s32 $0xFFFFFE60  }
0x67: {  	[tilespmem:s24], [sflag:$0x2] =	stream.indirect.gather [hbm4b:s3+s21], $0x20, s21, s21, $0xb8;
	[tilespmem:$0x1F680] =	vst v63  }
0x68: {  	_ =	swait.ge [sflag:s25], $0x3400  }
0x69: {  	[sflag:s25] =	ssyncset.done $0x0  }
0x6a: {  	[sflag:s25] =	ssyncadd.s32 $0xFFFFCC00  }
0x6b: {  	[spmem:s1] =	stream.indirect.scatter.add.f32 [tilespmem:s22], [sflag:$0x3], $0x20, s20, s21, $0xb8;
	[tilespmem:$0x1F680] =	vst v63  }
0x6c: {  	_ =	swait.ge [sflag:s19], $0x3400  }
0x6d: {  	[sflag:s19] =	ssyncset.done $0x0  }
0x6e: {  	s0 =	sadd.s32 $0x1930, s0;
	[sflag:s19] =	ssyncadd.s32 $0xFFFFCC00  }
0x6f: {  	[tilespmem:s2], [sflag:$0x3] =	stream.linear.gather [hbm4b:s0+s2], $0x1A0, $0x38;
	[tilespmem:$0x1F680] =	vst v63  }
0x70: {  	_ =	swait.ge [sflag:s19], $0x1A0  }
0x71: {  	[sflag:s19] =	ssyncset.done $0x0  }
0x72: {  	s7 =	sadd.s32 $0x1930, s29;
	[sflag:s19] =	ssyncadd.s32 $0xFFFFFE60  }
0x73: {  	[tilespmem:s20], [sflag:$0x3] =	stream.linear.gather [hbm4b:s7+s2], $0x1A0, $0x38;
	[tilespmem:$0x1F680] =	vst v63  }
0x74: {  	_ =	swait.ge [sflag:s19], $0x1A0  }
0x75: {  	[sflag:s19] =	ssyncset.done $0x0  }
0x76: {  	[sflag:s19] =	ssyncadd.s32 $0xFFFFFE60  }
0x77: {  	[tilespmem:s22], [sflag:$0x1] =	stream.indirect.gather [hbm4b:s3+s21], $0x20, s2, s21, $0xb8;
	[tilespmem:$0x1F680] =	vst v63  }
0x78: {  	_ =	swait.ge [sflag:s26], $0x3400  }
0x79: {  	[sflag:s26] =	ssyncset.done $0x0  }
0x7a: {  	[sflag:s26] =	ssyncadd.s32 $0xFFFFCC00  }
0x7b: {  	[spmem:s1] =	stream.indirect.scatter.add.f32 [tilespmem:s24], [sflag:$0x3], $0x20, s23, s21, $0xb8;
	[tilespmem:$0x1F680] =	vst v63  }
0x7c: {  	s31 =	sadd.s32 $0xFFFFE7A0, s17;
	_ =	swait.ge [sflag:s19], $0x3400  }
0x7d: {  	s29 =	simm.s32 $0xFFFFE7A0;
	s30 =	simm.s32 $0xFFFFE808;
	[sflag:s19] =	ssyncset.done $0x0  }
.LBB2_3:
0x7e: {  	s4 =	sadd.s32 $0x18FC, s31  }
0x7f: {  	[sflag:s19] =	ssyncadd.s32 $0xFFFFCC00;
	s7 =	smov.u32 s30;
	s0 =	sadd.s32 $0x68, s30  }
0x80: {  	[tilespmem:s21], [sflag:$0x3] =	stream.linear.gather [hbm4b:s4+s2], $0x1A0, $0x38;
	[tilespmem:$0x1F680] =	vst v63  }
0x81: {  	p1 =	seq.s32 s30, $0xFFFFFF98;
	_ =	swait.ge [sflag:s19], $0x1A0  }
0x82: {  	s4 =	sadd.s32 s29, s16;
	s29 =	smov.u32 s7;
	[sflag:s19] =	ssyncset.done $0x0  }
0x83: {  	s7 =	sadd.s32 $0x18FC, s4;
	[sflag:s19] =	ssyncadd.s32 $0xFFFFFE60  }
0x84: {  	[tilespmem:s23], [sflag:$0x3] =	stream.linear.gather [hbm4b:s7+s2], $0x1A0, $0x38;
	[tilespmem:$0x1F680] =	vst v63  }
0x85: {  	_ =	swait.ge [sflag:s19], $0x1A0  }
0x86: {  	[sflag:s19] =	ssyncset.done $0x0  }
0x87: {  	[sflag:s19] =	ssyncadd.s32 $0xFFFFFE60  }
0x88: {  	[tilespmem:s24], [sflag:$0x2] =	stream.indirect.gather [hbm4b:s3+s21], $0x20, s21, s21, $0xb8;
	[tilespmem:$0x1F680] =	vst v63  }
0x89: {  	_ =	swait.ge [sflag:s25], $0x3400  }
0x8a: {  	[sflag:s25] =	ssyncset.done $0x0  }
0x8b: {  	[sflag:s25] =	ssyncadd.s32 $0xFFFFCC00  }
0x8c: {  	[spmem:s1] =	stream.indirect.scatter.add.f32 [tilespmem:s22], [sflag:$0x3], $0x20, s20, s21, $0xb8;
	[tilespmem:$0x1F680] =	vst v63  }
0x8d: {  	_ =	swait.ge [sflag:s19], $0x3400  }
0x8e: {  	[sflag:s19] =	ssyncset.done $0x0  }
0x8f: {  	s7 =	sadd.s32 $0x1930, s31;
	[sflag:s19] =	ssyncadd.s32 $0xFFFFCC00  }
0x90: {  	[tilespmem:s2], [sflag:$0x3] =	stream.linear.gather [hbm4b:s7+s2], $0x1A0, $0x38;
	[tilespmem:$0x1F680] =	vst v63  }
0x91: {  	_ =	swait.ge [sflag:s19], $0x1A0  }
0x92: {  	[sflag:s19] =	ssyncset.done $0x0  }
0x93: {  	s4 =	sadd.s32 $0x1930, s4;
	[sflag:s19] =	ssyncadd.s32 $0xFFFFFE60  }
0x94: {  	[tilespmem:s20], [sflag:$0x3] =	stream.linear.gather [hbm4b:s4+s2], $0x1A0, $0x38;
	[tilespmem:$0x1F680] =	vst v63  }
0x95: {  	_ =	swait.ge [sflag:s19], $0x1A0  }
0x96: {  	[sflag:s19] =	ssyncset.done $0x0  }
0x97: {  	[sflag:s19] =	ssyncadd.s32 $0xFFFFFE60  }
0x98: {  	[tilespmem:s22], [sflag:$0x1] =	stream.indirect.gather [hbm4b:s3+s21], $0x20, s2, s21, $0xb8;
	[tilespmem:$0x1F680] =	vst v63  }
0x99: {  	_ =	swait.ge [sflag:s26], $0x3400  }
.Ltmp3:
0x9a: {  	[sflag:s26] =	ssyncset.done $0x0;
	(pc) =	sbr.rel @!p1 .LBB2_3-.Ltmp3, $4  }
0x9b: {  	[sflag:s26] =	ssyncadd.s32 $0xFFFFCC00  }
0x9c: {  	[spmem:s1] =	stream.indirect.scatter.add.f32 [tilespmem:s24], [sflag:$0x3], $0x20, s23, s21, $0xb8;
	[tilespmem:$0x1F680] =	vst v63  }
0x9d: {  	_ =	swait.ge [sflag:s19], $0x3400  }
0x9e: {  	s30 =	smov.u32 s0;
	s31 =	sadd.s32 s29, s17;
	[sflag:s19] =	ssyncset.done $0x0  }
0x9f: {  	s0 =	sadd.s32 $0x18FC, s31;
	[sflag:s19] =	ssyncadd.s32 $0xFFFFCC00  }
0xa0: {  	[tilespmem:s21], [sflag:$0x3] =	stream.linear.gather [hbm4b:s0+s2], $0x1A0, $0x38;
	[tilespmem:$0x1F680] =	vst v63  }
0xa1: {  	_ =	swait.ge [sflag:s19], $0x1A0  }
0xa2: {  	s30 =	sadd.s32 s29, s16;
	[sflag:s19] =	ssyncset.done $0x0  }
0xa3: {  	s4 =	sadd.s32 $0x18FC, s30;
	[sflag:s19] =	ssyncadd.s32 $0xFFFFFE60  }
0xa4: {  	[tilespmem:s23], [sflag:$0x3] =	stream.linear.gather [hbm4b:s4+s2], $0x1A0, $0x38;
	[tilespmem:$0x1F680] =	vst v63  }
0xa5: {  	_ =	swait.ge [sflag:s19], $0x1A0  }
0xa6: {  	[sflag:s19] =	ssyncset.done $0x0  }
0xa7: {  	[sflag:s19] =	ssyncadd.s32 $0xFFFFFE60  }
0xa8: {  	[tilespmem:s24], [sflag:$0x2] =	stream.indirect.gather [hbm4b:s3+s21], $0x20, s21, s21, $0xb8;
	[tilespmem:$0x1F680] =	vst v63  }
0xa9: {  	_ =	swait.ge [sflag:s25], $0x3400  }
0xaa: {  	[sflag:s25] =	ssyncset.done $0x0  }
0xab: {  	[sflag:s25] =	ssyncadd.s32 $0xFFFFCC00  }
0xac: {  	[spmem:s1] =	stream.indirect.scatter.add.f32 [tilespmem:s22], [sflag:$0x3], $0x20, s20, s21, $0xb8;
	[tilespmem:$0x1F680] =	vst v63  }
0xad: {  	_ =	swait.ge [sflag:s19], $0x3400  }
0xae: {  	[sflag:s19] =	ssyncset.done $0x0  }
0xaf: {  	s31 =	sadd.s32 $0x1930, s31;
	[sflag:s19] =	ssyncadd.s32 $0xFFFFCC00  }
0xb0: {  	[tilespmem:s2], [sflag:$0x3] =	stream.linear.gather [hbm4b:s31+s2], $0x1A0, $0x38;
	[tilespmem:$0x1F680] =	vst v63  }
0xb1: {  	_ =	swait.ge [sflag:s19], $0x1A0  }
0xb2: {  	[sflag:s19] =	ssyncset.done $0x0  }
0xb3: {  	s0 =	sadd.s32 $0x1930, s30;
	[sflag:s19] =	ssyncadd.s32 $0xFFFFFE60  }
0xb4: {  	[tilespmem:s20], [sflag:$0x3] =	stream.linear.gather [hbm4b:s0+s2], $0x1A0, $0x38;
	[tilespmem:$0x1F680] =	vst v63  }
0xb5: {  	_ =	swait.ge [sflag:s19], $0x1A0  }
0xb6: {  	[sflag:s19] =	ssyncset.done $0x0  }
0xb7: {  	[sflag:s19] =	ssyncadd.s32 $0xFFFFFE60  }
0xb8: {  	[tilespmem:s22], [sflag:$0x1] =	stream.indirect.gather [hbm4b:s3+s21], $0x20, s2, s21, $0xb8;
	[tilespmem:$0x1F680] =	vst v63  }
0xb9: {  	_ =	swait.ge [sflag:s26], $0x3400  }
0xba: {  	[sflag:s26] =	ssyncset.done $0x0  }
.Ltmp4:
0xbb: {  	[sflag:s26] =	ssyncadd.s32 $0xFFFFCC00;
	(pc) =	sbr.rel .LBB2_8-.Ltmp4, $4  }
0xbc: {  	[spmem:s1] =	stream.indirect.scatter.add.f32 [tilespmem:s24], [sflag:$0x3], $0x20, s23, s21, $0xb8;
	[tilespmem:$0x1F680] =	vst v63  }
0xbd: {  	_ =	swait.ge [sflag:s19], $0x3400  }
0xbe: {  	[sflag:s19] =	ssyncset.done $0x0  }
0xbf: {  	s0 =	smov.u32 s3;
	s29 =	rddreg [dreg:$0x3];
	[sflag:s19] =	ssyncadd.s32 $0xFFFFCC00  }
.LBB2_5:
0xc0: {  	[tilespmem:s22], [sflag:$0x1] =	stream.indirect.gather [hbm4b:s5+s21], $0x20, s2, s21, $0xb8;
	[tilespmem:$0x1F680] =	vst v63  }
0xc1: {  	s0 =	sadd.s32 $0xFFFFE738, s17  }
0xc2: {  	s4 =	sadd.s32 $0x18FC, s0  }
0xc3: {  	[tilespmem:s21], [sflag:$0x3] =	stream.linear.gather [hbm4b:s4+s2], $0x1A0, $0x38;
	[tilespmem:$0x1F680] =	vst v63  }
0xc4: {  	_ =	swait.ge [sflag:s19], $0x1A0  }
0xc5: {  	s30 =	sadd.s32 $0xFFFFE738, s16;
	[sflag:s19] =	ssyncset.done $0x0  }
0xc6: {  	s7 =	sadd.s32 $0x18FC, s30;
	[sflag:s19] =	ssyncadd.s32 $0xFFFFFE60  }
0xc7: {  	[tilespmem:s23], [sflag:$0x3] =	stream.linear.gather [hbm4b:s7+s2], $0x1A0, $0x38;
	[tilespmem:$0x1F680] =	vst v63  }
0xc8: {  	_ =	swait.ge [sflag:s19], $0x1A0  }
0xc9: {  	[sflag:s19] =	ssyncset.done $0x0  }
0xca: {  	[sflag:s19] =	ssyncadd.s32 $0xFFFFFE60  }
0xcb: {  	[tilespmem:s24], [sflag:$0x2] =	stream.indirect.gather [hbm4b:s5+s21], $0x20, s21, s21, $0xb8;
	[tilespmem:$0x1F680] =	vst v63  }
0xcc: {  	_ =	swait.ge [sflag:s25], $0x3400  }
0xcd: {  	[sflag:s25] =	ssyncset.done $0x0  }
0xce: {  	[sflag:s25] =	ssyncadd.s32 $0xFFFFCC00  }
0xcf: {  	[spmem:s1] =	stream.indirect.scatter.add.f32 [tilespmem:s22], [sflag:$0x3], $0x20, s20, s21, $0xb8;
	[tilespmem:$0x1F680] =	vst v63  }
0xd0: {  	_ =	swait.ge [sflag:s19], $0x3400  }
0xd1: {  	[sflag:s19] =	ssyncset.done $0x0  }
0xd2: {  	s0 =	sadd.s32 $0x1930, s0;
	[sflag:s19] =	ssyncadd.s32 $0xFFFFCC00  }
0xd3: {  	[tilespmem:s2], [sflag:$0x3] =	stream.linear.gather [hbm4b:s0+s2], $0x1A0, $0x38;
	[tilespmem:$0x1F680] =	vst v63  }
0xd4: {  	_ =	swait.ge [sflag:s19], $0x1A0  }
0xd5: {  	[sflag:s19] =	ssyncset.done $0x0  }
0xd6: {  	s30 =	sadd.s32 $0x1930, s30;
	[sflag:s19] =	ssyncadd.s32 $0xFFFFFE60  }
0xd7: {  	[tilespmem:s20], [sflag:$0x3] =	stream.linear.gather [hbm4b:s30+s2], $0x1A0, $0x38;
	[tilespmem:$0x1F680] =	vst v63  }
0xd8: {  	_ =	swait.ge [sflag:s19], $0x1A0  }
0xd9: {  	[sflag:s19] =	ssyncset.done $0x0  }
0xda: {  	[sflag:s19] =	ssyncadd.s32 $0xFFFFFE60  }
0xdb: {  	[tilespmem:s22], [sflag:$0x1] =	stream.indirect.gather [hbm4b:s5+s21], $0x20, s2, s21, $0xb8;
	[tilespmem:$0x1F680] =	vst v63  }
0xdc: {  	_ =	swait.ge [sflag:s26], $0x3400  }
0xdd: {  	[sflag:s26] =	ssyncset.done $0x0  }
0xde: {  	[sflag:s26] =	ssyncadd.s32 $0xFFFFCC00  }
0xdf: {  	[spmem:s1] =	stream.indirect.scatter.add.f32 [tilespmem:s24], [sflag:$0x3], $0x20, s23, s21, $0xb8;
	[tilespmem:$0x1F680] =	vst v63  }
0xe0: {  	s29 =	simm.s32 $0xFFFFE7A0;
	_ =	swait.ge [sflag:s19], $0x3400  }
0xe1: {  	s31 =	sadd.s32 $0xFFFFE7A0, s17;
	s0 =	simm.s32 $0xFFFFE808;
	[sflag:s19] =	ssyncset.done $0x0  }
.LBB2_6:
0xe2: {  	s4 =	sadd.s32 $0x18FC, s31  }
0xe3: {  	[sflag:s19] =	ssyncadd.s32 $0xFFFFCC00;
	s7 =	smov.u32 s0;
	s30 =	sadd.s32 $0x68, s0  }
0xe4: {  	[tilespmem:s21], [sflag:$0x3] =	stream.linear.gather [hbm4b:s4+s2], $0x1A0, $0x38;
	[tilespmem:$0x1F680] =	vst v63  }
0xe5: {  	p1 =	sne.s32 s0, $0xFFFFFF98;
	_ =	swait.ge [sflag:s19], $0x1A0  }
0xe6: {  	s0 =	sadd.s32 s29, s16;
	s29 =	smov.u32 s7;
	[sflag:s19] =	ssyncset.done $0x0  }
0xe7: {  	s4 =	sadd.s32 $0x18FC, s0;
	[sflag:s19] =	ssyncadd.s32 $0xFFFFFE60  }
0xe8: {  	[tilespmem:s23], [sflag:$0x3] =	stream.linear.gather [hbm4b:s4+s2], $0x1A0, $0x38;
	[tilespmem:$0x1F680] =	vst v63  }
0xe9: {  	_ =	swait.ge [sflag:s19], $0x1A0  }
0xea: {  	[sflag:s19] =	ssyncset.done $0x0  }
0xeb: {  	[sflag:s19] =	ssyncadd.s32 $0xFFFFFE60  }
0xec: {  	[tilespmem:s24], [sflag:$0x2] =	stream.indirect.gather [hbm4b:s5+s21], $0x20, s21, s21, $0xb8;
	[tilespmem:$0x1F680] =	vst v63  }
0xed: {  	_ =	swait.ge [sflag:s25], $0x3400  }
0xee: {  	[sflag:s25] =	ssyncset.done $0x0  }
0xef: {  	[sflag:s25] =	ssyncadd.s32 $0xFFFFCC00  }
0xf0: {  	[spmem:s1] =	stream.indirect.scatter.add.f32 [tilespmem:s22], [sflag:$0x3], $0x20, s20, s21, $0xb8;
	[tilespmem:$0x1F680] =	vst v63  }
0xf1: {  	_ =	swait.ge [sflag:s19], $0x3400  }
0xf2: {  	[sflag:s19] =	ssyncset.done $0x0  }
0xf3: {  	s4 =	sadd.s32 $0x1930, s31;
	[sflag:s19] =	ssyncadd.s32 $0xFFFFCC00  }
0xf4: {  	[tilespmem:s2], [sflag:$0x3] =	stream.linear.gather [hbm4b:s4+s2], $0x1A0, $0x38;
	[tilespmem:$0x1F680] =	vst v63  }
0xf5: {  	_ =	swait.ge [sflag:s19], $0x1A0  }
0xf6: {  	[sflag:s19] =	ssyncset.done $0x0  }
0xf7: {  	s0 =	sadd.s32 $0x1930, s0;
	[sflag:s19] =	ssyncadd.s32 $0xFFFFFE60  }
0xf8: {  	[tilespmem:s20], [sflag:$0x3] =	stream.linear.gather [hbm4b:s0+s2], $0x1A0, $0x38;
	[tilespmem:$0x1F680] =	vst v63  }
0xf9: {  	_ =	swait.ge [sflag:s19], $0x1A0  }
0xfa: {  	[sflag:s19] =	ssyncset.done $0x0  }
0xfb: {  	[sflag:s19] =	ssyncadd.s32 $0xFFFFFE60  }
0xfc: {  	[tilespmem:s22], [sflag:$0x1] =	stream.indirect.gather [hbm4b:s5+s21], $0x20, s2, s21, $0xb8;
	[tilespmem:$0x1F680] =	vst v63  }
0xfd: {  	_ =	swait.ge [sflag:s26], $0x3400  }
.Ltmp5:
0xfe: {  	[sflag:s26] =	ssyncset.done $0x0;
	(pc) =	sbr.rel @p1 .LBB2_6-.Ltmp5, $4  }
0xff: {  	[sflag:s26] =	ssyncadd.s32 $0xFFFFCC00  }
0x100: {  	[spmem:s1] =	stream.indirect.scatter.add.f32 [tilespmem:s24], [sflag:$0x3], $0x20, s23, s21, $0xb8;
	[tilespmem:$0x1F680] =	vst v63  }
0x101: {  	_ =	swait.ge [sflag:s19], $0x3400  }
0x102: {  	s31 =	sadd.s32 s29, s17;
	s0 =	smov.u32 s30;
	[sflag:s19] =	ssyncset.done $0x0  }
.Ltmp6:
0x103: {  	_ = 	snop;
	(pc) =	sbr.rel .LBB2_7-.Ltmp6, $1  }
0x104: {  	_ =	sdelay $0x3  }
.LBB2_9:
0x105: {  	_ =	sfence.sel $0x180000  }
0x106: {  	[bflag:$0x0] =	sbarrier.arrive $0xFFFF  }
0x107: {  	_ =	strace $0x9000004D  }
0x108: {  	s0 =	stileid.u32;
	[bflag:$0x2] =	sbarrier.arrive $0xFFFF  }
0x109: {  	p0 =	sne.s32 s0, $0x0;
	s0 =	rddreg [dreg:$0x2]  }
0x10a: {  	s0 =	sadd.s32 @!p0 $0x100000, s0  }
0x10b: {  	[sflag:s0] =	ssyncadd.tile.s32 @!p0 $0x1;
	_ =	shalt  }
.Lfunc_end2:
_tile_overlayer_lowered:
.L_overlay_start_2:
0x10c: {  	(tag) =	ssettag $0x2  }
0x10d: {  	s0 =	rddreg [dreg:$0x0];
	s2 =	stileid.u32  }
0x10e: {  	s1 =	rddreg [dreg:$0x1];
	p0 =	sne.s32 s2, $0x0  }
0x10f: {  	s3 =	rddreg [dreg:$0x2];
	[bflag:$0x3] =	sbarrier.arrive $0xFFFF;
	s2 =	simm.s32 @!p0 $0x1C03  }
0x110: {  	[timem:s3], [sflag:s2] =	dma.local @!p0 [hbm:s0], s1  }
0x111: {  	s0 =	simm.s32 @!p0 $0x3  }
0x112: {  	_ =	swait.ge @!p0 [sflag:s0], s1  }
0x113: {  	s1 =	ssub.s32 @!p0 $0x0, s1;
	[sflag:s0] =	ssyncset.done @!p0 $0x0  }
0x114: {  	[sflag:s0] =	ssyncadd.s32 @!p0 s1  }
0x115: {  	[bflag:$0x3] =	sbarrier.arrive $0xFFFF  }
0x116: {  	_ =	shalt  }

// kernel: kernel.18.cloned.1.call-start
scs
__scs_entry_jumppad:
0x0: {  	(pc) =	sbr.rel $0x88, $3  }
0x1: {  	(tag) =	ssettag $0x0;
	lr =	simm.s32 $0x1  }
0x2: {  	[smem:$0x3F94] =	sst lr;
	_ =	strace $0xD0000000  }
0x3: {  	_ = 	snop  }
0x4: {  	_ = 	snop  }
0x5: {  	_ = 	snop  }
0x6: {  	_ = 	snop  }
0x7: {  	_ = 	snop  }
__scs_overlays_trampoline_lowered:
0x8: {  	[smem:$0x3FA3] =	sst s0  }
0x9: {  	[smem:$0x3FA4] =	sst s1  }
0xa: {  	[smem:$0x3FA5] =	sst s2  }
0xb: {  	[smem:$0x3FA6] =	sst s3  }
0xc: {  	[smem:$0x3FA7] =	sst s4  }
0xd: {  	[smem:$0x3FA8] =	sst s5  }
0xe: {  	[smem:$0x3FA9] =	sst s6  }
0xf: {  	[smem:$0x3FAA] =	sst s7  }
0x10: {  	[smem:$0x3FAB] =	sst s8  }
0x11: {  	[smem:$0x3FAC] =	sst s9;
	s0 =	simm.s32 @!p0 $0x0  }
0x12: {  	s1 =	sld [smem:$0x3F92];
	s0 =	simm.s32 @p0 $0x1  }
0x13: {  	[smem:$0x3FAD] =	sst s0;
	s0 =	simm.s32 @!p1 $0x0  }
0x14: {  	s2 =	sld [smem:$0x3F91];
	s0 =	simm.s32 @p1 $0x1  }
0x15: {  	[smem:$0x3FAE] =	sst s0;
	s0 =	simm.s32 @!p2 $0x0  }
0x16: {  	s3 =	sld [smem:$0x3FDB];
	s0 =	simm.s32 @p2 $0x1  }
0x17: {  	s4 =	simm.s32 $0x1BF5;
	[smem:$0x3FB0] =	sst s0  }
0x18: {  	s0 =	sld [smem:$0x3F93];
	_ =	swait.ge [sflag:s4], $0x0  }
0x19: {  	s7 =	sld [smem:$0x3F94]  }
0x1a: {  	s8 =	sadd.s32 $0xFFFFE003, lr  }
0x1b: {  	s9 =	sadd.s32 $0xFFFFFEF7, lr;
	s5 =	simm.s32 $0xFFFFFFFF;
	p2 =	slt.u32 s8, $0xFFFFF086  }
0x1c: {  	p1 =	slt.u32 s9, $0xF7A;
	s5 =	simm.s32 @!p2 $0x0  }
0x1d: {  	s5 =	simm.s32 @p1 $0x1;
	p0 =	seq.s32 s7, s2  }
0x1e: {  	s7 =	smul.u32 @!p0 $0xF7A, s2;
	p2 =	seq.s32 @!p0 s5, $0x0  }
0x1f: {  	s9 =	smul.u32 $0xF7A, s1;
	s8 =	simm.s32 @!p0 $0x1BF5;
	p2 =	por !p2, p0  }
0x20: {  	[sflag:s8] =	ssyncset.s32 @!p0 $0xFFFFF086;
	s6 =	sadd.s32 @!p0 s3, s7;
	s7 =	simm.s32 @!p0 $0x108  }
0x21: {  	s3 =	sadd.s32 s3, s9;
	s6 =	sadd.s32 @!p0 $0x88, s6;
	s7 =	simm.s32 @p2 $0x1082  }
0x22: {  	[simem:s7], [sflag:s8] =	dma.local @!p0 [hbm:s6], $0xF7A  }
0x23: {  	s9 =	sor.u32 $0xD0000000, s2;
	s6 =	simm.s32 $0x108;
	_ =	swait.ge @!p0 [sflag:s8], $0x0  }
0x24: {  	s3 =	sadd.s32 $0x88, s3;
	s6 =	simm.s32 @!p1 $0x1082;
	[sflag:s4] =	ssyncset.s32 $0xFFFFF086  }
0x25: {  	[simem:s6], [sflag:s4] =	dma.local [hbm:s3], $0xF7A  }
0x26: {  	[smem:$0x3F94] =	sst s1;
	(tag) =	ssettag s2;
	_ =	strace s9  }
0x27: {  	s1 =	sld [smem:$0x3FA4]  }
0x28: {  	s2 =	sld [smem:$0x3FA5]  }
0x29: {  	s4 =	sld [smem:$0x3FA7]  }
0x2a: {  	p0 =	seq.s32 s5, $0x0;
	s5 =	sld [smem:$0x3FA8]  }
0x2b: {  	s6 =	sld [smem:$0x3FA9]  }
0x2c: {  	s7 =	sld [smem:$0x3FAA]  }
0x2d: {  	s3 =	simm.s32 $0x108;
	s8 =	sld [smem:$0x3FAB]  }
0x2e: {  	s3 =	simm.s32 @!p0 $0x1082;
	s9 =	sld [smem:$0x3FAC]  }
0x2f: {  	lr =	sadd.s32 s0, s3;
	s0 =	sld [smem:$0x3FA3]  }
0x30: {  	s3 =	sld [smem:$0x3FA6]  }
0x31: {  	[smem:$0x3FAF] =	sst s10  }
0x32: {  	s10 =	sld [smem:$0x3FAD];
	_ =	sdelay $0x3  }
0x33: {  	p0 =	seq.s32 s10, $0x1;
	s10 =	sld [smem:$0x3FAF];
	_ =	sdelay $0x3  }
0x34: {  	[smem:$0x3FAF] =	sst s10  }
0x35: {  	s10 =	sld [smem:$0x3FAE];
	_ =	sdelay $0x3  }
0x36: {  	p1 =	seq.s32 s10, $0x1;
	s10 =	sld [smem:$0x3FAF];
	_ =	sdelay $0x3  }
0x37: {  	[smem:$0x3FAF] =	sst s10  }
0x38: {  	s10 =	sld [smem:$0x3FB0]  }
0x39: {  	_ = 	snop;
	(pc) =	sbr.ind lr, $3  }
0x3a: {  	_ = 	snop  }
0x3b: {  	_ = 	snop  }
0x3c: {  	p2 =	seq.s32 s10, $0x1;
	s10 =	sld [smem:$0x3FAF]  }
0x3d: {  	_ =	shalt  }
0x3e: {  	_ =	shalt  }
0x3f: {  	_ =	shalt  }
0x40: {  	_ =	shalt  }
0x41: {  	_ =	shalt  }
0x42: {  	_ =	shalt  }
0x43: {  	_ =	shalt  }
0x44: {  	_ =	shalt  }
0x45: {  	_ =	shalt  }
0x46: {  	_ =	shalt  }
0x47: {  	_ =	shalt  }
0x48: {  	_ =	shalt  }
0x49: {  	_ =	shalt  }
0x4a: {  	_ =	shalt  }
0x4b: {  	_ =	shalt  }
0x4c: {  	_ =	shalt  }
0x4d: {  	_ =	shalt  }
0x4e: {  	_ =	shalt  }
0x4f: {  	_ =	shalt  }
0x50: {  	_ =	shalt  }
0x51: {  	_ =	shalt  }
0x52: {  	_ =	shalt  }
0x53: {  	_ =	shalt  }
0x54: {  	_ =	shalt  }
0x55: {  	_ =	shalt  }
0x56: {  	_ =	shalt  }
0x57: {  	_ =	shalt  }
0x58: {  	_ =	shalt  }
0x59: {  	_ =	shalt  }
0x5a: {  	_ =	shalt  }
0x5b: {  	_ =	shalt  }
0x5c: {  	_ =	shalt  }
0x5d: {  	_ =	shalt  }
0x5e: {  	_ =	shalt  }
0x5f: {  	_ =	shalt  }
0x60: {  	_ =	shalt  }
0x61: {  	_ =	shalt  }
0x62: {  	_ =	shalt  }
0x63: {  	_ =	shalt  }
0x64: {  	_ =	shalt  }
0x65: {  	_ =	shalt  }
0x66: {  	_ =	shalt  }
0x67: {  	_ =	shalt  }
0x68: {  	_ =	shalt  }
0x69: {  	_ =	shalt  }
0x6a: {  	_ =	shalt  }
0x6b: {  	_ =	shalt  }
0x6c: {  	_ =	shalt  }
0x6d: {  	_ =	shalt  }
0x6e: {  	_ =	shalt  }
0x6f: {  	_ =	shalt  }
0x70: {  	_ =	shalt  }
0x71: {  	_ =	shalt  }
0x72: {  	_ =	shalt  }
0x73: {  	_ =	shalt  }
0x74: {  	_ =	shalt  }
0x75: {  	_ =	shalt  }
0x76: {  	_ =	shalt  }
0x77: {  	_ =	shalt  }
0x78: {  	_ =	shalt  }
0x79: {  	_ =	shalt  }
0x7a: {  	_ =	shalt  }
0x7b: {  	_ =	shalt  }
0x7c: {  	_ =	shalt  }
0x7d: {  	_ =	shalt  }
0x7e: {  	_ =	shalt  }
0x7f: {  	_ =	shalt  }
0x80: {  	_ =	shalt  }
0x81: {  	_ =	shalt  }
0x82: {  	_ =	shalt  }
0x83: {  	_ =	shalt  }
0x84: {  	_ =	shalt  }
0x85: {  	_ =	shalt  }
0x86: {  	_ =	shalt  }
0x87: {  	_ =	shalt  }
.Lfunc_end0:
.L_simem_size_0:
called_computation.3_lowered:
.L_overlay_start_0:
0x88: {  	s2 =	sld [smem:$0x3FD9]  }
0x89: {  	s3 =	sld [smem:$0x3FFE];
	_ =	sdelay $0x1  }
0x8a: {  	s1 =	srdreg.scid  }
0x8b: {  	s0 =	sand.u32 $0x1, s1  }
0x8c: {  	s16 =	sshll.u32 s0, $0xA;
	s2 =	sadd.s32 s3, s2  }
0x8d: {  	s2 =	sadd.s32 s2, s16  }
0x8e: {  	[smem:$0x3FBB] =	sst s2  }
0x8f: {  	_ = 	snop  }
0x90: {  	(tm) =	ssettm $0x1  }
0x91: {  	s17 =	sld [smem:$0x3FFB];
	_ =	sdelay $0x3  }
0x92: {  	_ =	strace s17  }
0x93: {  	s2 =	sld [smem:$0x3FFC];
	_ =	sdelay $0x3  }
0x94: {  	_ =	strace s2  }
0x95: {  	s2 =	sld [smem:$0x3FFD];
	_ =	sdelay $0x3  }
0x96: {  	_ =	strace s2  }
0x97: {  	_ =	strace $0x8FFFFFFF  }
0x98: {  	s18 =	sld [smem:$0x3FDB];
	_ =	sdelay $0x1  }
0x99: {  	s19 =	simm.s32 $_scs_section_size  }
0x9a: {  	s4 =	simm.s32 $_size__tile_overlayer_lowered;
	s5 =	simm.s32 $_tile_overlayer_lowered  }
0x9b: {  	s22 =	simm.s32 $0x1BFF;
	s21 =	sshll.u32 s5, $0x1;
	s2 =	sadd.s32 s19, s18  }
0x9c: {  	s6 =	simm.s32 $0x0;
	s20 =	sshll.u32 s4, $0x1;
	s4 =	sadd.s32 s21, s2  }
0x9d: {  	[timem:s6], [sflag:s22] =	dma.local [hbm:s4], s20  }
0x9e: {  	_ =	swait.ge [sflag:s22], s20  }
0x9f: {  	s3 =	ssub.s32 $0x0, s20;
	[sflag:s22] =	ssyncset.done $0x0  }
0xa0: {  	[sflag:s22] =	ssyncadd.s32 s3;
	_ =	sdelay $0x1  }
0xa1: {  	s23 =	simm.s32 $0x1B8B  }
0xa2: {  	_ =	swait.ge [sflag:s23], $0x1  }
0xa3: {  	[sflag:s23] =	ssyncset.done $0x0  }
0xa4: {  	s25 =	simm.s32 $0x1B8E;
	s24 =	sld [smem:$0x3FFE];
	[sflag:s23] =	ssyncadd.s32 $0xFFFFFFFF  }
0xa5: {  	s26 =	simm.s32 $execute0_lowered;
	[smem:$0x3FD2] =	sst s25  }
0xa6: {  	s4 =	sshll.u32 s26, $0x1;
	_ =	strace $0x8000004F;
	[dreg:$0x1] =	wrdreg $0xFFFFFFFF  }
0xa7: {  	s28 =	simm.s32 $_size_execute0_lowered;
	s2 =	sadd.s32 s2, s4;
	[dreg:$0x0] =	wrdreg $0x0  }
0xa8: {  	s4 =	sshll.u32 s28, $0x1;
	[dreg:$0x2] =	wrdreg s2  }
0xa9: {  	[dreg:$0x3] =	wrdreg s4  }
0xaa: {  	[dreg:$0x4] =	wrdreg $0xC0  }
0xab: {  	_ =	task [dreg:s6], $0x5FFFF  }
0xac: {  	[dreg:$0x1] =	wrdreg $0xFFFFFFFF  }
0xad: {  	[dreg:$0x0] =	wrdreg $0x60  }
0xae: {  	[dreg:$0x2] =	wrdreg s24  }
0xaf: {  	[dreg:$0x3] =	wrdreg $0x6E800  }
0xb0: {  	[dreg:$0x4] =	wrdreg $0x9  }
0xb1: {  	_ =	task.clear_ibuf [dreg:s6], $0x5FFFF;
	_ =	strace $0x9000004F  }
0xb2: {  	s29 =	simm.s32 $0x9;
	_ =	strace $0x80000051  }
0xb3: {  	_ =	swait.ge [sflag:s29], $0x1  }
0xb4: {  	[sflag:s29] =	ssyncadd.s32 $0xFFFFFFFF  }
0xb5: {  	_ =	strace $0x90000051  }
0xb6: {  	_ =	sfence  }
0xb7: {  	s30 =	sld [smem:$0x0];
	_ =	sdelay $0x2  }
0xb8: {  	s31 =	sshll.u32 s1, $0xD;
	s1 =	sshrl.u32 s1, $0x2  }
0xb9: {  	s3 =	sand.u32 $0x4000, s31;
	s1 =	sadd.s32 s1, s30  }
0xba: {  	s0 =	sor.u32 s3, s0;
	s1 =	sshll.u32 s1, $0x11  }
0xbb: {  	s0 =	sor.u32 s1, s0  }
0xbc: {  	s0 =	sadd.s32 $0x8F2B, s0  }
0xbd: {  	[sflag:s0] =	ssyncadd.remote.s32 $0x1  }
0xbe: {  	_ =	sfence.sel $0xFFFF  }
0xbf: {  	[dreg:$0x0] =	wrdreg $0xFFFFFFFF;
	(pc) =	sbr.abs _section_cstart, $3  }
0xc0: {  	[dreg:$0x1] =	wrdreg $0xFFFFFFFF  }
0xc1: {  	_ =	task.clear_ibuf [dreg:s6], $0x2FFFF;
	_ =	strace $0x9FFFFFFF  }
0xc2: {  	(tm) =	ssettm $0x7FFFFFFF  }
0xc3: {  	_ =	shalt  }
tec
execute0_lowered:
.L_overlay_start_1:
0x0: {  	(tag) =	ssettag $0x1  }
0x1: {  	s0 =	rddreg [dreg:$0x0]  }
0x2: {  	s1 =	rddreg [dreg:$0x1]  }
0x3: {  	s2 =	simm.s32 $0x0;
	s6 =	srdreg.scid;
	s4 =	stileid.u32  }
0x4: {  	s21 =	simm.s32 $0x1A0;
	s22 =	simm.s32 $0x680;
	s23 =	simm.s32 $0x4E0  }
0x5: {  	s24 =	simm.s32 $0x3A80;
	s25 =	simm.s32 $0x1;
	s26 =	simm.s32 $0x2  }
0x6: {  	s28 =	simm.s32 $0x0;
	[smem:$0x7FF] =	sst s2;
	s3 =	sadd.s32 $0x85E00, s0  }
0x7: {  	s5 =	sadd.s32 $0x2E00, s0;
	s17 =	sadd.s32 $0xB8C00, s0;
	s16 =	sadd.s32 $0x6CA00, s0  }
0x8: {  	s18 =	sand.u32 $0x1, s6;
	s6 =	sadd.s32 $0x33E00, s0;
	s12 =	smul.u32 $0x18800, s4  }
0x9: {  	s7 =	sadd.s32 $0xD2000, s0;
	s11 =	smul.u32 $0xC980, s4;
	s8 =	sadd.s32 $0x37000, s0  }
0xa: {  	s30 =	sshll.u32 s4, $0x6;
	s20 =	smul.u32 $0x1930, s4;
	_ =	strace $0x80000050  }
0xb: {  	s9 =	ssub.s32 $0x2, s18;
	[dreg:$0x3] =	wrdreg s7;
	p0 =	sne.s32 s18, $0x0  }
0xc: {  	s10 =	sshrl.u32 s9, $0x1;
	s19 =	sadd.s32 s12, s1;
	s14 =	sshrl.u32 s11, $0x3  }
.Ltmp0:
0xd: {  	s12 =	sshrl.u32 s12, $0x3;
	s29 =	ssub.s32 s9, s10;
	(pc) =	sbr.rel .LBB2_1-.Ltmp0, $4  }
0xe: {  	s9 =	sor.u32 $0x1C03, s30;
	s10 =	sadd.s32 s17, s14;
	s11 =	sadd.s32 s16, s14  }
0xf: {  	s31 =	sadd.s32 $0x18FC, s14;
	s18 =	sshrl.u32 s19, $0x3;
	s19 =	simm.s32 $0x3  }
0x10: {  	s13 =	smax.u32 s29, $0x1;
	s14 =	sadd.s32 s16, s31;
	s15 =	sadd.s32 s17, s31  }
0x11: {  	s16 =	sadd.s32 s20, s16;
	s17 =	sadd.s32 s20, s17;
	s20 =	simm.s32 $0x340  }
.LBB2_7:
0x12: {  	s0 =	sadd.s32 $0x18FC, s31;
	[sflag:s19] =	ssyncadd.s32 $0xFFFFCC00  }
0x13: {  	[tilespmem:s21], [sflag:$0x3] =	stream.linear.gather [hbm4b:s0+s2], $0x1A0, $0x38;
	[tilespmem:$0x1F680] =	vst v63  }
0x14: {  	_ =	swait.ge [sflag:s19], $0x1A0  }
0x15: {  	s30 =	sadd.s32 s29, s16;
	[sflag:s19] =	ssyncset.done $0x0  }
0x16: {  	s4 =	sadd.s32 $0x18FC, s30;
	[sflag:s19] =	ssyncadd.s32 $0xFFFFFE60  }
0x17: {  	[tilespmem:s23], [sflag:$0x3] =	stream.linear.gather [hbm4b:s4+s2], $0x1A0, $0x38;
	[tilespmem:$0x1F680] =	vst v63  }
0x18: {  	_ =	swait.ge [sflag:s19], $0x1A0  }
0x19: {  	[sflag:s19] =	ssyncset.done $0x0  }
0x1a: {  	[sflag:s19] =	ssyncadd.s32 $0xFFFFFE60  }
0x1b: {  	[tilespmem:s24], [sflag:$0x2] =	stream.indirect.gather [hbm4b:s5+s21], $0x20, s21, s21, $0xb8;
	[tilespmem:$0x1F680] =	vst v63  }
0x1c: {  	_ =	swait.ge [sflag:s25], $0x3400  }
0x1d: {  	[sflag:s25] =	ssyncset.done $0x0  }
0x1e: {  	[sflag:s25] =	ssyncadd.s32 $0xFFFFCC00  }
0x1f: {  	[spmem:s1] =	stream.indirect.scatter.add.f32 [tilespmem:s22], [sflag:$0x3], $0x20, s20, s21, $0xb8;
	[tilespmem:$0x1F680] =	vst v63  }
0x20: {  	_ =	swait.ge [sflag:s19], $0x3400  }
0x21: {  	[sflag:s19] =	ssyncset.done $0x0  }
0x22: {  	s31 =	sadd.s32 $0x1930, s31;
	[sflag:s19] =	ssyncadd.s32 $0xFFFFCC00  }
0x23: {  	[tilespmem:s2], [sflag:$0x3] =	stream.linear.gather [hbm4b:s31+s2], $0x1A0, $0x38;
	[tilespmem:$0x1F680] =	vst v63  }
0x24: {  	_ =	swait.ge [sflag:s19], $0x1A0  }
0x25: {  	[sflag:s19] =	ssyncset.done $0x0  }
0x26: {  	s0 =	sadd.s32 $0x1930, s30;
	[sflag:s19] =	ssyncadd.s32 $0xFFFFFE60  }
0x27: {  	[tilespmem:s20], [sflag:$0x3] =	stream.linear.gather [hbm4b:s0+s2], $0x1A0, $0x38;
	[tilespmem:$0x1F680] =	vst v63  }
0x28: {  	_ =	swait.ge [sflag:s19], $0x1A0  }
0x29: {  	[sflag:s19] =	ssyncset.done $0x0  }
0x2a: {  	[sflag:s19] =	ssyncadd.s32 $0xFFFFFE60  }
0x2b: {  	[tilespmem:s22], [sflag:$0x1] =	stream.indirect.gather [hbm4b:s5+s21], $0x20, s2, s21, $0xb8;
	[tilespmem:$0x1F680] =	vst v63  }
0x2c: {  	_ =	swait.ge [sflag:s26], $0x3400  }
0x2d: {  	[sflag:s26] =	ssyncset.done $0x0  }
0x2e: {  	[sflag:s26] =	ssyncadd.s32 $0xFFFFCC00  }
0x2f: {  	[spmem:s1] =	stream.indirect.scatter.add.f32 [tilespmem:s24], [sflag:$0x3], $0x20, s23, s21, $0xb8;
	[tilespmem:$0x1F680] =	vst v63  }
0x30: {  	_ =	swait.ge [sflag:s19], $0x3400  }
0x31: {  	[sflag:s19] =	ssyncset.done $0x0  }
0x32: {  	s29 =	smov.u32 s8;
	s0 =	smov.u32 s5;
	[sflag:s19] =	ssyncadd.s32 $0xFFFFCC00  }
.LBB2_8:
0x33: {  	[tilespmem:s21], [sflag:$0x3] =	stream.linear.gather [hbm4b:s15+s2], $0x1A0, $0x38;
	[tilespmem:$0x1F680] =	vst v63  }
0x34: {  	_ =	swait.ge [sflag:s19], $0x1A0  }
0x35: {  	[sflag:s19] =	ssyncset.done $0x0  }
0x36: {  	[sflag:s19] =	ssyncadd.s32 $0xFFFFFE60  }
0x37: {  	[tilespmem:s23], [sflag:$0x3] =	stream.linear.gather [hbm4b:s14+s2], $0x1A0, $0x38;
	[tilespmem:$0x1F680] =	vst v63  }
0x38: {  	_ =	swait.ge [sflag:s19], $0x1A0  }
0x39: {  	[sflag:s19] =	ssyncset.done $0x0  }
0x3a: {  	[sflag:s19] =	ssyncadd.s32 $0xFFFFFE60  }
0x3b: {  	[tilespmem:s24], [sflag:$0x2] =	stream.indirect.gather [hbm4b:s0+s21], $0x20, s21, s21, $0xb8;
	[tilespmem:$0x1F680] =	vst v63  }
0x3c: {  	_ =	swait.ge [sflag:s25], $0x3400  }
0x3d: {  	[sflag:s25] =	ssyncset.done $0x0  }
0x3e: {  	[sflag:s25] =	ssyncadd.s32 $0xFFFFCC00  }
0x3f: {  	[spmem:s1] =	stream.indirect.scatter.add.f32 [tilespmem:s22], [sflag:$0x3], $0x20, s20, s21, $0xb8;
	[tilespmem:$0x1F680] =	vst v63  }
0x40: {  	_ =	swait.ge [sflag:s19], $0x3400  }
0x41: {  	[sflag:s19] =	ssyncset.done $0x0  }
0x42: {  	[sflag:s19] =	ssyncadd.s32 $0xFFFFCC00  }
0x43: {  	_ =	swait.ge [sflag:s26], $0x3400  }
0x44: {  	[sflag:s26] =	ssyncset.done $0x0  }
0x45: {  	[sflag:s26] =	ssyncadd.s32 $0xFFFFCC00  }
0x46: {  	[spmem:s1] =	stream.indirect.scatter.add.f32 [tilespmem:s24], [sflag:$0x3], $0x20, s23, s21, $0xb8;
	[tilespmem:$0x1F680] =	vst v63  }
0x47: {  	_ =	swait.ge [sflag:s19], $0x3400  }
0x48: {  	s28 =	sadd.s32 $0x1, s28;
	[sflag:s19] =	ssyncset.done $0x0  }
0x49: {  	p1 =	sne.s32 s28, s13;
	[sflag:s19] =	ssyncadd.s32 $0xFFFFCC00  }
.Ltmp1:
0x4a: {  	s31 =	sadd.s32 s29, s12;
	[bflag:$0x0] =	sbarrier.arrive $0xFFFF;
	(pc) =	sbr.rel @!p1 .LBB2_9-.Ltmp1, $4  }
0x4b: {  	[hbm:s31], [sflag:s9] =	dma.local [spmem:s18], $0x3100  }
0x4c: {  	_ =	swait.ge [sflag:s19], $0x3100  }
0x4d: {  	[sflag:s19] =	ssyncset.done $0x0  }
0x4e: {  	[sflag:s19] =	ssyncadd.s32 $0xFFFFCF00  }
.LBB2_1:
0x4f: {  	[spmem:s18], [sflag:s9] =	dma.local [hbm:s6], $0x3100  }
0x50: {  	_ =	swait.ge [sflag:s19], $0x3100  }
0x51: {  	[sflag:s19] =	ssyncset.done $0x0  }
0x52: {  	[sflag:s19] =	ssyncadd.s32 $0xFFFFCF00  }
0x53: {  	[bflag:$0x0] =	sbarrier.arrive $0xFFFF  }
0x54: {  	[tilespmem:s2], [sflag:$0x3] =	stream.linear.gather [hbm4b:s10+s2], $0x1A0, $0x38;
	[tilespmem:$0x1F680] =	vst v63  }
0x55: {  	_ =	swait.ge [sflag:s19], $0x1A0  }
0x56: {  	[sflag:s19] =	ssyncset.done $0x0  }
.Ltmp2:
0x57: {  	[sflag:s19] =	ssyncadd.s32 $0xFFFFFE60;
	(pc) =	sbr.rel @p0 .LBB2_5-.Ltmp2, $4  }
0x58: {  	[tilespmem:s20], [sflag:$0x3] =	stream.linear.gather [hbm4b:s11+s2], $0x1A0, $0x38;
	[tilespmem:$0x1F680] =	vst v63  }
0x59: {  	_ =	swait.ge [sflag:s19], $0x1A0  }
0x5a: {  	[sflag:s19] =	ssyncset.done $0x0  }
0x5b: {  	[sflag:s19] =	ssyncadd.s32 $0xFFFFFE60  }
0x5c: {  	[tilespmem:s22], [sflag:$0x1] =	stream.indirect.gather [hbm4b:s3+s21], $0x20, s2, s21, $0xb8;
	[tilespmem:$0x1F680] =	vst v63  }
0x5d: {  	s0 =	sadd.s32 $0xFFFFE738, s17  }
0x5e: {  	s29 =	sadd.s32 $0x18FC, s0  }
0x5f: {  	[tilespmem:s21], [sflag:$0x3] =	stream.linear.gather [hbm4b:s29+s2], $0x1A0, $0x38;
	[tilespmem:$0x1F680] =	vst v63  }
0x60: {  	_ =	swait.ge [sflag:s19], $0x1A0  }
0x61: {  	s29 =	sadd.s32 $0xFFFFE738, s16;
	[sflag:s19] =	ssyncset.done $0x0  }
0x62: {  	s30 =	sadd.s32 $0x18FC, s29;
	[sflag:s19] =	ssyncadd.s32 $0xFFFFFE60  }
0x63: {  	[tilespmem:s23], [sflag:$0x3] =	stream.linear.gather [hbm4b:s30+s2], $0x1A0, $0x38;
	[tilespmem:$0x1F680] =	vst v63  }
0x64: {  	_ =	swait.ge [sflag:s19], $0x1A0  }
0x65: {  	[sflag:s19] =	ssyncset.done $0x0  }
0x66: {  	[sflag:s19] =	ssyncadd.s32 $0xFFFFFE60  }
0x67: {  	[tilespmem:s24], [sflag:$0x2] =	stream.indirect.gather [hbm4b:s3+s21], $0x20, s21, s21, $0xb8;
	[tilespmem:$0x1F680] =	vst v63  }
0x68: {  	_ =	swait.ge [sflag:s25], $0x3400  }
0x69: {  	[sflag:s25] =	ssyncset.done $0x0  }
0x6a: {  	[sflag:s25] =	ssyncadd.s32 $0xFFFFCC00  }
0x6b: {  	[spmem:s1] =	stream.indirect.scatter.add.f32 [tilespmem:s22], [sflag:$0x3], $0x20, s20, s21, $0xb8;
	[tilespmem:$0x1F680] =	vst v63  }
0x6c: {  	_ =	swait.ge [sflag:s19], $0x3400  }
0x6d: {  	[sflag:s19] =	ssyncset.done $0x0  }
0x6e: {  	s0 =	sadd.s32 $0x1930, s0;
	[sflag:s19] =	ssyncadd.s32 $0xFFFFCC00  }
0x6f: {  	[tilespmem:s2], [sflag:$0x3] =	stream.linear.gather [hbm4b:s0+s2], $0x1A0, $0x38;
	[tilespmem:$0x1F680] =	vst v63  }
0x70: {  	_ =	swait.ge [sflag:s19], $0x1A0  }
0x71: {  	[sflag:s19] =	ssyncset.done $0x0  }
0x72: {  	s7 =	sadd.s32 $0x1930, s29;
	[sflag:s19] =	ssyncadd.s32 $0xFFFFFE60  }
0x73: {  	[tilespmem:s20], [sflag:$0x3] =	stream.linear.gather [hbm4b:s7+s2], $0x1A0, $0x38;
	[tilespmem:$0x1F680] =	vst v63  }
0x74: {  	_ =	swait.ge [sflag:s19], $0x1A0  }
0x75: {  	[sflag:s19] =	ssyncset.done $0x0  }
0x76: {  	[sflag:s19] =	ssyncadd.s32 $0xFFFFFE60  }
0x77: {  	[tilespmem:s22], [sflag:$0x1] =	stream.indirect.gather [hbm4b:s3+s21], $0x20, s2, s21, $0xb8;
	[tilespmem:$0x1F680] =	vst v63  }
0x78: {  	_ =	swait.ge [sflag:s26], $0x3400  }
0x79: {  	[sflag:s26] =	ssyncset.done $0x0  }
0x7a: {  	[sflag:s26] =	ssyncadd.s32 $0xFFFFCC00  }
0x7b: {  	[spmem:s1] =	stream.indirect.scatter.add.f32 [tilespmem:s24], [sflag:$0x3], $0x20, s23, s21, $0xb8;
	[tilespmem:$0x1F680] =	vst v63  }
0x7c: {  	s31 =	sadd.s32 $0xFFFFE7A0, s17;
	_ =	swait.ge [sflag:s19], $0x3400  }
0x7d: {  	s29 =	simm.s32 $0xFFFFE7A0;
	s30 =	simm.s32 $0xFFFFE808;
	[sflag:s19] =	ssyncset.done $0x0  }
.LBB2_3:
0x7e: {  	s4 =	sadd.s32 $0x18FC, s31  }
0x7f: {  	[sflag:s19] =	ssyncadd.s32 $0xFFFFCC00;
	s7 =	smov.u32 s30;
	s0 =	sadd.s32 $0x68, s30  }
0x80: {  	[tilespmem:s21], [sflag:$0x3] =	stream.linear.gather [hbm4b:s4+s2], $0x1A0, $0x38;
	[tilespmem:$0x1F680] =	vst v63  }
0x81: {  	p1 =	seq.s32 s30, $0xFFFFFF98;
	_ =	swait.ge [sflag:s19], $0x1A0  }
0x82: {  	s4 =	sadd.s32 s29, s16;
	s29 =	smov.u32 s7;
	[sflag:s19] =	ssyncset.done $0x0  }
0x83: {  	s7 =	sadd.s32 $0x18FC, s4;
	[sflag:s19] =	ssyncadd.s32 $0xFFFFFE60  }
0x84: {  	[tilespmem:s23], [sflag:$0x3] =	stream.linear.gather [hbm4b:s7+s2], $0x1A0, $0x38;
	[tilespmem:$0x1F680] =	vst v63  }
0x85: {  	_ =	swait.ge [sflag:s19], $0x1A0  }
0x86: {  	[sflag:s19] =	ssyncset.done $0x0  }
0x87: {  	[sflag:s19] =	ssyncadd.s32 $0xFFFFFE60  }
0x88: {  	[tilespmem:s24], [sflag:$0x2] =	stream.indirect.gather [hbm4b:s3+s21], $0x20, s21, s21, $0xb8;
	[tilespmem:$0x1F680] =	vst v63  }
0x89: {  	_ =	swait.ge [sflag:s25], $0x3400  }
0x8a: {  	[sflag:s25] =	ssyncset.done $0x0  }
0x8b: {  	[sflag:s25] =	ssyncadd.s32 $0xFFFFCC00  }
0x8c: {  	[spmem:s1] =	stream.indirect.scatter.add.f32 [tilespmem:s22], [sflag:$0x3], $0x20, s20, s21, $0xb8;
	[tilespmem:$0x1F680] =	vst v63  }
0x8d: {  	_ =	swait.ge [sflag:s19], $0x3400  }
0x8e: {  	[sflag:s19] =	ssyncset.done $0x0  }
0x8f: {  	s7 =	sadd.s32 $0x1930, s31;
	[sflag:s19] =	ssyncadd.s32 $0xFFFFCC00  }
0x90: {  	[tilespmem:s2], [sflag:$0x3] =	stream.linear.gather [hbm4b:s7+s2], $0x1A0, $0x38;
	[tilespmem:$0x1F680] =	vst v63  }
0x91: {  	_ =	swait.ge [sflag:s19], $0x1A0  }
0x92: {  	[sflag:s19] =	ssyncset.done $0x0  }
0x93: {  	s4 =	sadd.s32 $0x1930, s4;
	[sflag:s19] =	ssyncadd.s32 $0xFFFFFE60  }
0x94: {  	[tilespmem:s20], [sflag:$0x3] =	stream.linear.gather [hbm4b:s4+s2], $0x1A0, $0x38;
	[tilespmem:$0x1F680] =	vst v63  }
0x95: {  	_ =	swait.ge [sflag:s19], $0x1A0  }
0x96: {  	[sflag:s19] =	ssyncset.done $0x0  }
0x97: {  	[sflag:s19] =	ssyncadd.s32 $0xFFFFFE60  }
0x98: {  	[tilespmem:s22], [sflag:$0x1] =	stream.indirect.gather [hbm4b:s3+s21], $0x20, s2, s21, $0xb8;
	[tilespmem:$0x1F680] =	vst v63  }
0x99: {  	_ =	swait.ge [sflag:s26], $0x3400  }
.Ltmp3:
0x9a: {  	[sflag:s26] =	ssyncset.done $0x0;
	(pc) =	sbr.rel @!p1 .LBB2_3-.Ltmp3, $4  }
0x9b: {  	[sflag:s26] =	ssyncadd.s32 $0xFFFFCC00  }
0x9c: {  	[spmem:s1] =	stream.indirect.scatter.add.f32 [tilespmem:s24], [sflag:$0x3], $0x20, s23, s21, $0xb8;
	[tilespmem:$0x1F680] =	vst v63  }
0x9d: {  	_ =	swait.ge [sflag:s19], $0x3400  }
0x9e: {  	s30 =	smov.u32 s0;
	s31 =	sadd.s32 s29, s17;
	[sflag:s19] =	ssyncset.done $0x0  }
0x9f: {  	s0 =	sadd.s32 $0x18FC, s31;
	[sflag:s19] =	ssyncadd.s32 $0xFFFFCC00  }
0xa0: {  	[tilespmem:s21], [sflag:$0x3] =	stream.linear.gather [hbm4b:s0+s2], $0x1A0, $0x38;
	[tilespmem:$0x1F680] =	vst v63  }
0xa1: {  	_ =	swait.ge [sflag:s19], $0x1A0  }
0xa2: {  	s30 =	sadd.s32 s29, s16;
	[sflag:s19] =	ssyncset.done $0x0  }
0xa3: {  	s4 =	sadd.s32 $0x18FC, s30;
	[sflag:s19] =	ssyncadd.s32 $0xFFFFFE60  }
0xa4: {  	[tilespmem:s23], [sflag:$0x3] =	stream.linear.gather [hbm4b:s4+s2], $0x1A0, $0x38;
	[tilespmem:$0x1F680] =	vst v63  }
0xa5: {  	_ =	swait.ge [sflag:s19], $0x1A0  }
0xa6: {  	[sflag:s19] =	ssyncset.done $0x0  }
0xa7: {  	[sflag:s19] =	ssyncadd.s32 $0xFFFFFE60  }
0xa8: {  	[tilespmem:s24], [sflag:$0x2] =	stream.indirect.gather [hbm4b:s3+s21], $0x20, s21, s21, $0xb8;
	[tilespmem:$0x1F680] =	vst v63  }
0xa9: {  	_ =	swait.ge [sflag:s25], $0x3400  }
0xaa: {  	[sflag:s25] =	ssyncset.done $0x0  }
0xab: {  	[sflag:s25] =	ssyncadd.s32 $0xFFFFCC00  }
0xac: {  	[spmem:s1] =	stream.indirect.scatter.add.f32 [tilespmem:s22], [sflag:$0x3], $0x20, s20, s21, $0xb8;
	[tilespmem:$0x1F680] =	vst v63  }
0xad: {  	_ =	swait.ge [sflag:s19], $0x3400  }
0xae: {  	[sflag:s19] =	ssyncset.done $0x0  }
0xaf: {  	s31 =	sadd.s32 $0x1930, s31;
	[sflag:s19] =	ssyncadd.s32 $0xFFFFCC00  }
0xb0: {  	[tilespmem:s2], [sflag:$0x3] =	stream.linear.gather [hbm4b:s31+s2], $0x1A0, $0x38;
	[tilespmem:$0x1F680] =	vst v63  }
0xb1: {  	_ =	swait.ge [sflag:s19], $0x1A0  }
0xb2: {  	[sflag:s19] =	ssyncset.done $0x0  }
0xb3: {  	s0 =	sadd.s32 $0x1930, s30;
	[sflag:s19] =	ssyncadd.s32 $0xFFFFFE60  }
0xb4: {  	[tilespmem:s20], [sflag:$0x3] =	stream.linear.gather [hbm4b:s0+s2], $0x1A0, $0x38;
	[tilespmem:$0x1F680] =	vst v63  }
0xb5: {  	_ =	swait.ge [sflag:s19], $0x1A0  }
0xb6: {  	[sflag:s19] =	ssyncset.done $0x0  }
0xb7: {  	[sflag:s19] =	ssyncadd.s32 $0xFFFFFE60  }
0xb8: {  	[tilespmem:s22], [sflag:$0x1] =	stream.indirect.gather [hbm4b:s3+s21], $0x20, s2, s21, $0xb8;
	[tilespmem:$0x1F680] =	vst v63  }
0xb9: {  	_ =	swait.ge [sflag:s26], $0x3400  }
0xba: {  	[sflag:s26] =	ssyncset.done $0x0  }
.Ltmp4:
0xbb: {  	[sflag:s26] =	ssyncadd.s32 $0xFFFFCC00;
	(pc) =	sbr.rel .LBB2_8-.Ltmp4, $4  }
0xbc: {  	[spmem:s1] =	stream.indirect.scatter.add.f32 [tilespmem:s24], [sflag:$0x3], $0x20, s23, s21, $0xb8;
	[tilespmem:$0x1F680] =	vst v63  }
0xbd: {  	_ =	swait.ge [sflag:s19], $0x3400  }
0xbe: {  	[sflag:s19] =	ssyncset.done $0x0  }
0xbf: {  	s0 =	smov.u32 s3;
	s29 =	rddreg [dreg:$0x3];
	[sflag:s19] =	ssyncadd.s32 $0xFFFFCC00  }
.LBB2_5:
0xc0: {  	[tilespmem:s22], [sflag:$0x1] =	stream.indirect.gather [hbm4b:s5+s21], $0x20, s2, s21, $0xb8;
	[tilespmem:$0x1F680] =	vst v63  }
0xc1: {  	s0 =	sadd.s32 $0xFFFFE738, s17  }
0xc2: {  	s4 =	sadd.s32 $0x18FC, s0  }
0xc3: {  	[tilespmem:s21], [sflag:$0x3] =	stream.linear.gather [hbm4b:s4+s2], $0x1A0, $0x38;
	[tilespmem:$0x1F680] =	vst v63  }
0xc4: {  	_ =	swait.ge [sflag:s19], $0x1A0  }
0xc5: {  	s30 =	sadd.s32 $0xFFFFE738, s16;
	[sflag:s19] =	ssyncset.done $0x0  }
0xc6: {  	s7 =	sadd.s32 $0x18FC, s30;
	[sflag:s19] =	ssyncadd.s32 $0xFFFFFE60  }
0xc7: {  	[tilespmem:s23], [sflag:$0x3] =	stream.linear.gather [hbm4b:s7+s2], $0x1A0, $0x38;
	[tilespmem:$0x1F680] =	vst v63  }
0xc8: {  	_ =	swait.ge [sflag:s19], $0x1A0  }
0xc9: {  	[sflag:s19] =	ssyncset.done $0x0  }
0xca: {  	[sflag:s19] =	ssyncadd.s32 $0xFFFFFE60  }
0xcb: {  	[tilespmem:s24], [sflag:$0x2] =	stream.indirect.gather [hbm4b:s5+s21], $0x20, s21, s21, $0xb8;
	[tilespmem:$0x1F680] =	vst v63  }
0xcc: {  	_ =	swait.ge [sflag:s25], $0x3400  }
0xcd: {  	[sflag:s25] =	ssyncset.done $0x0  }
0xce: {  	[sflag:s25] =	ssyncadd.s32 $0xFFFFCC00  }
0xcf: {  	[spmem:s1] =	stream.indirect.scatter.add.f32 [tilespmem:s22], [sflag:$0x3], $0x20, s20, s21, $0xb8;
	[tilespmem:$0x1F680] =	vst v63  }
0xd0: {  	_ =	swait.ge [sflag:s19], $0x3400  }
0xd1: {  	[sflag:s19] =	ssyncset.done $0x0  }
0xd2: {  	s0 =	sadd.s32 $0x1930, s0;
	[sflag:s19] =	ssyncadd.s32 $0xFFFFCC00  }
0xd3: {  	[tilespmem:s2], [sflag:$0x3] =	stream.linear.gather [hbm4b:s0+s2], $0x1A0, $0x38;
	[tilespmem:$0x1F680] =	vst v63  }
0xd4: {  	_ =	swait.ge [sflag:s19], $0x1A0  }
0xd5: {  	[sflag:s19] =	ssyncset.done $0x0  }
0xd6: {  	s30 =	sadd.s32 $0x1930, s30;
	[sflag:s19] =	ssyncadd.s32 $0xFFFFFE60  }
0xd7: {  	[tilespmem:s20], [sflag:$0x3] =	stream.linear.gather [hbm4b:s30+s2], $0x1A0, $0x38;
	[tilespmem:$0x1F680] =	vst v63  }
0xd8: {  	_ =	swait.ge [sflag:s19], $0x1A0  }
0xd9: {  	[sflag:s19] =	ssyncset.done $0x0  }
0xda: {  	[sflag:s19] =	ssyncadd.s32 $0xFFFFFE60  }
0xdb: {  	[tilespmem:s22], [sflag:$0x1] =	stream.indirect.gather [hbm4b:s5+s21], $0x20, s2, s21, $0xb8;
	[tilespmem:$0x1F680] =	vst v63  }
0xdc: {  	_ =	swait.ge [sflag:s26], $0x3400  }
0xdd: {  	[sflag:s26] =	ssyncset.done $0x0  }
0xde: {  	[sflag:s26] =	ssyncadd.s32 $0xFFFFCC00  }
0xdf: {  	[spmem:s1] =	stream.indirect.scatter.add.f32 [tilespmem:s24], [sflag:$0x3], $0x20, s23, s21, $0xb8;
	[tilespmem:$0x1F680] =	vst v63  }
0xe0: {  	s29 =	simm.s32 $0xFFFFE7A0;
	_ =	swait.ge [sflag:s19], $0x3400  }
0xe1: {  	s31 =	sadd.s32 $0xFFFFE7A0, s17;
	s0 =	simm.s32 $0xFFFFE808;
	[sflag:s19] =	ssyncset.done $0x0  }
.LBB2_6:
0xe2: {  	s4 =	sadd.s32 $0x18FC, s31  }
0xe3: {  	[sflag:s19] =	ssyncadd.s32 $0xFFFFCC00;
	s7 =	smov.u32 s0;
	s30 =	sadd.s32 $0x68, s0  }
0xe4: {  	[tilespmem:s21], [sflag:$0x3] =	stream.linear.gather [hbm4b:s4+s2], $0x1A0, $0x38;
	[tilespmem:$0x1F680] =	vst v63  }
0xe5: {  	p1 =	sne.s32 s0, $0xFFFFFF98;
	_ =	swait.ge [sflag:s19], $0x1A0  }
0xe6: {  	s0 =	sadd.s32 s29, s16;
	s29 =	smov.u32 s7;
	[sflag:s19] =	ssyncset.done $0x0  }
0xe7: {  	s4 =	sadd.s32 $0x18FC, s0;
	[sflag:s19] =	ssyncadd.s32 $0xFFFFFE60  }
0xe8: {  	[tilespmem:s23], [sflag:$0x3] =	stream.linear.gather [hbm4b:s4+s2], $0x1A0, $0x38;
	[tilespmem:$0x1F680] =	vst v63  }
0xe9: {  	_ =	swait.ge [sflag:s19], $0x1A0  }
0xea: {  	[sflag:s19] =	ssyncset.done $0x0  }
0xeb: {  	[sflag:s19] =	ssyncadd.s32 $0xFFFFFE60  }
0xec: {  	[tilespmem:s24], [sflag:$0x2] =	stream.indirect.gather [hbm4b:s5+s21], $0x20, s21, s21, $0xb8;
	[tilespmem:$0x1F680] =	vst v63  }
0xed: {  	_ =	swait.ge [sflag:s25], $0x3400  }
0xee: {  	[sflag:s25] =	ssyncset.done $0x0  }
0xef: {  	[sflag:s25] =	ssyncadd.s32 $0xFFFFCC00  }
0xf0: {  	[spmem:s1] =	stream.indirect.scatter.add.f32 [tilespmem:s22], [sflag:$0x3], $0x20, s20, s21, $0xb8;
	[tilespmem:$0x1F680] =	vst v63  }
0xf1: {  	_ =	swait.ge [sflag:s19], $0x3400  }
0xf2: {  	[sflag:s19] =	ssyncset.done $0x0  }
0xf3: {  	s4 =	sadd.s32 $0x1930, s31;
	[sflag:s19] =	ssyncadd.s32 $0xFFFFCC00  }
0xf4: {  	[tilespmem:s2], [sflag:$0x3] =	stream.linear.gather [hbm4b:s4+s2], $0x1A0, $0x38;
	[tilespmem:$0x1F680] =	vst v63  }
0xf5: {  	_ =	swait.ge [sflag:s19], $0x1A0  }
0xf6: {  	[sflag:s19] =	ssyncset.done $0x0  }
0xf7: {  	s0 =	sadd.s32 $0x1930, s0;
	[sflag:s19] =	ssyncadd.s32 $0xFFFFFE60  }
0xf8: {  	[tilespmem:s20], [sflag:$0x3] =	stream.linear.gather [hbm4b:s0+s2], $0x1A0, $0x38;
	[tilespmem:$0x1F680] =	vst v63  }
0xf9: {  	_ =	swait.ge [sflag:s19], $0x1A0  }
0xfa: {  	[sflag:s19] =	ssyncset.done $0x0  }
0xfb: {  	[sflag:s19] =	ssyncadd.s32 $0xFFFFFE60  }
0xfc: {  	[tilespmem:s22], [sflag:$0x1] =	stream.indirect.gather [hbm4b:s5+s21], $0x20, s2, s21, $0xb8;
	[tilespmem:$0x1F680] =	vst v63  }
0xfd: {  	_ =	swait.ge [sflag:s26], $0x3400  }
.Ltmp5:
0xfe: {  	[sflag:s26] =	ssyncset.done $0x0;
	(pc) =	sbr.rel @p1 .LBB2_6-.Ltmp5, $4  }
0xff: {  	[sflag:s26] =	ssyncadd.s32 $0xFFFFCC00  }
0x100: {  	[spmem:s1] =	stream.indirect.scatter.add.f32 [tilespmem:s24], [sflag:$0x3], $0x20, s23, s21, $0xb8;
	[tilespmem:$0x1F680] =	vst v63  }
0x101: {  	_ =	swait.ge [sflag:s19], $0x3400  }
0x102: {  	s31 =	sadd.s32 s29, s17;
	s0 =	smov.u32 s30;
	[sflag:s19] =	ssyncset.done $0x0  }
.Ltmp6:
0x103: {  	_ = 	snop;
	(pc) =	sbr.rel .LBB2_7-.Ltmp6, $1  }
0x104: {  	_ =	sdelay $0x3  }
.LBB2_9:
0x105: {  	_ =	sfence.sel $0x180000  }
0x106: {  	[bflag:$0x0] =	sbarrier.arrive $0xFFFF  }
0x107: {  	_ =	strace $0x90000050  }
0x108: {  	s0 =	stileid.u32;
	[bflag:$0x2] =	sbarrier.arrive $0xFFFF  }
0x109: {  	p0 =	sne.s32 s0, $0x0;
	s0 =	rddreg [dreg:$0x2]  }
0x10a: {  	s0 =	sadd.s32 @!p0 $0x100000, s0  }
0x10b: {  	[sflag:s0] =	ssyncadd.tile.s32 @!p0 $0x1;
	_ =	shalt  }
.Lfunc_end2:
_tile_overlayer_lowered:
.L_overlay_start_2:
0x10c: {  	(tag) =	ssettag $0x2  }
0x10d: {  	s0 =	rddreg [dreg:$0x0];
	s2 =	stileid.u32  }
0x10e: {  	s1 =	rddreg [dreg:$0x1];
	p0 =	sne.s32 s2, $0x0  }
0x10f: {  	s3 =	rddreg [dreg:$0x2];
	[bflag:$0x3] =	sbarrier.arrive $0xFFFF;
	s2 =	simm.s32 @!p0 $0x1C03  }
0x110: {  	[timem:s3], [sflag:s2] =	dma.local @!p0 [hbm:s0], s1  }
0x111: {  	s0 =	simm.s32 @!p0 $0x3  }
0x112: {  	_ =	swait.ge @!p0 [sflag:s0], s1  }
0x113: {  	s1 =	ssub.s32 @!p0 $0x0, s1;
	[sflag:s0] =	ssyncset.done @!p0 $0x0  }
0x114: {  	[sflag:s0] =	ssyncadd.s32 @!p0 s1  }
0x115: {  	[bflag:$0x3] =	sbarrier.arrive $0xFFFF  }
0x116: {  	_ =	shalt  }

// kernel: kernel.9.cloned.1.call-start
scs
__scs_entry_jumppad:
0x0: {  	(pc) =	sbr.rel $0x88, $3  }
0x1: {  	(tag) =	ssettag $0x0;
	lr =	simm.s32 $0x1  }
0x2: {  	[smem:$0x3F94] =	sst lr;
	_ =	strace $0xD0000000  }
0x3: {  	_ = 	snop  }
0x4: {  	_ = 	snop  }
0x5: {  	_ = 	snop  }
0x6: {  	_ = 	snop  }
0x7: {  	_ = 	snop  }
__scs_overlays_trampoline_lowered:
0x8: {  	[smem:$0x3FA3] =	sst s0  }
0x9: {  	[smem:$0x3FA4] =	sst s1  }
0xa: {  	[smem:$0x3FA5] =	sst s2  }
0xb: {  	[smem:$0x3FA6] =	sst s3  }
0xc: {  	[smem:$0x3FA7] =	sst s4  }
0xd: {  	[smem:$0x3FA8] =	sst s5  }
0xe: {  	[smem:$0x3FA9] =	sst s6  }
0xf: {  	[smem:$0x3FAA] =	sst s7  }
0x10: {  	[smem:$0x3FAB] =	sst s8  }
0x11: {  	[smem:$0x3FAC] =	sst s9;
	s0 =	simm.s32 @!p0 $0x0  }
0x12: {  	s1 =	sld [smem:$0x3F92];
	s0 =	simm.s32 @p0 $0x1  }
0x13: {  	[smem:$0x3FAD] =	sst s0;
	s0 =	simm.s32 @!p1 $0x0  }
0x14: {  	s2 =	sld [smem:$0x3F91];
	s0 =	simm.s32 @p1 $0x1  }
0x15: {  	[smem:$0x3FAE] =	sst s0;
	s0 =	simm.s32 @!p2 $0x0  }
0x16: {  	s3 =	sld [smem:$0x3FDB];
	s0 =	simm.s32 @p2 $0x1  }
0x17: {  	s4 =	simm.s32 $0x1BF5;
	[smem:$0x3FB0] =	sst s0  }
0x18: {  	s0 =	sld [smem:$0x3F93];
	_ =	swait.ge [sflag:s4], $0x0  }
0x19: {  	s7 =	sld [smem:$0x3F94]  }
0x1a: {  	s8 =	sadd.s32 $0xFFFFE003, lr  }
0x1b: {  	s9 =	sadd.s32 $0xFFFFFEF7, lr;
	s5 =	simm.s32 $0xFFFFFFFF;
	p2 =	slt.u32 s8, $0xFFFFF086  }
0x1c: {  	p1 =	slt.u32 s9, $0xF7A;
	s5 =	simm.s32 @!p2 $0x0  }
0x1d: {  	s5 =	simm.s32 @p1 $0x1;
	p0 =	seq.s32 s7, s2  }
0x1e: {  	s7 =	smul.u32 @!p0 $0xF7A, s2;
	p2 =	seq.s32 @!p0 s5, $0x0  }
0x1f: {  	s9 =	smul.u32 $0xF7A, s1;
	s8 =	simm.s32 @!p0 $0x1BF5;
	p2 =	por !p2, p0  }
0x20: {  	[sflag:s8] =	ssyncset.s32 @!p0 $0xFFFFF086;
	s6 =	sadd.s32 @!p0 s3, s7;
	s7 =	simm.s32 @!p0 $0x108  }
0x21: {  	s3 =	sadd.s32 s3, s9;
	s6 =	sadd.s32 @!p0 $0x88, s6;
	s7 =	simm.s32 @p2 $0x1082  }
0x22: {  	[simem:s7], [sflag:s8] =	dma.local @!p0 [hbm:s6], $0xF7A  }
0x23: {  	s9 =	sor.u32 $0xD0000000, s2;
	s6 =	simm.s32 $0x108;
	_ =	swait.ge @!p0 [sflag:s8], $0x0  }
0x24: {  	s3 =	sadd.s32 $0x88, s3;
	s6 =	simm.s32 @!p1 $0x1082;
	[sflag:s4] =	ssyncset.s32 $0xFFFFF086  }
0x25: {  	[simem:s6], [sflag:s4] =	dma.local [hbm:s3], $0xF7A  }
0x26: {  	[smem:$0x3F94] =	sst s1;
	(tag) =	ssettag s2;
	_ =	strace s9  }
0x27: {  	s1 =	sld [smem:$0x3FA4]  }
0x28: {  	s2 =	sld [smem:$0x3FA5]  }
0x29: {  	s4 =	sld [smem:$0x3FA7]  }
0x2a: {  	p0 =	seq.s32 s5, $0x0;
	s5 =	sld [smem:$0x3FA8]  }
0x2b: {  	s6 =	sld [smem:$0x3FA9]  }
0x2c: {  	s7 =	sld [smem:$0x3FAA]  }
0x2d: {  	s3 =	simm.s32 $0x108;
	s8 =	sld [smem:$0x3FAB]  }
0x2e: {  	s3 =	simm.s32 @!p0 $0x1082;
	s9 =	sld [smem:$0x3FAC]  }
0x2f: {  	lr =	sadd.s32 s0, s3;
	s0 =	sld [smem:$0x3FA3]  }
0x30: {  	s3 =	sld [smem:$0x3FA6]  }
0x31: {  	[smem:$0x3FAF] =	sst s10  }
0x32: {  	s10 =	sld [smem:$0x3FAD];
	_ =	sdelay $0x3  }
0x33: {  	p0 =	seq.s32 s10, $0x1;
	s10 =	sld [smem:$0x3FAF];
	_ =	sdelay $0x3  }
0x34: {  	[smem:$0x3FAF] =	sst s10  }
0x35: {  	s10 =	sld [smem:$0x3FAE];
	_ =	sdelay $0x3  }
0x36: {  	p1 =	seq.s32 s10, $0x1;
	s10 =	sld [smem:$0x3FAF];
	_ =	sdelay $0x3  }
0x37: {  	[smem:$0x3FAF] =	sst s10  }
0x38: {  	s10 =	sld [smem:$0x3FB0]  }
0x39: {  	_ = 	snop;
	(pc) =	sbr.ind lr, $3  }
0x3a: {  	_ = 	snop  }
0x3b: {  	_ = 	snop  }
0x3c: {  	p2 =	seq.s32 s10, $0x1;
	s10 =	sld [smem:$0x3FAF]  }
0x3d: {  	_ =	shalt  }
0x3e: {  	_ =	shalt  }
0x3f: {  	_ =	shalt  }
0x40: {  	_ =	shalt  }
0x41: {  	_ =	shalt  }
0x42: {  	_ =	shalt  }
0x43: {  	_ =	shalt  }
0x44: {  	_ =	shalt  }
0x45: {  	_ =	shalt  }
0x46: {  	_ =	shalt  }
0x47: {  	_ =	shalt  }
0x48: {  	_ =	shalt  }
0x49: {  	_ =	shalt  }
0x4a: {  	_ =	shalt  }
0x4b: {  	_ =	shalt  }
0x4c: {  	_ =	shalt  }
0x4d: {  	_ =	shalt  }
0x4e: {  	_ =	shalt  }
0x4f: {  	_ =	shalt  }
0x50: {  	_ =	shalt  }
0x51: {  	_ =	shalt  }
0x52: {  	_ =	shalt  }
0x53: {  	_ =	shalt  }
0x54: {  	_ =	shalt  }
0x55: {  	_ =	shalt  }
0x56: {  	_ =	shalt  }
0x57: {  	_ =	shalt  }
0x58: {  	_ =	shalt  }
0x59: {  	_ =	shalt  }
0x5a: {  	_ =	shalt  }
0x5b: {  	_ =	shalt  }
0x5c: {  	_ =	shalt  }
0x5d: {  	_ =	shalt  }
0x5e: {  	_ =	shalt  }
0x5f: {  	_ =	shalt  }
0x60: {  	_ =	shalt  }
0x61: {  	_ =	shalt  }
0x62: {  	_ =	shalt  }
0x63: {  	_ =	shalt  }
0x64: {  	_ =	shalt  }
0x65: {  	_ =	shalt  }
0x66: {  	_ =	shalt  }
0x67: {  	_ =	shalt  }
0x68: {  	_ =	shalt  }
0x69: {  	_ =	shalt  }
0x6a: {  	_ =	shalt  }
0x6b: {  	_ =	shalt  }
0x6c: {  	_ =	shalt  }
0x6d: {  	_ =	shalt  }
0x6e: {  	_ =	shalt  }
0x6f: {  	_ =	shalt  }
0x70: {  	_ =	shalt  }
0x71: {  	_ =	shalt  }
0x72: {  	_ =	shalt  }
0x73: {  	_ =	shalt  }
0x74: {  	_ =	shalt  }
0x75: {  	_ =	shalt  }
0x76: {  	_ =	shalt  }
0x77: {  	_ =	shalt  }
0x78: {  	_ =	shalt  }
0x79: {  	_ =	shalt  }
0x7a: {  	_ =	shalt  }
0x7b: {  	_ =	shalt  }
0x7c: {  	_ =	shalt  }
0x7d: {  	_ =	shalt  }
0x7e: {  	_ =	shalt  }
0x7f: {  	_ =	shalt  }
0x80: {  	_ =	shalt  }
0x81: {  	_ =	shalt  }
0x82: {  	_ =	shalt  }
0x83: {  	_ =	shalt  }
0x84: {  	_ =	shalt  }
0x85: {  	_ =	shalt  }
0x86: {  	_ =	shalt  }
0x87: {  	_ =	shalt  }
.Lfunc_end0:
.L_simem_size_0:
called_computation_lowered:
.L_overlay_start_0:
0x88: {  	s2 =	sld [smem:$0x3FD9]  }
0x89: {  	s3 =	sld [smem:$0x3FFE];
	_ =	sdelay $0x1  }
0x8a: {  	s1 =	srdreg.scid  }
0x8b: {  	s0 =	sand.u32 $0x1, s1  }
0x8c: {  	s17 =	sshll.u32 s0, $0xA;
	s2 =	sadd.s32 s3, s2  }
0x8d: {  	s2 =	sadd.s32 s2, s17  }
0x8e: {  	[smem:$0x3FBB] =	sst s2  }
0x8f: {  	_ = 	snop  }
0x90: {  	s2 =	sld [smem:$0x3FD0];
	(tm) =	ssettm $0x1  }
0x91: {  	s18 =	sld [smem:$0x3FFB];
	_ =	sdelay $0x3  }
0x92: {  	_ =	strace s18  }
0x93: {  	s3 =	sld [smem:$0x3FFC];
	_ =	sdelay $0x3  }
0x94: {  	_ =	strace s3  }
0x95: {  	s3 =	sld [smem:$0x3FFD];
	_ =	sdelay $0x3  }
0x96: {  	_ =	strace s3  }
0x97: {  	_ =	strace $0x8FFFFFFF  }
0x98: {  	s19 =	sld [smem:$0x3FDB];
	_ =	sdelay $0x1  }
0x99: {  	s4 =	simm.s32 $_scs_section_size  }
0x9a: {  	s5 =	simm.s32 $_size__tile_overlayer_lowered;
	s6 =	simm.s32 $_tile_overlayer_lowered  }
0x9b: {  	s22 =	simm.s32 $0x1BFF;
	s21 =	sshll.u32 s6, $0x1;
	s3 =	sadd.s32 s4, s19  }
0x9c: {  	s7 =	simm.s32 $0x0;
	s20 =	sshll.u32 s5, $0x1;
	s5 =	sadd.s32 s21, s3  }
0x9d: {  	[timem:s7], [sflag:s22] =	dma.local [hbm:s5], s20  }
0x9e: {  	_ =	swait.ge [sflag:s22], s20  }
0x9f: {  	s4 =	ssub.s32 $0x0, s20;
	[sflag:s22] =	ssyncset.done $0x0  }
0xa0: {  	[sflag:s22] =	ssyncadd.s32 s4;
	_ =	sdelay $0x1  }
0xa1: {  	s23 =	simm.s32 $0x1B8B  }
0xa2: {  	_ =	swait.ge [sflag:s23], $0x1  }
0xa3: {  	[sflag:s23] =	ssyncset.done $0x0  }
0xa4: {  	s25 =	simm.s32 $0x1B8E;
	s24 =	sld [smem:$0x3FFE];
	[sflag:s23] =	ssyncadd.s32 $0xFFFFFFFF  }
0xa5: {  	s26 =	simm.s32 $execute0_lowered;
	[smem:$0x3FD2] =	sst s25  }
0xa6: {  	s5 =	sshll.u32 s26, $0x1;
	_ =	strace $0x80000046;
	[dreg:$0x1] =	wrdreg $0xFFFFFFFF  }
0xa7: {  	s28 =	simm.s32 $_size_execute0_lowered;
	s3 =	sadd.s32 s3, s5;
	[dreg:$0x0] =	wrdreg $0x0  }
0xa8: {  	s5 =	sshll.u32 s28, $0x1;
	[dreg:$0x2] =	wrdreg s3  }
0xa9: {  	[dreg:$0x3] =	wrdreg s5  }
0xaa: {  	[dreg:$0x4] =	wrdreg $0xC0  }
0xab: {  	_ =	task [dreg:s7], $0x5FFFF  }
0xac: {  	[dreg:$0x1] =	wrdreg $0xFFFFFFFF  }
0xad: {  	[dreg:$0x0] =	wrdreg $0x60  }
0xae: {  	[dreg:$0x2] =	wrdreg s24  }
0xaf: {  	[dreg:$0x3] =	wrdreg s2  }
0xb0: {  	[dreg:$0x4] =	wrdreg $0x9  }
0xb1: {  	_ =	task.clear_ibuf [dreg:s7], $0x5FFFF;
	_ =	strace $0x90000046  }
0xb2: {  	s29 =	simm.s32 $0x9;
	_ =	strace $0x80000048  }
0xb3: {  	_ =	swait.ge [sflag:s29], $0x1  }
0xb4: {  	[sflag:s29] =	ssyncadd.s32 $0xFFFFFFFF  }
0xb5: {  	_ =	strace $0x90000048  }
0xb6: {  	_ =	sfence  }
0xb7: {  	s30 =	sld [smem:$0x0];
	_ =	sdelay $0x2  }
0xb8: {  	s31 =	sshll.u32 s1, $0xD;
	s1 =	sshrl.u32 s1, $0x2  }
0xb9: {  	s3 =	sand.u32 $0x4000, s31;
	s1 =	sadd.s32 s1, s30  }
0xba: {  	s0 =	sor.u32 s3, s0;
	s1 =	sshll.u32 s1, $0x11  }
0xbb: {  	s0 =	sor.u32 s1, s0  }
0xbc: {  	s0 =	sadd.s32 $0x8F2B, s0  }
0xbd: {  	[sflag:s0] =	ssyncadd.remote.s32 $0x1  }
0xbe: {  	_ =	sfence.sel $0xFFFF  }
0xbf: {  	[dreg:$0x0] =	wrdreg $0xFFFFFFFF;
	(pc) =	sbr.abs _section_cstart, $3  }
0xc0: {  	[dreg:$0x1] =	wrdreg $0xFFFFFFFF  }
0xc1: {  	_ =	task.clear_ibuf [dreg:s7], $0x2FFFF;
	_ =	strace $0x9FFFFFFF  }
0xc2: {  	(tm) =	ssettm $0x7FFFFFFF  }
0xc3: {  	_ =	shalt  }
tec
execute0_lowered:
.L_overlay_start_1:
0x0: {  	(tag) =	ssettag $0x1  }
0x1: {  	s0 =	srdreg.scid  }
0x2: {  	s1 =	rddreg [dreg:$0x0];
	s24 =	stileid.u32  }
0x3: {  	s2 =	rddreg [dreg:$0x1];
	s13 =	simm.s32 $0x5;
	s14 =	simm.s32 $0x70  }
0x4: {  	s15 =	simm.s32 $0x1C0;
	s16 =	simm.s32 $0x8C0;
	s17 =	simm.s32 $0xE0  }
0x5: {  	s18 =	simm.s32 $0xFC0;
	s19 =	simm.s32 $0x150;
	s20 =	simm.s32 $0x16C0  }
0x6: {  	s21 =	simm.s32 $0x1;
	s22 =	simm.s32 $0x2;
	s23 =	simm.s32 $0x3  }
0x7: {  	s3 =	sand.u32 $0x1, s0;
	s5 =	smul.u32 $0x620, s24;
	[dreg:$0x5] =	wrdreg s2  }
0x8: {  	s2 =	simm.s32 $0x0;
	s25 =	sadd.s32 $0xA600, s1;
	s7 =	smul.u32 $0xC40, s24  }
0x9: {  	s28 =	sadd.s32 $0x9600, s1;
	s24 =	simm.s32 $0x4;
	s4 =	smul.u32 $0x6200, s3  }
0xa: {  	[smem:$0x7FF] =	sst s2;
	s26 =	smul.u32 $0xC400, s3;
	s3 =	ssub.s32 $0x2, s3  }
0xb: {  	_ =	strace $0x80000047;
	[dreg:$0x3] =	wrdreg s25;
	s6 =	sshrl.u32 s3, $0x1  }
0xc: {  	[dreg:$0x4] =	wrdreg s28;
	s25 =	simm.s32 $0x0;
	s4 =	sadd.s32 s5, s4  }
0xd: {  	s29 =	sadd.s32 s26, s1;
	s30 =	ssub.s32 s3, s6;
	s4 =	sshrl.u32 s4, $0x3  }
0xe: {  	s3 =	sadd.s32 $0xA800, s1;
	s31 =	sadd.s32 s7, s29;
	s12 =	sadd.s32 s4, s1  }
0xf: {  	s4 =	smax.u32 s30, $0x1;
	s5 =	sadd.s32 $0xAA00, s31;
	s6 =	sadd.s32 $0x23200, s31  }
0x10: {  	s7 =	sadd.s32 $0x3BA00, s31;
	s8 =	sadd.s32 $0x54200, s31;
	s9 =	sadd.s32 $0x6200, s12  }
0x11: {  	s10 =	sadd.s32 $0x7C00, s12;
	s11 =	sadd.s32 $0x2E00, s12;
	s12 =	sadd.s32 $0x4800, s12  }
.LBB2_1:
0x12: {  	[tilespmem:s2], [sflag:$0x5] =	stream.linear.gather [hbm4b:s12+s2], $0x70, $0x38;
	[tilespmem:$0x1DC0] =	vst v63  }
0x13: {  	_ =	swait.ge [sflag:s13], $0x70  }
0x14: {  	[sflag:s13] =	ssyncset.done $0x0  }
0x15: {  	s1 =	rddreg [dreg:$0x3];
	[sflag:s13] =	ssyncadd.s32 $0xFFFFFF90  }
0x16: {  	[tilespmem:s15], [sflag:$0x1] =	stream.indirect.gather [hbm4b:s1+s14], $0x10, s2, s14, $0xb8;
	[tilespmem:$0x1DC0] =	vst v63  }
0x17: {  	_ = 	snop  }
0x18: {  	[tilespmem:s14], [sflag:$0x5] =	stream.linear.gather [hbm4b:s11+s2], $0x70, $0x38;
	[tilespmem:$0x1DC0] =	vst v63  }
0x19: {  	_ =	swait.ge [sflag:s13], $0x70  }
0x1a: {  	[sflag:s13] =	ssyncset.done $0x0  }
0x1b: {  	s0 =	rddreg [dreg:$0x4];
	[sflag:s13] =	ssyncadd.s32 $0xFFFFFF90  }
0x1c: {  	[tilespmem:s16], [sflag:$0x2] =	stream.indirect.gather [hbm4b:s0+s14], $0x10, s14, s14, $0xb8;
	[tilespmem:$0x1DC0] =	vst v63  }
0x1d: {  	_ = 	snop  }
0x1e: {  	[tilespmem:s17], [sflag:$0x5] =	stream.linear.gather [hbm4b:s10+s2], $0x70, $0x38;
	[tilespmem:$0x1DC0] =	vst v63  }
0x1f: {  	_ =	swait.ge [sflag:s13], $0x70  }
0x20: {  	[sflag:s13] =	ssyncset.done $0x0  }
0x21: {  	s26 =	rddreg [dreg:$0x5];
	[sflag:s13] =	ssyncadd.s32 $0xFFFFFF90  }
0x22: {  	[tilespmem:s18], [sflag:$0x3] =	stream.indirect.gather [hbm4b:s26+s14], $0x10, s17, s14, $0xb8;
	[tilespmem:$0x1DC0] =	vst v63  }
0x23: {  	_ = 	snop  }
0x24: {  	[tilespmem:s19], [sflag:$0x5] =	stream.linear.gather [hbm4b:s9+s2], $0x70, $0x38;
	[tilespmem:$0x1DC0] =	vst v63  }
0x25: {  	_ =	swait.ge [sflag:s13], $0x70  }
0x26: {  	[sflag:s13] =	ssyncset.done $0x0  }
0x27: {  	[sflag:s13] =	ssyncadd.s32 $0xFFFFFF90  }
0x28: {  	[tilespmem:s20], [sflag:$0x4] =	stream.indirect.gather [hbm4b:s3+s14], $0x10, s19, s14, $0xb8;
	[tilespmem:$0x1DC0] =	vst v63  }
0x29: {  	_ =	swait.ge [sflag:s21], $0x700  }
0x2a: {  	[sflag:s21] =	ssyncset.done $0x0  }
0x2b: {  	s0 =	sadd.s32 $0x0, s8;
	[sflag:s21] =	ssyncadd.s32 $0xFFFFF900  }
0x2c: {  	[hbm4b:s0+s2] =	stream.linear.scatter [tilespmem:s15], [sflag:$0x5], $0x700, $0x38;
	[tilespmem:$0x1DC0] =	vst v63  }
0x2d: {  	_ =	swait.ge [sflag:s13], $0x700  }
0x2e: {  	[sflag:s13] =	ssyncset.done $0x0  }
0x2f: {  	[sflag:s13] =	ssyncadd.s32 $0xFFFFF900  }
0x30: {  	_ =	swait.ge [sflag:s22], $0x700  }
0x31: {  	[sflag:s22] =	ssyncset.done $0x0  }
0x32: {  	s26 =	sadd.s32 $0x0, s7;
	[sflag:s22] =	ssyncadd.s32 $0xFFFFF900  }
0x33: {  	[hbm4b:s26+s2] =	stream.linear.scatter [tilespmem:s16], [sflag:$0x5], $0x700, $0x38;
	[tilespmem:$0x1DC0] =	vst v63  }
0x34: {  	_ =	swait.ge [sflag:s13], $0x700  }
0x35: {  	[sflag:s13] =	ssyncset.done $0x0  }
0x36: {  	[sflag:s13] =	ssyncadd.s32 $0xFFFFF900  }
0x37: {  	_ =	swait.ge [sflag:s23], $0x700  }
0x38: {  	[sflag:s23] =	ssyncset.done $0x0  }
0x39: {  	s0 =	sadd.s32 $0x0, s6;
	[sflag:s23] =	ssyncadd.s32 $0xFFFFF900  }
0x3a: {  	[hbm4b:s0+s2] =	stream.linear.scatter [tilespmem:s18], [sflag:$0x5], $0x700, $0x38;
	[tilespmem:$0x1DC0] =	vst v63  }
0x3b: {  	_ =	swait.ge [sflag:s13], $0x700  }
0x3c: {  	[sflag:s13] =	ssyncset.done $0x0  }
0x3d: {  	[sflag:s13] =	ssyncadd.s32 $0xFFFFF900  }
0x3e: {  	_ =	swait.ge [sflag:s24], $0x700  }
0x3f: {  	[sflag:s24] =	ssyncset.done $0x0  }
0x40: {  	s28 =	sadd.s32 $0xE, s11;
	s26 =	sadd.s32 $0x0, s5;
	[sflag:s24] =	ssyncadd.s32 $0xFFFFF900  }
0x41: {  	[hbm4b:s26+s2] =	stream.linear.scatter [tilespmem:s20], [sflag:$0x5], $0x700, $0x38;
	[tilespmem:$0x1DC0] =	vst v63  }
0x42: {  	s29 =	sadd.s32 $0xE, s12;
	s30 =	smov.u32 s9;
	_ =	swait.ge [sflag:s13], $0x700  }
0x43: {  	s31 =	smov.u32 s10;
	s26 =	simm.s32 $0xE0;
	[sflag:s13] =	ssyncset.done $0x0  }
.LBB2_2:
0x44: {  	[sflag:s13] =	ssyncadd.s32 $0xFFFFF900  }
0x45: {  	[tilespmem:s2], [sflag:$0x5] =	stream.linear.gather [hbm4b:s29+s2], $0x70, $0x38;
	[tilespmem:$0x1DC0] =	vst v63  }
0x46: {  	_ =	swait.ge [sflag:s13], $0x70  }
0x47: {  	[sflag:s13] =	ssyncset.done $0x0  }
0x48: {  	s0 =	rddreg [dreg:$0x3];
	[sflag:s13] =	ssyncadd.s32 $0xFFFFFF90  }
0x49: {  	[tilespmem:s15], [sflag:$0x1] =	stream.indirect.gather [hbm4b:s0+s14], $0x10, s2, s14, $0xb8;
	[tilespmem:$0x1DC0] =	vst v63  }
0x4a: {  	_ = 	snop  }
0x4b: {  	[tilespmem:s14], [sflag:$0x5] =	stream.linear.gather [hbm4b:s28+s2], $0x70, $0x38;
	[tilespmem:$0x1DC0] =	vst v63  }
0x4c: {  	_ =	swait.ge [sflag:s13], $0x70  }
0x4d: {  	[sflag:s13] =	ssyncset.done $0x0  }
0x4e: {  	s0 =	rddreg [dreg:$0x4];
	[sflag:s13] =	ssyncadd.s32 $0xFFFFFF90  }
0x4f: {  	[tilespmem:s16], [sflag:$0x2] =	stream.indirect.gather [hbm4b:s0+s14], $0x10, s14, s14, $0xb8;
	[tilespmem:$0x1DC0] =	vst v63  }
0x50: {  	s31 =	sadd.s32 $0xE, s31  }
0x51: {  	[tilespmem:s17], [sflag:$0x5] =	stream.linear.gather [hbm4b:s31+s2], $0x70, $0x38;
	[tilespmem:$0x1DC0] =	vst v63  }
0x52: {  	_ =	swait.ge [sflag:s13], $0x70  }
0x53: {  	[sflag:s13] =	ssyncset.done $0x0  }
0x54: {  	s0 =	rddreg [dreg:$0x5];
	[sflag:s13] =	ssyncadd.s32 $0xFFFFFF90  }
0x55: {  	[tilespmem:s18], [sflag:$0x3] =	stream.indirect.gather [hbm4b:s0+s14], $0x10, s17, s14, $0xb8;
	[tilespmem:$0x1DC0] =	vst v63  }
0x56: {  	s30 =	sadd.s32 $0xE, s30  }
0x57: {  	[tilespmem:s19], [sflag:$0x5] =	stream.linear.gather [hbm4b:s30+s2], $0x70, $0x38;
	[tilespmem:$0x1DC0] =	vst v63  }
0x58: {  	_ =	swait.ge [sflag:s13], $0x70  }
0x59: {  	[sflag:s13] =	ssyncset.done $0x0  }
0x5a: {  	[sflag:s13] =	ssyncadd.s32 $0xFFFFFF90  }
0x5b: {  	[tilespmem:s20], [sflag:$0x4] =	stream.indirect.gather [hbm4b:s3+s14], $0x10, s19, s14, $0xb8;
	[tilespmem:$0x1DC0] =	vst v63  }
0x5c: {  	_ =	swait.ge [sflag:s21], $0x700  }
0x5d: {  	s1 =	smov.u32 s26;
	[sflag:s21] =	ssyncset.done $0x0  }
0x5e: {  	s0 =	sadd.s32 s1, s8;
	[sflag:s21] =	ssyncadd.s32 $0xFFFFF900  }
0x5f: {  	[hbm4b:s0+s2] =	stream.linear.scatter [tilespmem:s15], [sflag:$0x5], $0x700, $0x38;
	[tilespmem:$0x1DC0] =	vst v63  }
0x60: {  	_ =	swait.ge [sflag:s13], $0x700  }
0x61: {  	[sflag:s13] =	ssyncset.done $0x0  }
0x62: {  	[sflag:s13] =	ssyncadd.s32 $0xFFFFF900  }
0x63: {  	_ =	swait.ge [sflag:s22], $0x700  }
0x64: {  	[sflag:s22] =	ssyncset.done $0x0  }
0x65: {  	s0 =	sadd.s32 s1, s7;
	[sflag:s22] =	ssyncadd.s32 $0xFFFFF900  }
0x66: {  	[hbm4b:s0+s2] =	stream.linear.scatter [tilespmem:s16], [sflag:$0x5], $0x700, $0x38;
	[tilespmem:$0x1DC0] =	vst v63  }
0x67: {  	_ =	swait.ge [sflag:s13], $0x700  }
0x68: {  	[sflag:s13] =	ssyncset.done $0x0  }
0x69: {  	[sflag:s13] =	ssyncadd.s32 $0xFFFFF900  }
0x6a: {  	_ =	swait.ge [sflag:s23], $0x700  }
0x6b: {  	[sflag:s23] =	ssyncset.done $0x0  }
0x6c: {  	s0 =	sadd.s32 s1, s6;
	[sflag:s23] =	ssyncadd.s32 $0xFFFFF900  }
0x6d: {  	[hbm4b:s0+s2] =	stream.linear.scatter [tilespmem:s18], [sflag:$0x5], $0x700, $0x38;
	[tilespmem:$0x1DC0] =	vst v63  }
0x6e: {  	_ =	swait.ge [sflag:s13], $0x700  }
0x6f: {  	[sflag:s13] =	ssyncset.done $0x0  }
0x70: {  	[sflag:s13] =	ssyncadd.s32 $0xFFFFF900  }
0x71: {  	p0 =	sne.s32 s26, $0xB60;
	_ =	swait.ge [sflag:s24], $0x700  }
.Ltmp0:
0x72: {  	[sflag:s24] =	ssyncset.done $0x0;
	(pc) =	sbr.rel @p0 .LBB2_2-.Ltmp0, $4  }
0x73: {  	s1 =	sadd.s32 s1, s5;
	[sflag:s24] =	ssyncadd.s32 $0xFFFFF900  }
0x74: {  	[hbm4b:s1+s2] =	stream.linear.scatter [tilespmem:s20], [sflag:$0x5], $0x700, $0x38;
	[tilespmem:$0x1DC0] =	vst v63  }
0x75: {  	s26 =	sadd.s32 $0xE0, s26;
	_ =	swait.ge [sflag:s13], $0x700  }
0x76: {  	s29 =	sadd.s32 $0xE, s29;
	s28 =	sadd.s32 $0xE, s28;
	[sflag:s13] =	ssyncset.done $0x0  }
0x77: {  	s25 =	sadd.s32 $0x1, s25  }
0x78: {  	p0 =	sne.s32 s25, s4  }
.Ltmp1:
0x79: {  	_ = 	snop;
	(pc) =	sbr.rel @p0 .LBB2_1-.Ltmp1, $2  }
0x7a: {  	_ =	sdelay $0x2  }
0x7b: {  	[sflag:s13] =	ssyncadd.s32 $0xFFFFF900  }
0x7c: {  	_ =	sfence.sel $0x180000  }
0x7d: {  	[bflag:$0x0] =	sbarrier.arrive $0xFFFF  }
0x7e: {  	_ =	strace $0x90000047  }
0x7f: {  	s0 =	stileid.u32;
	[bflag:$0x2] =	sbarrier.arrive $0xFFFF  }
0x80: {  	p0 =	sne.s32 s0, $0x0;
	s0 =	rddreg [dreg:$0x2]  }
0x81: {  	s0 =	sadd.s32 @!p0 $0x100000, s0  }
0x82: {  	[sflag:s0] =	ssyncadd.tile.s32 @!p0 $0x1;
	_ =	shalt  }
.Lfunc_end2:
_tile_overlayer_lowered:
.L_overlay_start_2:
0x83: {  	(tag) =	ssettag $0x2  }
0x84: {  	s0 =	rddreg [dreg:$0x0];
	s2 =	stileid.u32  }
0x85: {  	s1 =	rddreg [dreg:$0x1];
	p0 =	sne.s32 s2, $0x0  }
0x86: {  	s3 =	rddreg [dreg:$0x2];
	[bflag:$0x3] =	sbarrier.arrive $0xFFFF;
	s2 =	simm.s32 @!p0 $0x1C05  }
0x87: {  	[timem:s3], [sflag:s2] =	dma.local @!p0 [hbm:s0], s1  }
0x88: {  	s0 =	simm.s32 @!p0 $0x5  }
0x89: {  	_ =	swait.ge @!p0 [sflag:s0], s1  }
0x8a: {  	s1 =	ssub.s32 @!p0 $0x0, s1;
	[sflag:s0] =	ssyncset.done @!p0 $0x0  }
0x8b: {  	[sflag:s0] =	ssyncadd.s32 @!p0 s1  }
0x8c: {  	[bflag:$0x3] =	sbarrier.arrive $0xFFFF  }
0x8d: {  	_ =	shalt  }

</sc_bundles>
